<compile_context>
chip_gen: v7x
topology: tpu7x:2x2x1
jax: 0.10.2.dev20260603
libtpu: 0.0.44.dev20260713+nightly
codegen_flags: <defaults>
</compile_context>

<pallas_src>
import functools

import jax
import jax.numpy as jnp
from jax import lax
from jax.experimental import pallas as pl
from jax.experimental.pallas import tpu as pltpu
from jax.experimental.pallas import tpu_sc as plsc

N = 10000
E = 160000
D = 256
SW = 4
NSL = D // SW
NC = 2
NS = 16
NW = NC * NS
SUB = NSL // NW
EPAD = 163840
SB = 2048
NB = EPAD // SB
NP = 10112
DUMP = 10000
CNP = 10240
CSTR = CNP // NW
BM = 1000
L = 16



def _seg_body(tab_h, src_h, dst_h, sums, cnt_out,
              table, acc, cnt, src_st, dst_st, isem):
    c = lax.axis_index("c")
    s = lax.axis_index("s")
    wid = s * NC + c

    iota = lax.iota(jnp.int32, L)
    zv = jnp.zeros((L,), jnp.float32)
    ov = jnp.ones((L,), jnp.float32)
    row4 = iota // SW
    col4 = iota % SW
    qvs = [jnp.full((L,), q, jnp.int32) for q in range(SW)]

    def zc(i, carry):
        cnt[pl.ds(i * L, L)] = zv
        return carry
    lax.fori_loop(0, CNP // L, zc, 0)

    for h in range(SUB):
        sl = h * NW + wid
        pltpu.sync_copy(tab_h.at[sl], table)

        def za(i, carry):
            acc[pl.ds(i * L, L)] = zv
            return carry
        lax.fori_loop(0, NP * SW // L, za, 0)

        pltpu.async_copy(src_h.at[pl.ds(0, SB)], src_st.at[0], isem)
        pltpu.async_copy(dst_h.at[pl.ds(0, SB)], dst_st.at[0], isem)

        def blk_step(b, carry):
            p = lax.rem(b, 2)
            pltpu.make_async_copy(src_h.at[pl.ds(0, SB)], src_st.at[p], isem).wait()
            pltpu.make_async_copy(dst_h.at[pl.ds(0, SB)], dst_st.at[p], isem).wait()

            @pl.when(b + 1 < NB)
            def _():
                off = pl.multiple_of((b + 1) * SB, 8)
                pltpu.async_copy(src_h.at[pl.ds(off, SB)], src_st.at[1 - p], isem)
                pltpu.async_copy(dst_h.at[pl.ds(off, SB)], dst_st.at[1 - p], isem)

            def group_step(g, carry2):
                srcv = src_st[p, pl.ds(g * L, L)]
                dstv = dst_st[p, pl.ds(g * L, L)]
                srcb = srcv * SW
                dstb = dstv * SW
                for q in range(SW):
                    vals = plsc.load_gather(table, [srcb + qvs[q]])
                    plsc.addupdate_scatter(acc, [dstb + qvs[q]], vals)
                if h == 0:
                    plsc.addupdate_scatter(cnt, [dstv], ov)
                return carry2

            lax.fori_loop(0, SB // L, group_step, 0)
            return carry

        lax.fori_loop(0, NB, blk_step, 0)

        pltpu.sync_copy(acc, sums.at[sl])

    cs = pl.ds(wid * CSTR, CSTR)
    pltpu.sync_copy(cnt.at[cs], cnt_out.at[cs])


def _make_seg_sum():
    f32 = jnp.float32
    out_type = [jax.ShapeDtypeStruct((NSL, NP * SW), f32),
                jax.ShapeDtypeStruct((CNP,), f32)]
    scratch = [
        pltpu.VMEM((N * SW,), f32),
        pltpu.VMEM((NP * SW,), f32),
        pltpu.VMEM((CNP,), f32),
        pltpu.VMEM((2, SB), jnp.int32),
        pltpu.VMEM((2, SB), jnp.int32),
        pltpu.SemaphoreType.DMA,
    ]
    mesh = plsc.VectorSubcoreMesh(core_axis_name="c", subcore_axis_name="s",
                                  num_cores=NC, num_subcores=NS)
    return pl.kernel(_seg_body, out_type=out_type, mesh=mesh,
                     scratch_types=scratch,
                     compiler_params=pltpu.CompilerParams(needs_layout_passes=False))



def _lin_body(x_ref, cnt_ref, w_ref, b_ref, o_ref):
    inv = 1.0 / jnp.maximum(cnt_ref[...][:, 0:1], 1.0)
    x = x_ref[...] * inv
    y = jnp.dot(x, w_ref[...], preferred_element_type=jnp.float32)
    o_ref[...] = jnp.maximum(y + b_ref[...], 0.0)


def _lin_layer(x, cnt, w, b):
    return pl.pallas_call(
        _lin_body,
        grid=(N // BM,),
        in_specs=[pl.BlockSpec((BM, D), lambda i: (i, 0)),
                  pl.BlockSpec((BM, 8), lambda i: (i, 0)),
                  pl.BlockSpec((D, D), lambda i: (0, 0)),
                  pl.BlockSpec((1, D), lambda i: (0, 0))],
        out_specs=pl.BlockSpec((BM, D), lambda i: (i, 0)),
        out_shape=jax.ShapeDtypeStruct((N, D), jnp.float32),
    )(x, cnt, w, b.reshape(1, D))



def _pad_flat(idx, fill):
    pad = jnp.full((EPAD - E,), fill, dtype=idx.dtype)
    return jnp.concatenate([idx, pad])


def _to_slivers(m):
    return m.reshape(N, NSL, SW).transpose(1, 0, 2).reshape(NSL, N * SW)


def _from_slivers(s):
    return s.reshape(NSL, NP, SW).transpose(1, 0, 2).reshape(NP, D)[:N]


def kernel(inputs, edge_index, W_in, b_in, W_mid, b_mid, W_out, b_out):
    news = _pad_flat(edge_index[0], DUMP)
    news_s = _pad_flat(edge_index[0], 0)
    stock = _pad_flat(edge_index[1], DUMP)
    stock_s = _pad_flat(edge_index[1], 0)

    ones8 = jnp.ones((N, 8), jnp.float32)
    seg = _make_seg_sum()

    m = _lin_layer(inputs, ones8, W_in, b_in)
    s1, cnt1 = seg(_to_slivers(m), stock_s, news)
    cnt1b = jnp.broadcast_to(cnt1[:N, None], (N, 8))
    c = _lin_layer(_from_slivers(s1), cnt1b, W_mid, b_mid)
    s2, cnt2 = seg(_to_slivers(c), news_s, stock)
    cnt2b = jnp.broadcast_to(cnt2[:N, None], (N, 8))
    out = _lin_layer(_from_slivers(s2), cnt2b, W_out, b_out)
    return out

# --- scband reference (transcript-rebuilt; emitter-appended) ---
"""Pipeline reference for scband-gcnn-90555090469155 (READ-ONLY COPY).

The authoritative reference and input builder live on the scoring server;
editing this copy changes nothing except your own understanding.
"""

import jax, jax.numpy as jnp
import numpy as np

N_STOCKS = 10000
N_NEWS = 10000
E = 160000
D_IN = 256
D_HID = 256
D_OUT = 256

def setup_inputs(seed: int = 0) -> dict:
    key = jax.random.key(seed)
    ks = jax.random.split(key, 8)
    inputs = jax.random.normal(ks[0], (N_STOCKS, D_IN), dtype=jnp.float32)
    edge_index = jax.random.randint(ks[1], (2, E), 0, N_STOCKS, dtype=jnp.int32)
    # learned params (torch nn.Linear equivalents, stored as (in, out))
    W_in = jax.random.normal(ks[2], (D_IN, D_HID), dtype=jnp.float32) / np.sqrt(D_IN)
    b_in = jnp.zeros((D_HID,), dtype=jnp.float32)
    W_mid = jax.random.normal(ks[3], (D_HID, D_HID), dtype=jnp.float32) / np.sqrt(D_HID)
    b_mid = jnp.zeros((D_HID,), dtype=jnp.float32)
    W_out = jax.random.normal(ks[4], (D_HID, D_OUT), dtype=jnp.float32) / np.sqrt(D_HID)
    b_out = jnp.zeros((D_OUT,), dtype=jnp.float32)
    return {"inputs": inputs, "edge_index": edge_index, "W_in": W_in, "b_in": b_in,
            "W_mid": W_mid, "b_mid": b_mid, "W_out": W_out, "b_out": b_out}

def _segment_mean(vals, seg_ids, num_segments):
    summed = jax.ops.segment_sum(vals, seg_ids, num_segments=num_segments)
    cnt = jax.ops.segment_sum(jnp.ones((vals.shape[0],), dtype=vals.dtype), seg_ids, num_segments=num_segments)
    return summed / jnp.clip(cnt, 1.0)[:, None]

def reference(inputs, edge_index, W_in, b_in, W_mid, b_mid, W_out, b_out):
    stocks_len = inputs.shape[0]
    batch_size = stocks_len // N_STOCKS
    news_len = batch_size * N_NEWS
    news_idx = edge_index[0]   # indices into news nodes
    stock_idx = edge_index[1]  # indices into stock nodes
    # in_layer: Linear + ReLU
    m = jax.nn.relu(inputs @ W_in + b_in)
    # stock -> news propagation with back_edge = flip(edge_index):
    # src = stocks (edge_index[1]), dst = news (edge_index[0]), aggr='mean'
    center_agg = _segment_mean(jnp.take(m, stock_idx, axis=0), news_idx, news_len)
    # mid_layer
    center_m = jax.nn.relu(center_agg @ W_mid + b_mid)
    # news -> stock propagation with edge_index: src = news (edge_index[0]), dst = stocks (edge_index[1])
    m2 = _segment_mean(jnp.take(center_m, news_idx, axis=0), stock_idx, stocks_len)
    # out_layer
    out = jax.nn.relu(m2 @ W_out + b_out)
    return out

if __name__ == "__main__":
    import jax
    _d = setup_inputs()
    print(jax.jit(kernel)(*tuple(_d.values())))

</pallas_src>

<mosaic_0001>
#map = affine_map<(d0, d1) -> (0, 0)>
#map1 = affine_map<(d0, d1) -> (0)>
module attributes {stable_mosaic.version = 14 : i64} {
  func.func @_seg_body(%arg0: i32, %arg1: i32, %arg2: memref<64x40000xf32, #tpu.memory_space<hbm>>, %arg3: memref<163840xi32, #tpu.memory_space<hbm>>, %arg4: memref<163840xi32, #tpu.memory_space<hbm>>, %arg5: memref<64x40448xf32, #tpu.memory_space<hbm>>, %arg6: memref<10240xf32, #tpu.memory_space<hbm>>, %arg7: memref<40000xf32, #tpu.memory_space<vmem>>, %arg8: memref<40448xf32, #tpu.memory_space<vmem>>, %arg9: memref<10240xf32, #tpu.memory_space<vmem>>, %arg10: memref<2x2048xi32, #tpu.memory_space<vmem>>, %arg11: memref<2x2048xi32, #tpu.memory_space<vmem>>, %arg12: memref<!tpu.dma_semaphore, #tpu.memory_space<semaphore_mem>>) attributes {dimension_semantics = [#tpu.dimension_semantics<core_parallel>, #tpu.dimension_semantics<subcore_parallel>], iteration_bounds = array<i64: 2, 16>, scalar_prefetch = 0 : i64, scratch_operands = 6 : i64, tpu.core_type = #tpu.core_type<sc_vector_subcore>, window_params = [{transform_indices = #map}, {transform_indices = #map1}, {transform_indices = #map1}, {transform_indices = #map}, {transform_indices = #map1}]} {
    %mul3A = arith.constant 2 : i32
    %mul3A_0 = arith.muli %arg1, %mul3A : i32
    %add3A = arith.addi %mul3A_0, %arg0 : i32
    %iota3A = tpu.iota {dimensions = array<i32: 0>} : vector<16xi32>
    %broadcast_in_dim3A = arith.constant 0.000000e+00 : f32
    %broadcast_in_dim3A_1 = vector.broadcast %broadcast_in_dim3A : f32 to vector<16xf32>
    %broadcast_in_dim3A_2 = arith.constant 1.000000e+00 : f32
    %broadcast_in_dim3A_3 = vector.broadcast %broadcast_in_dim3A_2 : f32 to vector<16xf32>
    %jit3A = arith.constant 4 : i32
    %div3A = vector.broadcast %jit3A : i32 to vector<16xi32>
    %div3A_4 = arith.divsi %iota3A, %div3A : vector<16xi32>
    %sign3A = arith.constant 0 : i32
    %sign3A_5 = vector.broadcast %sign3A : i32 to vector<16xi32>
    %sign3A_6 = arith.cmpi sgt, %iota3A, %sign3A_5 : vector<16xi32>
    %sign3A_7 = arith.extui %sign3A_6 : vector<16xi1> to vector<16xi32>
    %sign3A_8 = arith.constant 0 : i32
    %sign3A_9 = vector.broadcast %sign3A_8 : i32 to vector<16xi32>
    %sign3A_10 = arith.cmpi slt, %iota3A, %sign3A_9 : vector<16xi32>
    %sign3A_11 = arith.extui %sign3A_10 : vector<16xi1> to vector<16xi32>
    %sign3A_12 = arith.subi %sign3A_7, %sign3A_11 : vector<16xi32>
    %sign3A_13 = arith.constant 0 : i32
    %sign3A_14 = arith.cmpi sgt, %jit3A, %sign3A_13 : i32
    %sign3A_15 = arith.extui %sign3A_14 : i1 to i32
    %sign3A_16 = arith.constant 0 : i32
    %sign3A_17 = arith.cmpi slt, %jit3A, %sign3A_16 : i32
    %sign3A_18 = arith.extui %sign3A_17 : i1 to i32
    %sign3A_19 = arith.subi %sign3A_15, %sign3A_18 : i32
    %ne3A = vector.broadcast %sign3A_19 : i32 to vector<16xi32>
    %ne3A_20 = arith.cmpi ne, %sign3A_12, %ne3A : vector<16xi32>
    %rem3A = vector.broadcast %jit3A : i32 to vector<16xi32>
    %rem3A_21 = arith.remsi %iota3A, %rem3A : vector<16xi32>
    %ne3A_22 = arith.constant 0 : i32
    %ne3A_23 = vector.broadcast %ne3A_22 : i32 to vector<16xi32>
    %ne3A_24 = arith.cmpi ne, %rem3A_21, %ne3A_23 : vector<16xi32>
    %and3A = arith.andi %ne3A_20, %ne3A_24 : vector<16xi1>
    %sub3A = arith.constant 1 : i32
    %sub3A_25 = vector.broadcast %sub3A : i32 to vector<16xi32>
    %sub3A_26 = arith.subi %div3A_4, %sub3A_25 : vector<16xi32>
    %select_n3A = arith.select %and3A, %sub3A_26, %div3A_4 : vector<16xi1>, vector<16xi32>
    %jit3A_27 = arith.constant 4 : i32
    %eq3A = arith.constant 0 : i32
    %eq3A_28 = arith.cmpi eq, %jit3A_27, %eq3A : i32
    %jit3A_29 = arith.constant 1 : i32
    %select_n3A_30 = arith.select %eq3A_28, %jit3A_29, %jit3A_27 : i32
    %rem3A_31 = vector.broadcast %select_n3A_30 : i32 to vector<16xi32>
    %rem3A_32 = arith.remsi %iota3A, %rem3A_31 : vector<16xi32>
    %ne3A_33 = arith.constant 0 : i32
    %ne3A_34 = vector.broadcast %ne3A_33 : i32 to vector<16xi32>
    %ne3A_35 = arith.cmpi ne, %rem3A_32, %ne3A_34 : vector<16xi32>
    %lt3A = arith.constant 0 : i32
    %lt3A_36 = vector.broadcast %lt3A : i32 to vector<16xi32>
    %lt3A_37 = arith.cmpi slt, %rem3A_32, %lt3A_36 : vector<16xi32>
    %lt3A_38 = arith.constant 0 : i32
    %lt3A_39 = arith.cmpi slt, %select_n3A_30, %lt3A_38 : i32
    %ne3A_40 = vector.broadcast %lt3A_39 : i1 to vector<16xi1>
    %ne3A_41 = vector.broadcast %ne3A_40 : vector<16xi1> to vector<16xi1>
    %ne3A_42 = arith.xori %lt3A_37, %ne3A_41 : vector<16xi1>
    %and3A_43 = arith.andi %ne3A_42, %ne3A_35 : vector<16xi1>
    %add3A_44 = vector.broadcast %select_n3A_30 : i32 to vector<16xi32>
    %add3A_45 = arith.addi %rem3A_32, %add3A_44 : vector<16xi32>
    %select_n3A_46 = arith.select %and3A_43, %add3A_45, %rem3A_32 : vector<16xi1>, vector<16xi32>
    %broadcast_in_dim3A_47 = arith.constant 0 : i32
    %broadcast_in_dim3A_48 = vector.broadcast %broadcast_in_dim3A_47 : i32 to vector<16xi32>
    %broadcast_in_dim3A_49 = arith.constant 1 : i32
    %broadcast_in_dim3A_50 = vector.broadcast %broadcast_in_dim3A_49 : i32 to vector<16xi32>
    %broadcast_in_dim3A_51 = arith.constant 2 : i32
    %broadcast_in_dim3A_52 = vector.broadcast %broadcast_in_dim3A_51 : i32 to vector<16xi32>
    %broadcast_in_dim3A_53 = arith.constant 3 : i32
    %broadcast_in_dim3A_54 = vector.broadcast %broadcast_in_dim3A_53 : i32 to vector<16xi32>
    %scan3A = arith.constant 0 : i32
    %scan3A_55 = arith.constant 0 : i32
    %scan3A_56 = arith.constant 640 : i32
    %scan3A_57 = arith.addi %scan3A_55, %scan3A_56 : i32
    %scan3A_58 = arith.constant 1 : i32
    scf.for %scan3A_133 = %scan3A_55 to %scan3A_57 step %scan3A_58  : i32 {
      %mul3A_134 = arith.constant 16 : i32
      %mul3A_135 = arith.muli %scan3A_133, %mul3A_134 : i32
      %swap3A = arith.index_cast %mul3A_135 : i32 to index
      %swap3A_136 = tpu.vector_load %arg9[%swap3A] {strides = array<i32>} : memref<10240xf32, #tpu.memory_space<vmem>>, vector<16xf32>,
      tpu.vector_store %arg9[%swap3A], %broadcast_in_dim3A_1 {strides = array<i32>} : memref<10240xf32, #tpu.memory_space<vmem>>, vector<16xf32>,
    }
    %scan3A_59 = arith.constant 640 : i32
    %add3A_60 = arith.constant 0 : i32
    %add3A_61 = arith.addi %add3A_60, %add3A : i32
    "tpu.region"() ({
      %run_scoped3A = tpu.sem_alloc : memref<!tpu.dma_semaphore, #tpu.memory_space<semaphore_mem>>
      %dma_start3A_133 = arith.constant 0 : i32
      %dma_start3A_134 = tpu.memref_slice %arg2[%add3A_61, %dma_start3A_133] : memref<64x40000xf32, #tpu.memory_space<hbm>> -> memref<1x40000xf32, #tpu.memory_space<hbm>>
      %dma_start3A_135 = tpu.memref_squeeze %dma_start3A_134 : memref<1x40000xf32, #tpu.memory_space<hbm>> -> memref<40000xf32, #tpu.memory_space<hbm>>
      %dma_start3A_136 = arith.constant 0 : i32
      %dma_start3A_137 = tpu.memref_slice %arg2[%add3A_61, %dma_start3A_136] : memref<64x40000xf32, #tpu.memory_space<hbm>> -> memref<1x40000xf32, #tpu.memory_space<hbm>>
      %dma_start3A_138 = tpu.memref_squeeze %dma_start3A_137 : memref<1x40000xf32, #tpu.memory_space<hbm>> -> memref<40000xf32, #tpu.memory_space<hbm>>
      tpu.enqueue_dma source(%dma_start3A_138 : memref<40000xf32, #tpu.memory_space<hbm>>) target(%arg7 : memref<40000xf32, #tpu.memory_space<vmem>>) target_semaphore(%run_scoped3A : memref<!tpu.dma_semaphore, #tpu.memory_space<semaphore_mem>>)
      %dma_wait3A = arith.constant 0 : i32
      %dma_wait3A_139 = tpu.memref_slice %arg2[%add3A_61, %dma_wait3A] : memref<64x40000xf32, #tpu.memory_space<hbm>> -> memref<1x40000xf32, #tpu.memory_space<hbm>>
      %dma_wait3A_140 = tpu.memref_squeeze %dma_wait3A_139 : memref<1x40000xf32, #tpu.memory_space<hbm>> -> memref<40000xf32, #tpu.memory_space<hbm>>
      %dma_wait3A_141 = arith.constant 0 : i32
      %dma_wait3A_142 = tpu.memref_slice %arg2[%add3A_61, %dma_wait3A_141] : memref<64x40000xf32, #tpu.memory_space<hbm>> -> memref<1x40000xf32, #tpu.memory_space<hbm>>
      %dma_wait3A_143 = tpu.memref_squeeze %dma_wait3A_142 : memref<1x40000xf32, #tpu.memory_space<hbm>> -> memref<40000xf32, #tpu.memory_space<hbm>>
      tpu.wait_dma2 semaphore(%run_scoped3A : memref<!tpu.dma_semaphore, #tpu.memory_space<semaphore_mem>>) src(%dma_wait3A_143 : memref<40000xf32, #tpu.memory_space<hbm>>) dst(%arg7 : memref<40000xf32, #tpu.memory_space<vmem>>)
      tpu.yield
    }) : () -> ()
    %scan3A_62 = arith.constant 0 : i32
    %scan3A_63 = arith.constant 0 : i32
    %scan3A_64 = arith.constant 2528 : i32
    %scan3A_65 = arith.addi %scan3A_63, %scan3A_64 : i32
    %scan3A_66 = arith.constant 1 : i32
    scf.for %scan3A_133 = %scan3A_63 to %scan3A_65 step %scan3A_66  : i32 {
      %mul3A_134 = arith.constant 16 : i32
      %mul3A_135 = arith.muli %scan3A_133, %mul3A_134 : i32
      %swap3A = arith.index_cast %mul3A_135 : i32 to index
      %swap3A_136 = tpu.vector_load %arg8[%swap3A] {strides = array<i32>} : memref<40448xf32, #tpu.memory_space<vmem>>, vector<16xf32>,
      tpu.vector_store %arg8[%swap3A], %broadcast_in_dim3A_1 {strides = array<i32>} : memref<40448xf32, #tpu.memory_space<vmem>>, vector<16xf32>,
    }
    %scan3A_67 = arith.constant 2528 : i32
    %dma_start3A = arith.constant 0 : i32
    %dma_start3A_68 = arith.constant 0 : i32
    %dma_start3A_69 = tpu.memref_slice %arg10[%dma_start3A, %dma_start3A_68] : memref<2x2048xi32, #tpu.memory_space<vmem>> -> memref<1x2048xi32, #tpu.memory_space<vmem>>
    %dma_start3A_70 = tpu.memref_squeeze %dma_start3A_69 : memref<1x2048xi32, #tpu.memory_space<vmem>> -> memref<2048xi32, #tpu.memory_space<vmem>>
    %dma_start3A_71 = arith.constant 0 : i32
    %dma_start3A_72 = tpu.memref_slice %arg3[%dma_start3A_71] : memref<163840xi32, #tpu.memory_space<hbm>> -> memref<2048xi32, #tpu.memory_space<hbm>>
    %dma_start3A_73 = arith.constant 0 : i32
    %dma_start3A_74 = tpu.memref_slice %arg10[%dma_start3A, %dma_start3A_73] : memref<2x2048xi32, #tpu.memory_space<vmem>> -> memref<1x2048xi32, #tpu.memory_space<vmem>>
    %dma_start3A_75 = tpu.memref_squeeze %dma_start3A_74 : memref<1x2048xi32, #tpu.memory_space<vmem>> -> memref<2048xi32, #tpu.memory_space<vmem>>
    %dma_start3A_76 = arith.constant 0 : i32
    %dma_start3A_77 = tpu.memref_slice %arg3[%dma_start3A_76] : memref<163840xi32, #tpu.memory_space<hbm>> -> memref<2048xi32, #tpu.memory_space<hbm>>
    tpu.enqueue_dma source(%dma_start3A_77 : memref<2048xi32, #tpu.memory_space<hbm>>) target(%dma_start3A_75 : memref<2048xi32, #tpu.memory_space<vmem>>) target_semaphore(%arg12 : memref<!tpu.dma_semaphore, #tpu.memory_space<semaphore_mem>>)
    %dma_start3A_78 = arith.constant 0 : i32
    %dma_start3A_79 = arith.constant 0 : i32
    %dma_start3A_80 = tpu.memref_slice %arg11[%dma_start3A_78, %dma_start3A_79] : memref<2x2048xi32, #tpu.memory_space<vmem>> -> memref<1x2048xi32, #tpu.memory_space<vmem>>
    %dma_start3A_81 = tpu.memref_squeeze %dma_start3A_80 : memref<1x2048xi32, #tpu.memory_space<vmem>> -> memref<2048xi32, #tpu.memory_space<vmem>>
    %dma_start3A_82 = arith.constant 0 : i32
    %dma_start3A_83 = tpu.memref_slice %arg4[%dma_start3A_82] : memref<163840xi32, #tpu.memory_space<hbm>> -> memref<2048xi32, #tpu.memory_space<hbm>>
    %dma_start3A_84 = arith.constant 0 : i32
    %dma_start3A_85 = tpu.memref_slice %arg11[%dma_start3A_78, %dma_start3A_84] : memref<2x2048xi32, #tpu.memory_space<vmem>> -> memref<1x2048xi32, #tpu.memory_space<vmem>>
    %dma_start3A_86 = tpu.memref_squeeze %dma_start3A_85 : memref<1x2048xi32, #tpu.memory_space<vmem>> -> memref<2048xi32, #tpu.memory_space<vmem>>
    %dma_start3A_87 = arith.constant 0 : i32
    %dma_start3A_88 = tpu.memref_slice %arg4[%dma_start3A_87] : memref<163840xi32, #tpu.memory_space<hbm>> -> memref<2048xi32, #tpu.memory_space<hbm>>
    tpu.enqueue_dma source(%dma_start3A_88 : memref<2048xi32, #tpu.memory_space<hbm>>) target(%dma_start3A_86 : memref<2048xi32, #tpu.memory_space<vmem>>) target_semaphore(%arg12 : memref<!tpu.dma_semaphore, #tpu.memory_space<semaphore_mem>>)
    %scan3A_89 = arith.constant 0 : i32
    %scan3A_90 = arith.constant 0 : i32
    %scan3A_91 = arith.constant 80 : i32
    %scan3A_92 = arith.addi %scan3A_90, %scan3A_91 : i32
    %scan3A_93 = arith.constant 1 : i32
    scf.for %scan3A_133 = %scan3A_90 to %scan3A_92 step %scan3A_93  : i32 {
      %rem3A_134 = arith.constant 2 : i32
      %rem3A_135 = arith.remsi %scan3A_133, %rem3A_134 : i32
      %dma_wait3A = arith.constant 0 : i32
      %dma_wait3A_136 = tpu.memref_slice %arg10[%rem3A_135, %dma_wait3A] : memref<2x2048xi32, #tpu.memory_space<vmem>> -> memref<1x2048xi32, #tpu.memory_space<vmem>>
      %dma_wait3A_137 = tpu.memref_squeeze %dma_wait3A_136 : memref<1x2048xi32, #tpu.memory_space<vmem>> -> memref<2048xi32, #tpu.memory_space<vmem>>
      %dma_wait3A_138 = arith.constant 0 : i32
      %dma_wait3A_139 = tpu.memref_slice %arg3[%dma_wait3A_138] : memref<163840xi32, #tpu.memory_space<hbm>> -> memref<2048xi32, #tpu.memory_space<hbm>>
      %dma_wait3A_140 = arith.constant 0 : i32
      %dma_wait3A_141 = tpu.memref_slice %arg10[%rem3A_135, %dma_wait3A_140] : memref<2x2048xi32, #tpu.memory_space<vmem>> -> memref<1x2048xi32, #tpu.memory_space<vmem>>
      %dma_wait3A_142 = tpu.memref_squeeze %dma_wait3A_141 : memref<1x2048xi32, #tpu.memory_space<vmem>> -> memref<2048xi32, #tpu.memory_space<vmem>>
      %dma_wait3A_143 = arith.constant 0 : i32
      %dma_wait3A_144 = tpu.memref_slice %arg3[%dma_wait3A_143] : memref<163840xi32, #tpu.memory_space<hbm>> -> memref<2048xi32, #tpu.memory_space<hbm>>
      tpu.wait_dma2 semaphore(%arg12 : memref<!tpu.dma_semaphore, #tpu.memory_space<semaphore_mem>>) src(%dma_wait3A_144 : memref<2048xi32, #tpu.memory_space<hbm>>) dst(%dma_wait3A_142 : memref<2048xi32, #tpu.memory_space<vmem>>)
      %dma_wait3A_145 = arith.constant 0 : i32
      %dma_wait3A_146 = tpu.memref_slice %arg11[%rem3A_135, %dma_wait3A_145] : memref<2x2048xi32, #tpu.memory_space<vmem>> -> memref<1x2048xi32, #tpu.memory_space<vmem>>
      %dma_wait3A_147 = tpu.memref_squeeze %dma_wait3A_146 : memref<1x2048xi32, #tpu.memory_space<vmem>> -> memref<2048xi32, #tpu.memory_space<vmem>>
      %dma_wait3A_148 = arith.constant 0 : i32
      %dma_wait3A_149 = tpu.memref_slice %arg4[%dma_wait3A_148] : memref<163840xi32, #tpu.memory_space<hbm>> -> memref<2048xi32, #tpu.memory_space<hbm>>
      %dma_wait3A_150 = arith.constant 0 : i32
      %dma_wait3A_151 = tpu.memref_slice %arg11[%rem3A_135, %dma_wait3A_150] : memref<2x2048xi32, #tpu.memory_space<vmem>> -> memref<1x2048xi32, #tpu.memory_space<vmem>>
      %dma_wait3A_152 = tpu.memref_squeeze %dma_wait3A_151 : memref<1x2048xi32, #tpu.memory_space<vmem>> -> memref<2048xi32, #tpu.memory_space<vmem>>
      %dma_wait3A_153 = arith.constant 0 : i32
      %dma_wait3A_154 = tpu.memref_slice %arg4[%dma_wait3A_153] : memref<163840xi32, #tpu.memory_space<hbm>> -> memref<2048xi32, #tpu.memory_space<hbm>>
      tpu.wait_dma2 semaphore(%arg12 : memref<!tpu.dma_semaphore, #tpu.memory_space<semaphore_mem>>) src(%dma_wait3A_154 : memref<2048xi32, #tpu.memory_space<hbm>>) dst(%dma_wait3A_152 : memref<2048xi32, #tpu.memory_space<vmem>>)
      %add3A_155 = arith.constant 1 : i32
      %add3A_156 = arith.addi %scan3A_133, %add3A_155 : i32
      %lt3A_157 = arith.constant 80 : i32
      %lt3A_158 = arith.cmpi slt, %add3A_156, %lt3A_157 : i32
      %convert_element_type3A = arith.extui %lt3A_158 : i1 to i32
      %cond3A = arith.constant 0 : i32
      %cond3A_159 = arith.cmpi ne, %convert_element_type3A, %cond3A : i32
      scf.if %cond3A_159 {
        %add3A_166 = arith.constant 1 : i32
        %add3A_167 = arith.addi %scan3A_133, %add3A_166 : i32
        %mul3A_168 = arith.constant 2048 : i32
        %mul3A_169 = arith.muli %add3A_167, %mul3A_168 : i32
        %multiple_of3A = tpu.assume_multiple %mul3A_169, 8 : i32
        %sub3A_170 = arith.constant 1 : i32
        %sub3A_171 = arith.subi %sub3A_170, %rem3A_135 : i32
        %dma_start3A_172 = arith.constant 0 : i32
        %dma_start3A_173 = tpu.memref_slice %arg10[%sub3A_171, %dma_start3A_172] : memref<2x2048xi32, #tpu.memory_space<vmem>> -> memref<1x2048xi32, #tpu.memory_space<vmem>>
        %dma_start3A_174 = tpu.memref_squeeze %dma_start3A_173 : memref<1x2048xi32, #tpu.memory_space<vmem>> -> memref<2048xi32, #tpu.memory_space<vmem>>
        %dma_start3A_175 = tpu.memref_slice %arg3[%multiple_of3A] : memref<163840xi32, #tpu.memory_space<hbm>> -> memref<2048xi32, #tpu.memory_space<hbm>>
        %dma_start3A_176 = arith.constant 0 : i32
        %dma_start3A_177 = tpu.memref_slice %arg10[%sub3A_171, %dma_start3A_176] : memref<2x2048xi32, #tpu.memory_space<vmem>> -> memref<1x2048xi32, #tpu.memory_space<vmem>>
        %dma_start3A_178 = tpu.memref_squeeze %dma_start3A_177 : memref<1x2048xi32, #tpu.memory_space<vmem>> -> memref<2048xi32, #tpu.memory_space<vmem>>
        %dma_start3A_179 = tpu.memref_slice %arg3[%multiple_of3A] : memref<163840xi32, #tpu.memory_space<hbm>> -> memref<2048xi32, #tpu.memory_space<hbm>>
        tpu.enqueue_dma source(%dma_start3A_179 : memref<2048xi32, #tpu.memory_space<hbm>>) target(%dma_start3A_178 : memref<2048xi32, #tpu.memory_space<vmem>>) target_semaphore(%arg12 : memref<!tpu.dma_semaphore, #tpu.memory_space<semaphore_mem>>)
        %sub3A_180 = arith.constant 1 : i32
        %sub3A_181 = arith.subi %sub3A_180, %rem3A_135 : i32
        %dma_start3A_182 = arith.constant 0 : i32
        %dma_start3A_183 = tpu.memref_slice %arg11[%sub3A_181, %dma_start3A_182] : memref<2x2048xi32, #tpu.memory_space<vmem>> -> memref<1x2048xi32, #tpu.memory_space<vmem>>
        %dma_start3A_184 = tpu.memref_squeeze %dma_start3A_183 : memref<1x2048xi32, #tpu.memory_space<vmem>> -> memref<2048xi32, #tpu.memory_space<vmem>>
        %dma_start3A_185 = tpu.memref_slice %arg4[%multiple_of3A] : memref<163840xi32, #tpu.memory_space<hbm>> -> memref<2048xi32, #tpu.memory_space<hbm>>
        %dma_start3A_186 = arith.constant 0 : i32
        %dma_start3A_187 = tpu.memref_slice %arg11[%sub3A_181, %dma_start3A_186] : memref<2x2048xi32, #tpu.memory_space<vmem>> -> memref<1x2048xi32, #tpu.memory_space<vmem>>
        %dma_start3A_188 = tpu.memref_squeeze %dma_start3A_187 : memref<1x2048xi32, #tpu.memory_space<vmem>> -> memref<2048xi32, #tpu.memory_space<vmem>>
        %dma_start3A_189 = tpu.memref_slice %arg4[%multiple_of3A] : memref<163840xi32, #tpu.memory_space<hbm>> -> memref<2048xi32, #tpu.memory_space<hbm>>
        tpu.enqueue_dma source(%dma_start3A_189 : memref<2048xi32, #tpu.memory_space<hbm>>) target(%dma_start3A_188 : memref<2048xi32, #tpu.memory_space<vmem>>) target_semaphore(%arg12 : memref<!tpu.dma_semaphore, #tpu.memory_space<semaphore_mem>>)
      } else {
      }
      %scan3A_160 = arith.constant 0 : i32
      %scan3A_161 = arith.constant 0 : i32
      %scan3A_162 = arith.constant 128 : i32
      %scan3A_163 = arith.addi %scan3A_161, %scan3A_162 : i32
      %scan3A_164 = arith.constant 1 : i32
      scf.for %scan3A_166 = %scan3A_161 to %scan3A_163 step %scan3A_164  : i32 {
        %mul3A_167 = arith.constant 16 : i32
        %mul3A_168 = arith.muli %scan3A_166, %mul3A_167 : i32
        %get3A = arith.index_cast %rem3A_135 : i32 to index
        %get3A_169 = arith.index_cast %mul3A_168 : i32 to index
        %get3A_170 = tpu.vector_load %arg10[%get3A, %get3A_169] {strides = array<i32>} : memref<2x2048xi32, #tpu.memory_space<vmem>>, vector<16xi32>,
        %mul3A_171 = arith.constant 16 : i32
        %mul3A_172 = arith.muli %scan3A_166, %mul3A_171 : i32
        %get3A_173 = arith.index_cast %rem3A_135 : i32 to index
        %get3A_174 = arith.index_cast %mul3A_172 : i32 to index
        %get3A_175 = tpu.vector_load %arg11[%get3A_173, %get3A_174] {strides = array<i32>} : memref<2x2048xi32, #tpu.memory_space<vmem>>, vector<16xi32>,
        %mul3A_176 = arith.constant 4 : i32
        %mul3A_177 = vector.broadcast %mul3A_176 : i32 to vector<16xi32>
        %mul3A_178 = arith.muli %get3A_170, %mul3A_177 : vector<16xi32>
        %mul3A_179 = arith.constant 4 : i32
        %mul3A_180 = vector.broadcast %mul3A_179 : i32 to vector<16xi32>
        %mul3A_181 = arith.muli %get3A_175, %mul3A_180 : vector<16xi32>
        %add3A_182 = arith.addi %mul3A_178, %broadcast_in_dim3A_48 : vector<16xi32>
        %gather3A = tpu.vector_load_idx %arg7[%add3A_182] : memref<40000xf32, #tpu.memory_space<vmem>>[vector<16xi32>], vector<16xf32>,
        %add3A_183 = arith.addi %mul3A_181, %broadcast_in_dim3A_48 : vector<16xi32>
        tpu.vector_store_idx %arg8[%add3A_183], %gather3A {add = true} : memref<40448xf32, #tpu.memory_space<vmem>>[vector<16xi32>], vector<16xf32>,
        %add3A_184 = arith.addi %mul3A_178, %broadcast_in_dim3A_50 : vector<16xi32>
        %gather3A_185 = tpu.vector_load_idx %arg7[%add3A_184] : memref<40000xf32, #tpu.memory_space<vmem>>[vector<16xi32>], vector<16xf32>,
        %add3A_186 = arith.addi %mul3A_181, %broadcast_in_dim3A_50 : vector<16xi32>
        tpu.vector_store_idx %arg8[%add3A_186], %gather3A_185 {add = true} : memref<40448xf32, #tpu.memory_space<vmem>>[vector<16xi32>], vector<16xf32>,
        %add3A_187 = arith.addi %mul3A_178, %broadcast_in_dim3A_52 : vector<16xi32>
        %gather3A_188 = tpu.vector_load_idx %arg7[%add3A_187] : memref<40000xf32, #tpu.memory_space<vmem>>[vector<16xi32>], vector<16xf32>,
        %add3A_189 = arith.addi %mul3A_181, %broadcast_in_dim3A_52 : vector<16xi32>
        tpu.vector_store_idx %arg8[%add3A_189], %gather3A_188 {add = true} : memref<40448xf32, #tpu.memory_space<vmem>>[vector<16xi32>], vector<16xf32>,
        %add3A_190 = arith.addi %mul3A_178, %broadcast_in_dim3A_54 : vector<16xi32>
        %gather3A_191 = tpu.vector_load_idx %arg7[%add3A_190] : memref<40000xf32, #tpu.memory_space<vmem>>[vector<16xi32>], vector<16xf32>,
        %add3A_192 = arith.addi %mul3A_181, %broadcast_in_dim3A_54 : vector<16xi32>
        tpu.vector_store_idx %arg8[%add3A_192], %gather3A_191 {add = true} : memref<40448xf32, #tpu.memory_space<vmem>>[vector<16xi32>], vector<16xf32>,
        tpu.vector_store_idx %arg9[%get3A_175], %broadcast_in_dim3A_3 {add = true} : memref<10240xf32, #tpu.memory_space<vmem>>[vector<16xi32>], vector<16xf32>,
      }
      %scan3A_165 = arith.constant 128 : i32
    }
    %scan3A_94 = arith.constant 80 : i32
    "tpu.region"() ({
      %run_scoped3A = tpu.sem_alloc : memref<!tpu.dma_semaphore, #tpu.memory_space<semaphore_mem>>
      %dma_start3A_133 = arith.constant 0 : i32
      %dma_start3A_134 = tpu.memref_slice %arg5[%add3A_61, %dma_start3A_133] : memref<64x40448xf32, #tpu.memory_space<hbm>> -> memref<1x40448xf32, #tpu.memory_space<hbm>>
      %dma_start3A_135 = tpu.memref_squeeze %dma_start3A_134 : memref<1x40448xf32, #tpu.memory_space<hbm>> -> memref<40448xf32, #tpu.memory_space<hbm>>
      %dma_start3A_136 = arith.constant 0 : i32
      %dma_start3A_137 = tpu.memref_slice %arg5[%add3A_61, %dma_start3A_136] : memref<64x40448xf32, #tpu.memory_space<hbm>> -> memref<1x40448xf32, #tpu.memory_space<hbm>>
      %dma_start3A_138 = tpu.memref_squeeze %dma_start3A_137 : memref<1x40448xf32, #tpu.memory_space<hbm>> -> memref<40448xf32, #tpu.memory_space<hbm>>
      tpu.enqueue_dma source(%arg8 : memref<40448xf32, #tpu.memory_space<vmem>>) target(%dma_start3A_138 : memref<40448xf32, #tpu.memory_space<hbm>>) target_semaphore(%run_scoped3A : memref<!tpu.dma_semaphore, #tpu.memory_space<semaphore_mem>>)
      %dma_wait3A = arith.constant 0 : i32
      %dma_wait3A_139 = tpu.memref_slice %arg5[%add3A_61, %dma_wait3A] : memref<64x40448xf32, #tpu.memory_space<hbm>> -> memref<1x40448xf32, #tpu.memory_space<hbm>>
      %dma_wait3A_140 = tpu.memref_squeeze %dma_wait3A_139 : memref<1x40448xf32, #tpu.memory_space<hbm>> -> memref<40448xf32, #tpu.memory_space<hbm>>
      %dma_wait3A_141 = arith.constant 0 : i32
      %dma_wait3A_142 = tpu.memref_slice %arg5[%add3A_61, %dma_wait3A_141] : memref<64x40448xf32, #tpu.memory_space<hbm>> -> memref<1x40448xf32, #tpu.memory_space<hbm>>
      %dma_wait3A_143 = tpu.memref_squeeze %dma_wait3A_142 : memref<1x40448xf32, #tpu.memory_space<hbm>> -> memref<40448xf32, #tpu.memory_space<hbm>>
      tpu.wait_dma2 semaphore(%run_scoped3A : memref<!tpu.dma_semaphore, #tpu.memory_space<semaphore_mem>>) src(%arg8 : memref<40448xf32, #tpu.memory_space<vmem>>) dst(%dma_wait3A_143 : memref<40448xf32, #tpu.memory_space<hbm>>)
      tpu.yield
    }) : () -> ()
    %add3A_95 = arith.constant 32 : i32
    %add3A_96 = arith.addi %add3A_95, %add3A : i32
    "tpu.region"() ({
      %run_scoped3A = tpu.sem_alloc : memref<!tpu.dma_semaphore, #tpu.memory_space<semaphore_mem>>
      %dma_start3A_133 = arith.constant 0 : i32
      %dma_start3A_134 = tpu.memref_slice %arg2[%add3A_96, %dma_start3A_133] : memref<64x40000xf32, #tpu.memory_space<hbm>> -> memref<1x40000xf32, #tpu.memory_space<hbm>>
      %dma_start3A_135 = tpu.memref_squeeze %dma_start3A_134 : memref<1x40000xf32, #tpu.memory_space<hbm>> -> memref<40000xf32, #tpu.memory_space<hbm>>
      %dma_start3A_136 = arith.constant 0 : i32
      %dma_start3A_137 = tpu.memref_slice %arg2[%add3A_96, %dma_start3A_136] : memref<64x40000xf32, #tpu.memory_space<hbm>> -> memref<1x40000xf32, #tpu.memory_space<hbm>>
      %dma_start3A_138 = tpu.memref_squeeze %dma_start3A_137 : memref<1x40000xf32, #tpu.memory_space<hbm>> -> memref<40000xf32, #tpu.memory_space<hbm>>
      tpu.enqueue_dma source(%dma_start3A_138 : memref<40000xf32, #tpu.memory_space<hbm>>) target(%arg7 : memref<40000xf32, #tpu.memory_space<vmem>>) target_semaphore(%run_scoped3A : memref<!tpu.dma_semaphore, #tpu.memory_space<semaphore_mem>>)
      %dma_wait3A = arith.constant 0 : i32
      %dma_wait3A_139 = tpu.memref_slice %arg2[%add3A_96, %dma_wait3A] : memref<64x40000xf32, #tpu.memory_space<hbm>> -> memref<1x40000xf32, #tpu.memory_space<hbm>>
      %dma_wait3A_140 = tpu.memref_squeeze %dma_wait3A_139 : memref<1x40000xf32, #tpu.memory_space<hbm>> -> memref<40000xf32, #tpu.memory_space<hbm>>
      %dma_wait3A_141 = arith.constant 0 : i32
      %dma_wait3A_142 = tpu.memref_slice %arg2[%add3A_96, %dma_wait3A_141] : memref<64x40000xf32, #tpu.memory_space<hbm>> -> memref<1x40000xf32, #tpu.memory_space<hbm>>
      %dma_wait3A_143 = tpu.memref_squeeze %dma_wait3A_142 : memref<1x40000xf32, #tpu.memory_space<hbm>> -> memref<40000xf32, #tpu.memory_space<hbm>>
      tpu.wait_dma2 semaphore(%run_scoped3A : memref<!tpu.dma_semaphore, #tpu.memory_space<semaphore_mem>>) src(%dma_wait3A_143 : memref<40000xf32, #tpu.memory_space<hbm>>) dst(%arg7 : memref<40000xf32, #tpu.memory_space<vmem>>)
      tpu.yield
    }) : () -> ()
    %scan3A_97 = arith.constant 0 : i32
    %scan3A_98 = arith.constant 0 : i32
    %scan3A_99 = arith.constant 2528 : i32
    %scan3A_100 = arith.addi %scan3A_98, %scan3A_99 : i32
    %scan3A_101 = arith.constant 1 : i32
    scf.for %scan3A_133 = %scan3A_98 to %scan3A_100 step %scan3A_101  : i32 {
      %mul3A_134 = arith.constant 16 : i32
      %mul3A_135 = arith.muli %scan3A_133, %mul3A_134 : i32
      %swap3A = arith.index_cast %mul3A_135 : i32 to index
      %swap3A_136 = tpu.vector_load %arg8[%swap3A] {strides = array<i32>} : memref<40448xf32, #tpu.memory_space<vmem>>, vector<16xf32>,
      tpu.vector_store %arg8[%swap3A], %broadcast_in_dim3A_1 {strides = array<i32>} : memref<40448xf32, #tpu.memory_space<vmem>>, vector<16xf32>,
    }
    %scan3A_102 = arith.constant 2528 : i32
    %dma_start3A_103 = arith.constant 0 : i32
    %dma_start3A_104 = arith.constant 0 : i32
    %dma_start3A_105 = tpu.memref_slice %arg10[%dma_start3A_103, %dma_start3A_104] : memref<2x2048xi32, #tpu.memory_space<vmem>> -> memref<1x2048xi32, #tpu.memory_space<vmem>>
    %dma_start3A_106 = tpu.memref_squeeze %dma_start3A_105 : memref<1x2048xi32, #tpu.memory_space<vmem>> -> memref<2048xi32, #tpu.memory_space<vmem>>
    %dma_start3A_107 = arith.constant 0 : i32
    %dma_start3A_108 = tpu.memref_slice %arg3[%dma_start3A_107] : memref<163840xi32, #tpu.memory_space<hbm>> -> memref<2048xi32, #tpu.memory_space<hbm>>
    %dma_start3A_109 = arith.constant 0 : i32
    %dma_start3A_110 = tpu.memref_slice %arg10[%dma_start3A_103, %dma_start3A_109] : memref<2x2048xi32, #tpu.memory_space<vmem>> -> memref<1x2048xi32, #tpu.memory_space<vmem>>
    %dma_start3A_111 = tpu.memref_squeeze %dma_start3A_110 : memref<1x2048xi32, #tpu.memory_space<vmem>> -> memref<2048xi32, #tpu.memory_space<vmem>>
    %dma_start3A_112 = arith.constant 0 : i32
    %dma_start3A_113 = tpu.memref_slice %arg3[%dma_start3A_112] : memref<163840xi32, #tpu.memory_space<hbm>> -> memref<2048xi32, #tpu.memory_space<hbm>>
    tpu.enqueue_dma source(%dma_start3A_113 : memref<2048xi32, #tpu.memory_space<hbm>>) target(%dma_start3A_111 : memref<2048xi32, #tpu.memory_space<vmem>>) target_semaphore(%arg12 : memref<!tpu.dma_semaphore, #tpu.memory_space<semaphore_mem>>)
    %dma_start3A_114 = arith.constant 0 : i32
    %dma_start3A_115 = arith.constant 0 : i32
    %dma_start3A_116 = tpu.memref_slice %arg11[%dma_start3A_114, %dma_start3A_115] : memref<2x2048xi32, #tpu.memory_space<vmem>> -> memref<1x2048xi32, #tpu.memory_space<vmem>>
    %dma_start3A_117 = tpu.memref_squeeze %dma_start3A_116 : memref<1x2048xi32, #tpu.memory_space<vmem>> -> memref<2048xi32, #tpu.memory_space<vmem>>
    %dma_start3A_118 = arith.constant 0 : i32
    %dma_start3A_119 = tpu.memref_slice %arg4[%dma_start3A_118] : memref<163840xi32, #tpu.memory_space<hbm>> -> memref<2048xi32, #tpu.memory_space<hbm>>
    %dma_start3A_120 = arith.constant 0 : i32
    %dma_start3A_121 = tpu.memref_slice %arg11[%dma_start3A_114, %dma_start3A_120] : memref<2x2048xi32, #tpu.memory_space<vmem>> -> memref<1x2048xi32, #tpu.memory_space<vmem>>
    %dma_start3A_122 = tpu.memref_squeeze %dma_start3A_121 : memref<1x2048xi32, #tpu.memory_space<vmem>> -> memref<2048xi32, #tpu.memory_space<vmem>>
    %dma_start3A_123 = arith.constant 0 : i32
    %dma_start3A_124 = tpu.memref_slice %arg4[%dma_start3A_123] : memref<163840xi32, #tpu.memory_space<hbm>> -> memref<2048xi32, #tpu.memory_space<hbm>>
    tpu.enqueue_dma source(%dma_start3A_124 : memref<2048xi32, #tpu.memory_space<hbm>>) target(%dma_start3A_122 : memref<2048xi32, #tpu.memory_space<vmem>>) target_semaphore(%arg12 : memref<!tpu.dma_semaphore, #tpu.memory_space<semaphore_mem>>)
    %scan3A_125 = arith.constant 0 : i32
    %scan3A_126 = arith.constant 0 : i32
    %scan3A_127 = arith.constant 80 : i32
    %scan3A_128 = arith.addi %scan3A_126, %scan3A_127 : i32
    %scan3A_129 = arith.constant 1 : i32
    scf.for %scan3A_133 = %scan3A_126 to %scan3A_128 step %scan3A_129  : i32 {
      %rem3A_134 = arith.constant 2 : i32
      %rem3A_135 = arith.remsi %scan3A_133, %rem3A_134 : i32
      %dma_wait3A = arith.constant 0 : i32
      %dma_wait3A_136 = tpu.memref_slice %arg10[%rem3A_135, %dma_wait3A] : memref<2x2048xi32, #tpu.memory_space<vmem>> -> memref<1x2048xi32, #tpu.memory_space<vmem>>
      %dma_wait3A_137 = tpu.memref_squeeze %dma_wait3A_136 : memref<1x2048xi32, #tpu.memory_space<vmem>> -> memref<2048xi32, #tpu.memory_space<vmem>>
      %dma_wait3A_138 = arith.constant 0 : i32
      %dma_wait3A_139 = tpu.memref_slice %arg3[%dma_wait3A_138] : memref<163840xi32, #tpu.memory_space<hbm>> -> memref<2048xi32, #tpu.memory_space<hbm>>
      %dma_wait3A_140 = arith.constant 0 : i32
      %dma_wait3A_141 = tpu.memref_slice %arg10[%rem3A_135, %dma_wait3A_140] : memref<2x2048xi32, #tpu.memory_space<vmem>> -> memref<1x2048xi32, #tpu.memory_space<vmem>>
      %dma_wait3A_142 = tpu.memref_squeeze %dma_wait3A_141 : memref<1x2048xi32, #tpu.memory_space<vmem>> -> memref<2048xi32, #tpu.memory_space<vmem>>
      %dma_wait3A_143 = arith.constant 0 : i32
      %dma_wait3A_144 = tpu.memref_slice %arg3[%dma_wait3A_143] : memref<163840xi32, #tpu.memory_space<hbm>> -> memref<2048xi32, #tpu.memory_space<hbm>>
      tpu.wait_dma2 semaphore(%arg12 : memref<!tpu.dma_semaphore, #tpu.memory_space<semaphore_mem>>) src(%dma_wait3A_144 : memref<2048xi32, #tpu.memory_space<hbm>>) dst(%dma_wait3A_142 : memref<2048xi32, #tpu.memory_space<vmem>>)
      %dma_wait3A_145 = arith.constant 0 : i32
      %dma_wait3A_146 = tpu.memref_slice %arg11[%rem3A_135, %dma_wait3A_145] : memref<2x2048xi32, #tpu.memory_space<vmem>> -> memref<1x2048xi32, #tpu.memory_space<vmem>>
      %dma_wait3A_147 = tpu.memref_squeeze %dma_wait3A_146 : memref<1x2048xi32, #tpu.memory_space<vmem>> -> memref<2048xi32, #tpu.memory_space<vmem>>
      %dma_wait3A_148 = arith.constant 0 : i32
      %dma_wait3A_149 = tpu.memref_slice %arg4[%dma_wait3A_148] : memref<163840xi32, #tpu.memory_space<hbm>> -> memref<2048xi32, #tpu.memory_space<hbm>>
      %dma_wait3A_150 = arith.constant 0 : i32
      %dma_wait3A_151 = tpu.memref_slice %arg11[%rem3A_135, %dma_wait3A_150] : memref<2x2048xi32, #tpu.memory_space<vmem>> -> memref<1x2048xi32, #tpu.memory_space<vmem>>
      %dma_wait3A_152 = tpu.memref_squeeze %dma_wait3A_151 : memref<1x2048xi32, #tpu.memory_space<vmem>> -> memref<2048xi32, #tpu.memory_space<vmem>>
      %dma_wait3A_153 = arith.constant 0 : i32
      %dma_wait3A_154 = tpu.memref_slice %arg4[%dma_wait3A_153] : memref<163840xi32, #tpu.memory_space<hbm>> -> memref<2048xi32, #tpu.memory_space<hbm>>
      tpu.wait_dma2 semaphore(%arg12 : memref<!tpu.dma_semaphore, #tpu.memory_space<semaphore_mem>>) src(%dma_wait3A_154 : memref<2048xi32, #tpu.memory_space<hbm>>) dst(%dma_wait3A_152 : memref<2048xi32, #tpu.memory_space<vmem>>)
      %add3A_155 = arith.constant 1 : i32
      %add3A_156 = arith.addi %scan3A_133, %add3A_155 : i32
      %lt3A_157 = arith.constant 80 : i32
      %lt3A_158 = arith.cmpi slt, %add3A_156, %lt3A_157 : i32
      %convert_element_type3A = arith.extui %lt3A_158 : i1 to i32
      %cond3A = arith.constant 0 : i32
      %cond3A_159 = arith.cmpi ne, %convert_element_type3A, %cond3A : i32
      scf.if %cond3A_159 {
        %add3A_166 = arith.constant 1 : i32
        %add3A_167 = arith.addi %scan3A_133, %add3A_166 : i32
        %mul3A_168 = arith.constant 2048 : i32
        %mul3A_169 = arith.muli %add3A_167, %mul3A_168 : i32
        %multiple_of3A = tpu.assume_multiple %mul3A_169, 8 : i32
        %sub3A_170 = arith.constant 1 : i32
        %sub3A_171 = arith.subi %sub3A_170, %rem3A_135 : i32
        %dma_start3A_172 = arith.constant 0 : i32
        %dma_start3A_173 = tpu.memref_slice %arg10[%sub3A_171, %dma_start3A_172] : memref<2x2048xi32, #tpu.memory_space<vmem>> -> memref<1x2048xi32, #tpu.memory_space<vmem>>
        %dma_start3A_174 = tpu.memref_squeeze %dma_start3A_173 : memref<1x2048xi32, #tpu.memory_space<vmem>> -> memref<2048xi32, #tpu.memory_space<vmem>>
        %dma_start3A_175 = tpu.memref_slice %arg3[%multiple_of3A] : memref<163840xi32, #tpu.memory_space<hbm>> -> memref<2048xi32, #tpu.memory_space<hbm>>
        %dma_start3A_176 = arith.constant 0 : i32
        %dma_start3A_177 = tpu.memref_slice %arg10[%sub3A_171, %dma_start3A_176] : memref<2x2048xi32, #tpu.memory_space<vmem>> -> memref<1x2048xi32, #tpu.memory_space<vmem>>
        %dma_start3A_178 = tpu.memref_squeeze %dma_start3A_177 : memref<1x2048xi32, #tpu.memory_space<vmem>> -> memref<2048xi32, #tpu.memory_space<vmem>>
        %dma_start3A_179 = tpu.memref_slice %arg3[%multiple_of3A] : memref<163840xi32, #tpu.memory_space<hbm>> -> memref<2048xi32, #tpu.memory_space<hbm>>
        tpu.enqueue_dma source(%dma_start3A_179 : memref<2048xi32, #tpu.memory_space<hbm>>) target(%dma_start3A_178 : memref<2048xi32, #tpu.memory_space<vmem>>) target_semaphore(%arg12 : memref<!tpu.dma_semaphore, #tpu.memory_space<semaphore_mem>>)
        %sub3A_180 = arith.constant 1 : i32
        %sub3A_181 = arith.subi %sub3A_180, %rem3A_135 : i32
        %dma_start3A_182 = arith.constant 0 : i32
        %dma_start3A_183 = tpu.memref_slice %arg11[%sub3A_181, %dma_start3A_182] : memref<2x2048xi32, #tpu.memory_space<vmem>> -> memref<1x2048xi32, #tpu.memory_space<vmem>>
        %dma_start3A_184 = tpu.memref_squeeze %dma_start3A_183 : memref<1x2048xi32, #tpu.memory_space<vmem>> -> memref<2048xi32, #tpu.memory_space<vmem>>
        %dma_start3A_185 = tpu.memref_slice %arg4[%multiple_of3A] : memref<163840xi32, #tpu.memory_space<hbm>> -> memref<2048xi32, #tpu.memory_space<hbm>>
        %dma_start3A_186 = arith.constant 0 : i32
        %dma_start3A_187 = tpu.memref_slice %arg11[%sub3A_181, %dma_start3A_186] : memref<2x2048xi32, #tpu.memory_space<vmem>> -> memref<1x2048xi32, #tpu.memory_space<vmem>>
        %dma_start3A_188 = tpu.memref_squeeze %dma_start3A_187 : memref<1x2048xi32, #tpu.memory_space<vmem>> -> memref<2048xi32, #tpu.memory_space<vmem>>
        %dma_start3A_189 = tpu.memref_slice %arg4[%multiple_of3A] : memref<163840xi32, #tpu.memory_space<hbm>> -> memref<2048xi32, #tpu.memory_space<hbm>>
        tpu.enqueue_dma source(%dma_start3A_189 : memref<2048xi32, #tpu.memory_space<hbm>>) target(%dma_start3A_188 : memref<2048xi32, #tpu.memory_space<vmem>>) target_semaphore(%arg12 : memref<!tpu.dma_semaphore, #tpu.memory_space<semaphore_mem>>)
      } else {
      }
      %scan3A_160 = arith.constant 0 : i32
      %scan3A_161 = arith.constant 0 : i32
      %scan3A_162 = arith.constant 128 : i32
      %scan3A_163 = arith.addi %scan3A_161, %scan3A_162 : i32
      %scan3A_164 = arith.constant 1 : i32
      scf.for %scan3A_166 = %scan3A_161 to %scan3A_163 step %scan3A_164  : i32 {
        %mul3A_167 = arith.constant 16 : i32
        %mul3A_168 = arith.muli %scan3A_166, %mul3A_167 : i32
        %get3A = arith.index_cast %rem3A_135 : i32 to index
        %get3A_169 = arith.index_cast %mul3A_168 : i32 to index
        %get3A_170 = tpu.vector_load %arg10[%get3A, %get3A_169] {strides = array<i32>} : memref<2x2048xi32, #tpu.memory_space<vmem>>, vector<16xi32>,
        %mul3A_171 = arith.constant 16 : i32
        %mul3A_172 = arith.muli %scan3A_166, %mul3A_171 : i32
        %get3A_173 = arith.index_cast %rem3A_135 : i32 to index
        %get3A_174 = arith.index_cast %mul3A_172 : i32 to index
        %get3A_175 = tpu.vector_load %arg11[%get3A_173, %get3A_174] {strides = array<i32>} : memref<2x2048xi32, #tpu.memory_space<vmem>>, vector<16xi32>,
        %mul3A_176 = arith.constant 4 : i32
        %mul3A_177 = vector.broadcast %mul3A_176 : i32 to vector<16xi32>
        %mul3A_178 = arith.muli %get3A_170, %mul3A_177 : vector<16xi32>
        %mul3A_179 = arith.constant 4 : i32
        %mul3A_180 = vector.broadcast %mul3A_179 : i32 to vector<16xi32>
        %mul3A_181 = arith.muli %get3A_175, %mul3A_180 : vector<16xi32>
        %add3A_182 = arith.addi %mul3A_178, %broadcast_in_dim3A_48 : vector<16xi32>
        %gather3A = tpu.vector_load_idx %arg7[%add3A_182] : memref<40000xf32, #tpu.memory_space<vmem>>[vector<16xi32>], vector<16xf32>,
        %add3A_183 = arith.addi %mul3A_181, %broadcast_in_dim3A_48 : vector<16xi32>
        tpu.vector_store_idx %arg8[%add3A_183], %gather3A {add = true} : memref<40448xf32, #tpu.memory_space<vmem>>[vector<16xi32>], vector<16xf32>,
        %add3A_184 = arith.addi %mul3A_178, %broadcast_in_dim3A_50 : vector<16xi32>
        %gather3A_185 = tpu.vector_load_idx %arg7[%add3A_184] : memref<40000xf32, #tpu.memory_space<vmem>>[vector<16xi32>], vector<16xf32>,
        %add3A_186 = arith.addi %mul3A_181, %broadcast_in_dim3A_50 : vector<16xi32>
        tpu.vector_store_idx %arg8[%add3A_186], %gather3A_185 {add = true} : memref<40448xf32, #tpu.memory_space<vmem>>[vector<16xi32>], vector<16xf32>,
        %add3A_187 = arith.addi %mul3A_178, %broadcast_in_dim3A_52 : vector<16xi32>
        %gather3A_188 = tpu.vector_load_idx %arg7[%add3A_187] : memref<40000xf32, #tpu.memory_space<vmem>>[vector<16xi32>], vector<16xf32>,
        %add3A_189 = arith.addi %mul3A_181, %broadcast_in_dim3A_52 : vector<16xi32>
        tpu.vector_store_idx %arg8[%add3A_189], %gather3A_188 {add = true} : memref<40448xf32, #tpu.memory_space<vmem>>[vector<16xi32>], vector<16xf32>,
        %add3A_190 = arith.addi %mul3A_178, %broadcast_in_dim3A_54 : vector<16xi32>
        %gather3A_191 = tpu.vector_load_idx %arg7[%add3A_190] : memref<40000xf32, #tpu.memory_space<vmem>>[vector<16xi32>], vector<16xf32>,
        %add3A_192 = arith.addi %mul3A_181, %broadcast_in_dim3A_54 : vector<16xi32>
        tpu.vector_store_idx %arg8[%add3A_192], %gather3A_191 {add = true} : memref<40448xf32, #tpu.memory_space<vmem>>[vector<16xi32>], vector<16xf32>,
      }
      %scan3A_165 = arith.constant 128 : i32
    }
    %scan3A_130 = arith.constant 80 : i32
    "tpu.region"() ({
      %run_scoped3A = tpu.sem_alloc : memref<!tpu.dma_semaphore, #tpu.memory_space<semaphore_mem>>
      %dma_start3A_133 = arith.constant 0 : i32
      %dma_start3A_134 = tpu.memref_slice %arg5[%add3A_96, %dma_start3A_133] : memref<64x40448xf32, #tpu.memory_space<hbm>> -> memref<1x40448xf32, #tpu.memory_space<hbm>>
      %dma_start3A_135 = tpu.memref_squeeze %dma_start3A_134 : memref<1x40448xf32, #tpu.memory_space<hbm>> -> memref<40448xf32, #tpu.memory_space<hbm>>
      %dma_start3A_136 = arith.constant 0 : i32
      %dma_start3A_137 = tpu.memref_slice %arg5[%add3A_96, %dma_start3A_136] : memref<64x40448xf32, #tpu.memory_space<hbm>> -> memref<1x40448xf32, #tpu.memory_space<hbm>>
      %dma_start3A_138 = tpu.memref_squeeze %dma_start3A_137 : memref<1x40448xf32, #tpu.memory_space<hbm>> -> memref<40448xf32, #tpu.memory_space<hbm>>
      tpu.enqueue_dma source(%arg8 : memref<40448xf32, #tpu.memory_space<vmem>>) target(%dma_start3A_138 : memref<40448xf32, #tpu.memory_space<hbm>>) target_semaphore(%run_scoped3A : memref<!tpu.dma_semaphore, #tpu.memory_space<semaphore_mem>>)
      %dma_wait3A = arith.constant 0 : i32
      %dma_wait3A_139 = tpu.memref_slice %arg5[%add3A_96, %dma_wait3A] : memref<64x40448xf32, #tpu.memory_space<hbm>> -> memref<1x40448xf32, #tpu.memory_space<hbm>>
      %dma_wait3A_140 = tpu.memref_squeeze %dma_wait3A_139 : memref<1x40448xf32, #tpu.memory_space<hbm>> -> memref<40448xf32, #tpu.memory_space<hbm>>
      %dma_wait3A_141 = arith.constant 0 : i32
      %dma_wait3A_142 = tpu.memref_slice %arg5[%add3A_96, %dma_wait3A_141] : memref<64x40448xf32, #tpu.memory_space<hbm>> -> memref<1x40448xf32, #tpu.memory_space<hbm>>
      %dma_wait3A_143 = tpu.memref_squeeze %dma_wait3A_142 : memref<1x40448xf32, #tpu.memory_space<hbm>> -> memref<40448xf32, #tpu.memory_space<hbm>>
      tpu.wait_dma2 semaphore(%run_scoped3A : memref<!tpu.dma_semaphore, #tpu.memory_space<semaphore_mem>>) src(%arg8 : memref<40448xf32, #tpu.memory_space<vmem>>) dst(%dma_wait3A_143 : memref<40448xf32, #tpu.memory_space<hbm>>)
      tpu.yield
    }) : () -> ()
    %mul3A_131 = arith.constant 320 : i32
    %mul3A_132 = arith.muli %add3A, %mul3A_131 : i32
    "tpu.region"() ({
      %run_scoped3A = tpu.sem_alloc : memref<!tpu.dma_semaphore, #tpu.memory_space<semaphore_mem>>
      %dma_start3A_133 = tpu.memref_slice %arg9[%mul3A_132] : memref<10240xf32, #tpu.memory_space<vmem>> -> memref<320xf32, #tpu.memory_space<vmem>>
      %dma_start3A_134 = tpu.memref_slice %arg6[%mul3A_132] : memref<10240xf32, #tpu.memory_space<hbm>> -> memref<320xf32, #tpu.memory_space<hbm>>
      %dma_start3A_135 = tpu.memref_slice %arg6[%mul3A_132] : memref<10240xf32, #tpu.memory_space<hbm>> -> memref<320xf32, #tpu.memory_space<hbm>>
      %dma_start3A_136 = tpu.memref_slice %arg9[%mul3A_132] : memref<10240xf32, #tpu.memory_space<vmem>> -> memref<320xf32, #tpu.memory_space<vmem>>
      tpu.enqueue_dma source(%dma_start3A_136 : memref<320xf32, #tpu.memory_space<vmem>>) target(%dma_start3A_135 : memref<320xf32, #tpu.memory_space<hbm>>) target_semaphore(%run_scoped3A : memref<!tpu.dma_semaphore, #tpu.memory_space<semaphore_mem>>)
      %dma_wait3A = tpu.memref_slice %arg9[%mul3A_132] : memref<10240xf32, #tpu.memory_space<vmem>> -> memref<320xf32, #tpu.memory_space<vmem>>
      %dma_wait3A_137 = tpu.memref_slice %arg6[%mul3A_132] : memref<10240xf32, #tpu.memory_space<hbm>> -> memref<320xf32, #tpu.memory_space<hbm>>
      %dma_wait3A_138 = tpu.memref_slice %arg6[%mul3A_132] : memref<10240xf32, #tpu.memory_space<hbm>> -> memref<320xf32, #tpu.memory_space<hbm>>
      %dma_wait3A_139 = tpu.memref_slice %arg9[%mul3A_132] : memref<10240xf32, #tpu.memory_space<vmem>> -> memref<320xf32, #tpu.memory_space<vmem>>
      tpu.wait_dma2 semaphore(%run_scoped3A : memref<!tpu.dma_semaphore, #tpu.memory_space<semaphore_mem>>) src(%dma_wait3A_139 : memref<320xf32, #tpu.memory_space<vmem>>) dst(%dma_wait3A_138 : memref<320xf32, #tpu.memory_space<hbm>>)
      tpu.yield
    }) : () -> ()
    return
  }
}

#map = affine_map<(d0, d1) -> (0, 0)>
#map1 = affine_map<(d0, d1) -> (0)>
module attributes {stable_mosaic.version = 14 : i64} {
  func.func @_seg_body(%arg0: i32, %arg1: i32, %arg2: memref<64x40000xf32, #tpu.memory_space<hbm>>, %arg3: memref<163840xi32, #tpu.memory_space<hbm>>, %arg4: memref<163840xi32, #tpu.memory_space<hbm>>, %arg5: memref<64x40448xf32, #tpu.memory_space<hbm>>, %arg6: memref<10240xf32, #tpu.memory_space<hbm>>, %arg7: memref<40000xf32, #tpu.memory_space<vmem>>, %arg8: memref<40448xf32, #tpu.memory_space<vmem>>, %arg9: memref<10240xf32, #tpu.memory_space<vmem>>, %arg10: memref<2x2048xi32, #tpu.memory_space<vmem>>, %arg11: memref<2x2048xi32, #tpu.memory_space<vmem>>, %arg12: memref<!tpu.dma_semaphore, #tpu.memory_space<semaphore_mem>>) attributes {dimension_semantics = [#tpu.dimension_semantics<core_parallel>, #tpu.dimension_semantics<subcore_parallel>], iteration_bounds = array<i64: 2, 16>, scalar_prefetch = 0 : i64, scratch_operands = 6 : i64, tpu.core_type = #tpu.core_type<sc_vector_subcore>, window_params = [{transform_indices = #map}, {transform_indices = #map1}, {transform_indices = #map1}, {transform_indices = #map}, {transform_indices = #map1}]} {
    %mul3A = arith.constant 2 : i32
    %mul3A_0 = arith.muli %arg1, %mul3A : i32
    %add3A = arith.addi %mul3A_0, %arg0 : i32
    %iota3A = tpu.iota {dimensions = array<i32: 0>} : vector<16xi32>
    %broadcast_in_dim3A = arith.constant 0.000000e+00 : f32
    %broadcast_in_dim3A_1 = vector.broadcast %broadcast_in_dim3A : f32 to vector<16xf32>
    %broadcast_in_dim3A_2 = arith.constant 1.000000e+00 : f32
    %broadcast_in_dim3A_3 = vector.broadcast %broadcast_in_dim3A_2 : f32 to vector<16xf32>
    %jit3A = arith.constant 4 : i32
    %div3A = vector.broadcast %jit3A : i32 to vector<16xi32>
    %div3A_4 = arith.divsi %iota3A, %div3A : vector<16xi32>
    %sign3A = arith.constant 0 : i32
    %sign3A_5 = vector.broadcast %sign3A : i32 to vector<16xi32>
    %sign3A_6 = arith.cmpi sgt, %iota3A, %sign3A_5 : vector<16xi32>
    %sign3A_7 = arith.extui %sign3A_6 : vector<16xi1> to vector<16xi32>
    %sign3A_8 = arith.constant 0 : i32
    %sign3A_9 = vector.broadcast %sign3A_8 : i32 to vector<16xi32>
    %sign3A_10 = arith.cmpi slt, %iota3A, %sign3A_9 : vector<16xi32>
    %sign3A_11 = arith.extui %sign3A_10 : vector<16xi1> to vector<16xi32>
    %sign3A_12 = arith.subi %sign3A_7, %sign3A_11 : vector<16xi32>
    %sign3A_13 = arith.constant 0 : i32
    %sign3A_14 = arith.cmpi sgt, %jit3A, %sign3A_13 : i32
    %sign3A_15 = arith.extui %sign3A_14 : i1 to i32
    %sign3A_16 = arith.constant 0 : i32
    %sign3A_17 = arith.cmpi slt, %jit3A, %sign3A_16 : i32
    %sign3A_18 = arith.extui %sign3A_17 : i1 to i32
    %sign3A_19 = arith.subi %sign3A_15, %sign3A_18 : i32
    %ne3A = vector.broadcast %sign3A_19 : i32 to vector<16xi32>
    %ne3A_20 = arith.cmpi ne, %sign3A_12, %ne3A : vector<16xi32>
    %rem3A = vector.broadcast %jit3A : i32 to vector<16xi32>
    %rem3A_21 = arith.remsi %iota3A, %rem3A : vector<16xi32>
    %ne3A_22 = arith.constant 0 : i32
    %ne3A_23 = vector.broadcast %ne3A_22 : i32 to vector<16xi32>
    %ne3A_24 = arith.cmpi ne, %rem3A_21, %ne3A_23 : vector<16xi32>
    %and3A = arith.andi %ne3A_20, %ne3A_24 : vector<16xi1>
    %sub3A = arith.constant 1 : i32
    %sub3A_25 = vector.broadcast %sub3A : i32 to vector<16xi32>
    %sub3A_26 = arith.subi %div3A_4, %sub3A_25 : vector<16xi32>
    %select_n3A = arith.select %and3A, %sub3A_26, %div3A_4 : vector<16xi1>, vector<16xi32>
    %jit3A_27 = arith.constant 4 : i32
    %eq3A = arith.constant 0 : i32
    %eq3A_28 = arith.cmpi eq, %jit3A_27, %eq3A : i32
    %jit3A_29 = arith.constant 1 : i32
    %select_n3A_30 = arith.select %eq3A_28, %jit3A_29, %jit3A_27 : i32
    %rem3A_31 = vector.broadcast %select_n3A_30 : i32 to vector<16xi32>
    %rem3A_32 = arith.remsi %iota3A, %rem3A_31 : vector<16xi32>
    %ne3A_33 = arith.constant 0 : i32
    %ne3A_34 = vector.broadcast %ne3A_33 : i32 to vector<16xi32>
    %ne3A_35 = arith.cmpi ne, %rem3A_32, %ne3A_34 : vector<16xi32>
    %lt3A = arith.constant 0 : i32
    %lt3A_36 = vector.broadcast %lt3A : i32 to vector<16xi32>
    %lt3A_37 = arith.cmpi slt, %rem3A_32, %lt3A_36 : vector<16xi32>
    %lt3A_38 = arith.constant 0 : i32
    %lt3A_39 = arith.cmpi slt, %select_n3A_30, %lt3A_38 : i32
    %ne3A_40 = vector.broadcast %lt3A_39 : i1 to vector<16xi1>
    %ne3A_41 = vector.broadcast %ne3A_40 : vector<16xi1> to vector<16xi1>
    %ne3A_42 = arith.xori %lt3A_37, %ne3A_41 : vector<16xi1>
    %and3A_43 = arith.andi %ne3A_42, %ne3A_35 : vector<16xi1>
    %add3A_44 = vector.broadcast %select_n3A_30 : i32 to vector<16xi32>
    %add3A_45 = arith.addi %rem3A_32, %add3A_44 : vector<16xi32>
    %select_n3A_46 = arith.select %and3A_43, %add3A_45, %rem3A_32 : vector<16xi1>, vector<16xi32>
    %broadcast_in_dim3A_47 = arith.constant 0 : i32
    %broadcast_in_dim3A_48 = vector.broadcast %broadcast_in_dim3A_47 : i32 to vector<16xi32>
    %broadcast_in_dim3A_49 = arith.constant 1 : i32
    %broadcast_in_dim3A_50 = vector.broadcast %broadcast_in_dim3A_49 : i32 to vector<16xi32>
    %broadcast_in_dim3A_51 = arith.constant 2 : i32
    %broadcast_in_dim3A_52 = vector.broadcast %broadcast_in_dim3A_51 : i32 to vector<16xi32>
    %broadcast_in_dim3A_53 = arith.constant 3 : i32
    %broadcast_in_dim3A_54 = vector.broadcast %broadcast_in_dim3A_53 : i32 to vector<16xi32>
    %scan3A = arith.constant 0 : i32
    %scan3A_55 = arith.constant 0 : i32
    %scan3A_56 = arith.constant 640 : i32
    %scan3A_57 = arith.addi %scan3A_55, %scan3A_56 : i32
    %scan3A_58 = arith.constant 1 : i32
    scf.for %scan3A_133 = %scan3A_55 to %scan3A_57 step %scan3A_58  : i32 {
      %mul3A_134 = arith.constant 16 : i32
      %mul3A_135 = arith.muli %scan3A_133, %mul3A_134 : i32
      %swap3A = arith.index_cast %mul3A_135 : i32 to index
      %swap3A_136 = tpu.vector_load %arg9[%swap3A] {strides = array<i32>} : memref<10240xf32, #tpu.memory_space<vmem>>, vector<16xf32>,
      tpu.vector_store %arg9[%swap3A], %broadcast_in_dim3A_1 {strides = array<i32>} : memref<10240xf32, #tpu.memory_space<vmem>>, vector<16xf32>,
    }
    %scan3A_59 = arith.constant 640 : i32
    %add3A_60 = arith.constant 0 : i32
    %add3A_61 = arith.addi %add3A_60, %add3A : i32
    "tpu.region"() ({
      %run_scoped3A = tpu.sem_alloc : memref<!tpu.dma_semaphore, #tpu.memory_space<semaphore_mem>>
      %dma_start3A_133 = arith.constant 0 : i32
      %dma_start3A_134 = tpu.memref_slice %arg2[%add3A_61, %dma_start3A_133] : memref<64x40000xf32, #tpu.memory_space<hbm>> -> memref<1x40000xf32, #tpu.memory_space<hbm>>
      %dma_start3A_135 = tpu.memref_squeeze %dma_start3A_134 : memref<1x40000xf32, #tpu.memory_space<hbm>> -> memref<40000xf32, #tpu.memory_space<hbm>>
      %dma_start3A_136 = arith.constant 0 : i32
      %dma_start3A_137 = tpu.memref_slice %arg2[%add3A_61, %dma_start3A_136] : memref<64x40000xf32, #tpu.memory_space<hbm>> -> memref<1x40000xf32, #tpu.memory_space<hbm>>
      %dma_start3A_138 = tpu.memref_squeeze %dma_start3A_137 : memref<1x40000xf32, #tpu.memory_space<hbm>> -> memref<40000xf32, #tpu.memory_space<hbm>>
      tpu.enqueue_dma source(%dma_start3A_138 : memref<40000xf32, #tpu.memory_space<hbm>>) target(%arg7 : memref<40000xf32, #tpu.memory_space<vmem>>) target_semaphore(%run_scoped3A : memref<!tpu.dma_semaphore, #tpu.memory_space<semaphore_mem>>)
      %dma_wait3A = arith.constant 0 : i32
      %dma_wait3A_139 = tpu.memref_slice %arg2[%add3A_61, %dma_wait3A] : memref<64x40000xf32, #tpu.memory_space<hbm>> -> memref<1x40000xf32, #tpu.memory_space<hbm>>
      %dma_wait3A_140 = tpu.memref_squeeze %dma_wait3A_139 : memref<1x40000xf32, #tpu.memory_space<hbm>> -> memref<40000xf32, #tpu.memory_space<hbm>>
      %dma_wait3A_141 = arith.constant 0 : i32
      %dma_wait3A_142 = tpu.memref_slice %arg2[%add3A_61, %dma_wait3A_141] : memref<64x40000xf32, #tpu.memory_space<hbm>> -> memref<1x40000xf32, #tpu.memory_space<hbm>>
      %dma_wait3A_143 = tpu.memref_squeeze %dma_wait3A_142 : memref<1x40000xf32, #tpu.memory_space<hbm>> -> memref<40000xf32, #tpu.memory_space<hbm>>
      tpu.wait_dma2 semaphore(%run_scoped3A : memref<!tpu.dma_semaphore, #tpu.memory_space<semaphore_mem>>) src(%dma_wait3A_143 : memref<40000xf32, #tpu.memory_space<hbm>>) dst(%arg7 : memref<40000xf32, #tpu.memory_space<vmem>>)
      tpu.yield
    }) : () -> ()
    %scan3A_62 = arith.constant 0 : i32
    %scan3A_63 = arith.constant 0 : i32
    %scan3A_64 = arith.constant 2528 : i32
    %scan3A_65 = arith.addi %scan3A_63, %scan3A_64 : i32
    %scan3A_66 = arith.constant 1 : i32
    scf.for %scan3A_133 = %scan3A_63 to %scan3A_65 step %scan3A_66  : i32 {
      %mul3A_134 = arith.constant 16 : i32
      %mul3A_135 = arith.muli %scan3A_133, %mul3A_134 : i32
      %swap3A = arith.index_cast %mul3A_135 : i32 to index
      %swap3A_136 = tpu.vector_load %arg8[%swap3A] {strides = array<i32>} : memref<40448xf32, #tpu.memory_space<vmem>>, vector<16xf32>,
      tpu.vector_store %arg8[%swap3A], %broadcast_in_dim3A_1 {strides = array<i32>} : memref<40448xf32, #tpu.memory_space<vmem>>, vector<16xf32>,
    }
    %scan3A_67 = arith.constant 2528 : i32
    %dma_start3A = arith.constant 0 : i32
    %dma_start3A_68 = arith.constant 0 : i32
    %dma_start3A_69 = tpu.memref_slice %arg10[%dma_start3A, %dma_start3A_68] : memref<2x2048xi32, #tpu.memory_space<vmem>> -> memref<1x2048xi32, #tpu.memory_space<vmem>>
    %dma_start3A_70 = tpu.memref_squeeze %dma_start3A_69 : memref<1x2048xi32, #tpu.memory_space<vmem>> -> memref<2048xi32, #tpu.memory_space<vmem>>
    %dma_start3A_71 = arith.constant 0 : i32
    %dma_start3A_72 = tpu.memref_slice %arg3[%dma_start3A_71] : memref<163840xi32, #tpu.memory_space<hbm>> -> memref<2048xi32, #tpu.memory_space<hbm>>
    %dma_start3A_73 = arith.constant 0 : i32
    %dma_start3A_74 = tpu.memref_slice %arg10[%dma_start3A, %dma_start3A_73] : memref<2x2048xi32, #tpu.memory_space<vmem>> -> memref<1x2048xi32, #tpu.memory_space<vmem>>
    %dma_start3A_75 = tpu.memref_squeeze %dma_start3A_74 : memref<1x2048xi32, #tpu.memory_space<vmem>> -> memref<2048xi32, #tpu.memory_space<vmem>>
    %dma_start3A_76 = arith.constant 0 : i32
    %dma_start3A_77 = tpu.memref_slice %arg3[%dma_start3A_76] : memref<163840xi32, #tpu.memory_space<hbm>> -> memref<2048xi32, #tpu.memory_space<hbm>>
    tpu.enqueue_dma source(%dma_start3A_77 : memref<2048xi32, #tpu.memory_space<hbm>>) target(%dma_start3A_75 : memref<2048xi32, #tpu.memory_space<vmem>>) target_semaphore(%arg12 : memref<!tpu.dma_semaphore, #tpu.memory_space<semaphore_mem>>)
    %dma_start3A_78 = arith.constant 0 : i32
    %dma_start3A_79 = arith.constant 0 : i32
    %dma_start3A_80 = tpu.memref_slice %arg11[%dma_start3A_78, %dma_start3A_79] : memref<2x2048xi32, #tpu.memory_space<vmem>> -> memref<1x2048xi32, #tpu.memory_space<vmem>>
    %dma_start3A_81 = tpu.memref_squeeze %dma_start3A_80 : memref<1x2048xi32, #tpu.memory_space<vmem>> -> memref<2048xi32, #tpu.memory_space<vmem>>
    %dma_start3A_82 = arith.constant 0 : i32
    %dma_start3A_83 = tpu.memref_slice %arg4[%dma_start3A_82] : memref<163840xi32, #tpu.memory_space<hbm>> -> memref<2048xi32, #tpu.memory_space<hbm>>
    %dma_start3A_84 = arith.constant 0 : i32
    %dma_start3A_85 = tpu.memref_slice %arg11[%dma_start3A_78, %dma_start3A_84] : memref<2x2048xi32, #tpu.memory_space<vmem>> -> memref<1x2048xi32, #tpu.memory_space<vmem>>
    %dma_start3A_86 = tpu.memref_squeeze %dma_start3A_85 : memref<1x2048xi32, #tpu.memory_space<vmem>> -> memref<2048xi32, #tpu.memory_space<vmem>>
    %dma_start3A_87 = arith.constant 0 : i32
    %dma_start3A_88 = tpu.memref_slice %arg4[%dma_start3A_87] : memref<163840xi32, #tpu.memory_space<hbm>> -> memref<2048xi32, #tpu.memory_space<hbm>>
    tpu.enqueue_dma source(%dma_start3A_88 : memref<2048xi32, #tpu.memory_space<hbm>>) target(%dma_start3A_86 : memref<2048xi32, #tpu.memory_space<vmem>>) target_semaphore(%arg12 : memref<!tpu.dma_semaphore, #tpu.memory_space<semaphore_mem>>)
    %scan3A_89 = arith.constant 0 : i32
    %scan3A_90 = arith.constant 0 : i32
    %scan3A_91 = arith.constant 80 : i32
    %scan3A_92 = arith.addi %scan3A_90, %scan3A_91 : i32
    %scan3A_93 = arith.constant 1 : i32
    scf.for %scan3A_133 = %scan3A_90 to %scan3A_92 step %scan3A_93  : i32 {
      %rem3A_134 = arith.constant 2 : i32
      %rem3A_135 = arith.remsi %scan3A_133, %rem3A_134 : i32
      %dma_wait3A = arith.constant 0 : i32
      %dma_wait3A_136 = tpu.memref_slice %arg10[%rem3A_135, %dma_wait3A] : memref<2x2048xi32, #tpu.memory_space<vmem>> -> memref<1x2048xi32, #tpu.memory_space<vmem>>
      %dma_wait3A_137 = tpu.memref_squeeze %dma_wait3A_136 : memref<1x2048xi32, #tpu.memory_space<vmem>> -> memref<2048xi32, #tpu.memory_space<vmem>>
      %dma_wait3A_138 = arith.constant 0 : i32
      %dma_wait3A_139 = tpu.memref_slice %arg3[%dma_wait3A_138] : memref<163840xi32, #tpu.memory_space<hbm>> -> memref<2048xi32, #tpu.memory_space<hbm>>
      %dma_wait3A_140 = arith.constant 0 : i32
      %dma_wait3A_141 = tpu.memref_slice %arg10[%rem3A_135, %dma_wait3A_140] : memref<2x2048xi32, #tpu.memory_space<vmem>> -> memref<1x2048xi32, #tpu.memory_space<vmem>>
      %dma_wait3A_142 = tpu.memref_squeeze %dma_wait3A_141 : memref<1x2048xi32, #tpu.memory_space<vmem>> -> memref<2048xi32, #tpu.memory_space<vmem>>
      %dma_wait3A_143 = arith.constant 0 : i32
      %dma_wait3A_144 = tpu.memref_slice %arg3[%dma_wait3A_143] : memref<163840xi32, #tpu.memory_space<hbm>> -> memref<2048xi32, #tpu.memory_space<hbm>>
      tpu.wait_dma2 semaphore(%arg12 : memref<!tpu.dma_semaphore, #tpu.memory_space<semaphore_mem>>) src(%dma_wait3A_144 : memref<2048xi32, #tpu.memory_space<hbm>>) dst(%dma_wait3A_142 : memref<2048xi32, #tpu.memory_space<vmem>>)
      %dma_wait3A_145 = arith.constant 0 : i32
      %dma_wait3A_146 = tpu.memref_slice %arg11[%rem3A_135, %dma_wait3A_145] : memref<2x2048xi32, #tpu.memory_space<vmem>> -> memref<1x2048xi32, #tpu.memory_space<vmem>>
      %dma_wait3A_147 = tpu.memref_squeeze %dma_wait3A_146 : memref<1x2048xi32, #tpu.memory_space<vmem>> -> memref<2048xi32, #tpu.memory_space<vmem>>
      %dma_wait3A_148 = arith.constant 0 : i32
      %dma_wait3A_149 = tpu.memref_slice %arg4[%dma_wait3A_148] : memref<163840xi32, #tpu.memory_space<hbm>> -> memref<2048xi32, #tpu.memory_space<hbm>>
      %dma_wait3A_150 = arith.constant 0 : i32
      %dma_wait3A_151 = tpu.memref_slice %arg11[%rem3A_135, %dma_wait3A_150] : memref<2x2048xi32, #tpu.memory_space<vmem>> -> memref<1x2048xi32, #tpu.memory_space<vmem>>
      %dma_wait3A_152 = tpu.memref_squeeze %dma_wait3A_151 : memref<1x2048xi32, #tpu.memory_space<vmem>> -> memref<2048xi32, #tpu.memory_space<vmem>>
      %dma_wait3A_153 = arith.constant 0 : i32
      %dma_wait3A_154 = tpu.memref_slice %arg4[%dma_wait3A_153] : memref<163840xi32, #tpu.memory_space<hbm>> -> memref<2048xi32, #tpu.memory_space<hbm>>
      tpu.wait_dma2 semaphore(%arg12 : memref<!tpu.dma_semaphore, #tpu.memory_space<semaphore_mem>>) src(%dma_wait3A_154 : memref<2048xi32, #tpu.memory_space<hbm>>) dst(%dma_wait3A_152 : memref<2048xi32, #tpu.memory_space<vmem>>)
      %add3A_155 = arith.constant 1 : i32
      %add3A_156 = arith.addi %scan3A_133, %add3A_155 : i32
      %lt3A_157 = arith.constant 80 : i32
      %lt3A_158 = arith.cmpi slt, %add3A_156, %lt3A_157 : i32
      %convert_element_type3A = arith.extui %lt3A_158 : i1 to i32
      %cond3A = arith.constant 0 : i32
      %cond3A_159 = arith.cmpi ne, %convert_element_type3A, %cond3A : i32
      scf.if %cond3A_159 {
        %add3A_166 = arith.constant 1 : i32
        %add3A_167 = arith.addi %scan3A_133, %add3A_166 : i32
        %mul3A_168 = arith.constant 2048 : i32
        %mul3A_169 = arith.muli %add3A_167, %mul3A_168 : i32
        %multiple_of3A = tpu.assume_multiple %mul3A_169, 8 : i32
        %sub3A_170 = arith.constant 1 : i32
        %sub3A_171 = arith.subi %sub3A_170, %rem3A_135 : i32
        %dma_start3A_172 = arith.constant 0 : i32
        %dma_start3A_173 = tpu.memref_slice %arg10[%sub3A_171, %dma_start3A_172] : memref<2x2048xi32, #tpu.memory_space<vmem>> -> memref<1x2048xi32, #tpu.memory_space<vmem>>
        %dma_start3A_174 = tpu.memref_squeeze %dma_start3A_173 : memref<1x2048xi32, #tpu.memory_space<vmem>> -> memref<2048xi32, #tpu.memory_space<vmem>>
        %dma_start3A_175 = tpu.memref_slice %arg3[%multiple_of3A] : memref<163840xi32, #tpu.memory_space<hbm>> -> memref<2048xi32, #tpu.memory_space<hbm>>
        %dma_start3A_176 = arith.constant 0 : i32
        %dma_start3A_177 = tpu.memref_slice %arg10[%sub3A_171, %dma_start3A_176] : memref<2x2048xi32, #tpu.memory_space<vmem>> -> memref<1x2048xi32, #tpu.memory_space<vmem>>
        %dma_start3A_178 = tpu.memref_squeeze %dma_start3A_177 : memref<1x2048xi32, #tpu.memory_space<vmem>> -> memref<2048xi32, #tpu.memory_space<vmem>>
        %dma_start3A_179 = tpu.memref_slice %arg3[%multiple_of3A] : memref<163840xi32, #tpu.memory_space<hbm>> -> memref<2048xi32, #tpu.memory_space<hbm>>
        tpu.enqueue_dma source(%dma_start3A_179 : memref<2048xi32, #tpu.memory_space<hbm>>) target(%dma_start3A_178 : memref<2048xi32, #tpu.memory_space<vmem>>) target_semaphore(%arg12 : memref<!tpu.dma_semaphore, #tpu.memory_space<semaphore_mem>>)
        %sub3A_180 = arith.constant 1 : i32
        %sub3A_181 = arith.subi %sub3A_180, %rem3A_135 : i32
        %dma_start3A_182 = arith.constant 0 : i32
        %dma_start3A_183 = tpu.memref_slice %arg11[%sub3A_181, %dma_start3A_182] : memref<2x2048xi32, #tpu.memory_space<vmem>> -> memref<1x2048xi32, #tpu.memory_space<vmem>>
        %dma_start3A_184 = tpu.memref_squeeze %dma_start3A_183 : memref<1x2048xi32, #tpu.memory_space<vmem>> -> memref<2048xi32, #tpu.memory_space<vmem>>
        %dma_start3A_185 = tpu.memref_slice %arg4[%multiple_of3A] : memref<163840xi32, #tpu.memory_space<hbm>> -> memref<2048xi32, #tpu.memory_space<hbm>>
        %dma_start3A_186 = arith.constant 0 : i32
        %dma_start3A_187 = tpu.memref_slice %arg11[%sub3A_181, %dma_start3A_186] : memref<2x2048xi32, #tpu.memory_space<vmem>> -> memref<1x2048xi32, #tpu.memory_space<vmem>>
        %dma_start3A_188 = tpu.memref_squeeze %dma_start3A_187 : memref<1x2048xi32, #tpu.memory_space<vmem>> -> memref<2048xi32, #tpu.memory_space<vmem>>
        %dma_start3A_189 = tpu.memref_slice %arg4[%multiple_of3A] : memref<163840xi32, #tpu.memory_space<hbm>> -> memref<2048xi32, #tpu.memory_space<hbm>>
        tpu.enqueue_dma source(%dma_start3A_189 : memref<2048xi32, #tpu.memory_space<hbm>>) target(%dma_start3A_188 : memref<2048xi32, #tpu.memory_space<vmem>>) target_semaphore(%arg12 : memref<!tpu.dma_semaphore, #tpu.memory_space<semaphore_mem>>)
      } else {
      }
      %scan3A_160 = arith.constant 0 : i32
      %scan3A_161 = arith.constant 0 : i32
      %scan3A_162 = arith.constant 128 : i32
      %scan3A_163 = arith.addi %scan3A_161, %scan3A_162 : i32
      %scan3A_164 = arith.constant 1 : i32
      scf.for %scan3A_166 = %scan3A_161 to %scan3A_163 step %scan3A_164  : i32 {
        %mul3A_167 = arith.constant 16 : i32
        %mul3A_168 = arith.muli %scan3A_166, %mul3A_167 : i32
        %get3A = arith.index_cast %rem3A_135 : i32 to index
        %get3A_169 = arith.index_cast %mul3A_168 : i32 to index
        %get3A_170 = tpu.vector_load %arg10[%get3A, %get3A_169] {strides = array<i32>} : memref<2x2048xi32, #tpu.memory_space<vmem>>, vector<16xi32>,
        %mul3A_171 = arith.constant 16 : i32
        %mul3A_172 = arith.muli %scan3A_166, %mul3A_171 : i32
        %get3A_173 = arith.index_cast %rem3A_135 : i32 to index
        %get3A_174 = arith.index_cast %mul3A_172 : i32 to index
        %get3A_175 = tpu.vector_load %arg11[%get3A_173, %get3A_174] {strides = array<i32>} : memref<2x2048xi32, #tpu.memory_space<vmem>>, vector<16xi32>,
        %mul3A_176 = arith.constant 4 : i32
        %mul3A_177 = vector.broadcast %mul3A_176 : i32 to vector<16xi32>
        %mul3A_178 = arith.muli %get3A_170, %mul3A_177 : vector<16xi32>
        %mul3A_179 = arith.constant 4 : i32
        %mul3A_180 = vector.broadcast %mul3A_179 : i32 to vector<16xi32>
        %mul3A_181 = arith.muli %get3A_175, %mul3A_180 : vector<16xi32>
        %add3A_182 = arith.addi %mul3A_178, %broadcast_in_dim3A_48 : vector<16xi32>
        %gather3A = tpu.vector_load_idx %arg7[%add3A_182] : memref<40000xf32, #tpu.memory_space<vmem>>[vector<16xi32>], vector<16xf32>,
        %add3A_183 = arith.addi %mul3A_181, %broadcast_in_dim3A_48 : vector<16xi32>
        tpu.vector_store_idx %arg8[%add3A_183], %gather3A {add = true} : memref<40448xf32, #tpu.memory_space<vmem>>[vector<16xi32>], vector<16xf32>,
        %add3A_184 = arith.addi %mul3A_178, %broadcast_in_dim3A_50 : vector<16xi32>
        %gather3A_185 = tpu.vector_load_idx %arg7[%add3A_184] : memref<40000xf32, #tpu.memory_space<vmem>>[vector<16xi32>], vector<16xf32>,
        %add3A_186 = arith.addi %mul3A_181, %broadcast_in_dim3A_50 : vector<16xi32>
        tpu.vector_store_idx %arg8[%add3A_186], %gather3A_185 {add = true} : memref<40448xf32, #tpu.memory_space<vmem>>[vector<16xi32>], vector<16xf32>,
        %add3A_187 = arith.addi %mul3A_178, %broadcast_in_dim3A_52 : vector<16xi32>
        %gather3A_188 = tpu.vector_load_idx %arg7[%add3A_187] : memref<40000xf32, #tpu.memory_space<vmem>>[vector<16xi32>], vector<16xf32>,
        %add3A_189 = arith.addi %mul3A_181, %broadcast_in_dim3A_52 : vector<16xi32>
        tpu.vector_store_idx %arg8[%add3A_189], %gather3A_188 {add = true} : memref<40448xf32, #tpu.memory_space<vmem>>[vector<16xi32>], vector<16xf32>,
        %add3A_190 = arith.addi %mul3A_178, %broadcast_in_dim3A_54 : vector<16xi32>
        %gather3A_191 = tpu.vector_load_idx %arg7[%add3A_190] : memref<40000xf32, #tpu.memory_space<vmem>>[vector<16xi32>], vector<16xf32>,
        %add3A_192 = arith.addi %mul3A_181, %broadcast_in_dim3A_54 : vector<16xi32>
        tpu.vector_store_idx %arg8[%add3A_192], %gather3A_191 {add = true} : memref<40448xf32, #tpu.memory_space<vmem>>[vector<16xi32>], vector<16xf32>,
        tpu.vector_store_idx %arg9[%get3A_175], %broadcast_in_dim3A_3 {add = true} : memref<10240xf32, #tpu.memory_space<vmem>>[vector<16xi32>], vector<16xf32>,
      }
      %scan3A_165 = arith.constant 128 : i32
    }
    %scan3A_94 = arith.constant 80 : i32
    "tpu.region"() ({
      %run_scoped3A = tpu.sem_alloc : memref<!tpu.dma_semaphore, #tpu.memory_space<semaphore_mem>>
      %dma_start3A_133 = arith.constant 0 : i32
      %dma_start3A_134 = tpu.memref_slice %arg5[%add3A_61, %dma_start3A_133] : memref<64x40448xf32, #tpu.memory_space<hbm>> -> memref<1x40448xf32, #tpu.memory_space<hbm>>
      %dma_start3A_135 = tpu.memref_squeeze %dma_start3A_134 : memref<1x40448xf32, #tpu.memory_space<hbm>> -> memref<40448xf32, #tpu.memory_space<hbm>>
      %dma_start3A_136 = arith.constant 0 : i32
      %dma_start3A_137 = tpu.memref_slice %arg5[%add3A_61, %dma_start3A_136] : memref<64x40448xf32, #tpu.memory_space<hbm>> -> memref<1x40448xf32, #tpu.memory_space<hbm>>
      %dma_start3A_138 = tpu.memref_squeeze %dma_start3A_137 : memref<1x40448xf32, #tpu.memory_space<hbm>> -> memref<40448xf32, #tpu.memory_space<hbm>>
      tpu.enqueue_dma source(%arg8 : memref<40448xf32, #tpu.memory_space<vmem>>) target(%dma_start3A_138 : memref<40448xf32, #tpu.memory_space<hbm>>) target_semaphore(%run_scoped3A : memref<!tpu.dma_semaphore, #tpu.memory_space<semaphore_mem>>)
      %dma_wait3A = arith.constant 0 : i32
      %dma_wait3A_139 = tpu.memref_slice %arg5[%add3A_61, %dma_wait3A] : memref<64x40448xf32, #tpu.memory_space<hbm>> -> memref<1x40448xf32, #tpu.memory_space<hbm>>
      %dma_wait3A_140 = tpu.memref_squeeze %dma_wait3A_139 : memref<1x40448xf32, #tpu.memory_space<hbm>> -> memref<40448xf32, #tpu.memory_space<hbm>>
      %dma_wait3A_141 = arith.constant 0 : i32
      %dma_wait3A_142 = tpu.memref_slice %arg5[%add3A_61, %dma_wait3A_141] : memref<64x40448xf32, #tpu.memory_space<hbm>> -> memref<1x40448xf32, #tpu.memory_space<hbm>>
      %dma_wait3A_143 = tpu.memref_squeeze %dma_wait3A_142 : memref<1x40448xf32, #tpu.memory_space<hbm>> -> memref<40448xf32, #tpu.memory_space<hbm>>
      tpu.wait_dma2 semaphore(%run_scoped3A : memref<!tpu.dma_semaphore, #tpu.memory_space<semaphore_mem>>) src(%arg8 : memref<40448xf32, #tpu.memory_space<vmem>>) dst(%dma_wait3A_143 : memref<40448xf32, #tpu.memory_space<hbm>>)
      tpu.yield
    }) : () -> ()
    %add3A_95 = arith.constant 32 : i32
    %add3A_96 = arith.addi %add3A_95, %add3A : i32
    "tpu.region"() ({
      %run_scoped3A = tpu.sem_alloc : memref<!tpu.dma_semaphore, #tpu.memory_space<semaphore_mem>>
      %dma_start3A_133 = arith.constant 0 : i32
      %dma_start3A_134 = tpu.memref_slice %arg2[%add3A_96, %dma_start3A_133] : memref<64x40000xf32, #tpu.memory_space<hbm>> -> memref<1x40000xf32, #tpu.memory_space<hbm>>
      %dma_start3A_135 = tpu.memref_squeeze %dma_start3A_134 : memref<1x40000xf32, #tpu.memory_space<hbm>> -> memref<40000xf32, #tpu.memory_space<hbm>>
      %dma_start3A_136 = arith.constant 0 : i32
      %dma_start3A_137 = tpu.memref_slice %arg2[%add3A_96, %dma_start3A_136] : memref<64x40000xf32, #tpu.memory_space<hbm>> -> memref<1x40000xf32, #tpu.memory_space<hbm>>
      %dma_start3A_138 = tpu.memref_squeeze %dma_start3A_137 : memref<1x40000xf32, #tpu.memory_space<hbm>> -> memref<40000xf32, #tpu.memory_space<hbm>>
      tpu.enqueue_dma source(%dma_start3A_138 : memref<40000xf32, #tpu.memory_space<hbm>>) target(%arg7 : memref<40000xf32, #tpu.memory_space<vmem>>) target_semaphore(%run_scoped3A : memref<!tpu.dma_semaphore, #tpu.memory_space<semaphore_mem>>)
      %dma_wait3A = arith.constant 0 : i32
      %dma_wait3A_139 = tpu.memref_slice %arg2[%add3A_96, %dma_wait3A] : memref<64x40000xf32, #tpu.memory_space<hbm>> -> memref<1x40000xf32, #tpu.memory_space<hbm>>
      %dma_wait3A_140 = tpu.memref_squeeze %dma_wait3A_139 : memref<1x40000xf32, #tpu.memory_space<hbm>> -> memref<40000xf32, #tpu.memory_space<hbm>>
      %dma_wait3A_141 = arith.constant 0 : i32
      %dma_wait3A_142 = tpu.memref_slice %arg2[%add3A_96, %dma_wait3A_141] : memref<64x40000xf32, #tpu.memory_space<hbm>> -> memref<1x40000xf32, #tpu.memory_space<hbm>>
      %dma_wait3A_143 = tpu.memref_squeeze %dma_wait3A_142 : memref<1x40000xf32, #tpu.memory_space<hbm>> -> memref<40000xf32, #tpu.memory_space<hbm>>
      tpu.wait_dma2 semaphore(%run_scoped3A : memref<!tpu.dma_semaphore, #tpu.memory_space<semaphore_mem>>) src(%dma_wait3A_143 : memref<40000xf32, #tpu.memory_space<hbm>>) dst(%arg7 : memref<40000xf32, #tpu.memory_space<vmem>>)
      tpu.yield
    }) : () -> ()
    %scan3A_97 = arith.constant 0 : i32
    %scan3A_98 = arith.constant 0 : i32
    %scan3A_99 = arith.constant 2528 : i32
    %scan3A_100 = arith.addi %scan3A_98, %scan3A_99 : i32
    %scan3A_101 = arith.constant 1 : i32
    scf.for %scan3A_133 = %scan3A_98 to %scan3A_100 step %scan3A_101  : i32 {
      %mul3A_134 = arith.constant 16 : i32
      %mul3A_135 = arith.muli %scan3A_133, %mul3A_134 : i32
      %swap3A = arith.index_cast %mul3A_135 : i32 to index
      %swap3A_136 = tpu.vector_load %arg8[%swap3A] {strides = array<i32>} : memref<40448xf32, #tpu.memory_space<vmem>>, vector<16xf32>,
      tpu.vector_store %arg8[%swap3A], %broadcast_in_dim3A_1 {strides = array<i32>} : memref<40448xf32, #tpu.memory_space<vmem>>, vector<16xf32>,
    }
    %scan3A_102 = arith.constant 2528 : i32
    %dma_start3A_103 = arith.constant 0 : i32
    %dma_start3A_104 = arith.constant 0 : i32
    %dma_start3A_105 = tpu.memref_slice %arg10[%dma_start3A_103, %dma_start3A_104] : memref<2x2048xi32, #tpu.memory_space<vmem>> -> memref<1x2048xi32, #tpu.memory_space<vmem>>
    %dma_start3A_106 = tpu.memref_squeeze %dma_start3A_105 : memref<1x2048xi32, #tpu.memory_space<vmem>> -> memref<2048xi32, #tpu.memory_space<vmem>>
    %dma_start3A_107 = arith.constant 0 : i32
    %dma_start3A_108 = tpu.memref_slice %arg3[%dma_start3A_107] : memref<163840xi32, #tpu.memory_space<hbm>> -> memref<2048xi32, #tpu.memory_space<hbm>>
    %dma_start3A_109 = arith.constant 0 : i32
    %dma_start3A_110 = tpu.memref_slice %arg10[%dma_start3A_103, %dma_start3A_109] : memref<2x2048xi32, #tpu.memory_space<vmem>> -> memref<1x2048xi32, #tpu.memory_space<vmem>>
    %dma_start3A_111 = tpu.memref_squeeze %dma_start3A_110 : memref<1x2048xi32, #tpu.memory_space<vmem>> -> memref<2048xi32, #tpu.memory_space<vmem>>
    %dma_start3A_112 = arith.constant 0 : i32
    %dma_start3A_113 = tpu.memref_slice %arg3[%dma_start3A_112] : memref<163840xi32, #tpu.memory_space<hbm>> -> memref<2048xi32, #tpu.memory_space<hbm>>
    tpu.enqueue_dma source(%dma_start3A_113 : memref<2048xi32, #tpu.memory_space<hbm>>) target(%dma_start3A_111 : memref<2048xi32, #tpu.memory_space<vmem>>) target_semaphore(%arg12 : memref<!tpu.dma_semaphore, #tpu.memory_space<semaphore_mem>>)
    %dma_start3A_114 = arith.constant 0 : i32
    %dma_start3A_115 = arith.constant 0 : i32
    %dma_start3A_116 = tpu.memref_slice %arg11[%dma_start3A_114, %dma_start3A_115] : memref<2x2048xi32, #tpu.memory_space<vmem>> -> memref<1x2048xi32, #tpu.memory_space<vmem>>
    %dma_start3A_117 = tpu.memref_squeeze %dma_start3A_116 : memref<1x2048xi32, #tpu.memory_space<vmem>> -> memref<2048xi32, #tpu.memory_space<vmem>>
    %dma_start3A_118 = arith.constant 0 : i32
    %dma_start3A_119 = tpu.memref_slice %arg4[%dma_start3A_118] : memref<163840xi32, #tpu.memory_space<hbm>> -> memref<2048xi32, #tpu.memory_space<hbm>>
    %dma_start3A_120 = arith.constant 0 : i32
    %dma_start3A_121 = tpu.memref_slice %arg11[%dma_start3A_114, %dma_start3A_120] : memref<2x2048xi32, #tpu.memory_space<vmem>> -> memref<1x2048xi32, #tpu.memory_space<vmem>>
    %dma_start3A_122 = tpu.memref_squeeze %dma_start3A_121 : memref<1x2048xi32, #tpu.memory_space<vmem>> -> memref<2048xi32, #tpu.memory_space<vmem>>
    %dma_start3A_123 = arith.constant 0 : i32
    %dma_start3A_124 = tpu.memref_slice %arg4[%dma_start3A_123] : memref<163840xi32, #tpu.memory_space<hbm>> -> memref<2048xi32, #tpu.memory_space<hbm>>
    tpu.enqueue_dma source(%dma_start3A_124 : memref<2048xi32, #tpu.memory_space<hbm>>) target(%dma_start3A_122 : memref<2048xi32, #tpu.memory_space<vmem>>) target_semaphore(%arg12 : memref<!tpu.dma_semaphore, #tpu.memory_space<semaphore_mem>>)
    %scan3A_125 = arith.constant 0 : i32
    %scan3A_126 = arith.constant 0 : i32
    %scan3A_127 = arith.constant 80 : i32
    %scan3A_128 = arith.addi %scan3A_126, %scan3A_127 : i32
    %scan3A_129 = arith.constant 1 : i32
    scf.for %scan3A_133 = %scan3A_126 to %scan3A_128 step %scan3A_129  : i32 {
      %rem3A_134 = arith.constant 2 : i32
      %rem3A_135 = arith.remsi %scan3A_133, %rem3A_134 : i32
      %dma_wait3A = arith.constant 0 : i32
      %dma_wait3A_136 = tpu.memref_slice %arg10[%rem3A_135, %dma_wait3A] : memref<2x2048xi32, #tpu.memory_space<vmem>> -> memref<1x2048xi32, #tpu.memory_space<vmem>>
      %dma_wait3A_137 = tpu.memref_squeeze %dma_wait3A_136 : memref<1x2048xi32, #tpu.memory_space<vmem>> -> memref<2048xi32, #tpu.memory_space<vmem>>
      %dma_wait3A_138 = arith.constant 0 : i32
      %dma_wait3A_139 = tpu.memref_slice %arg3[%dma_wait3A_138] : memref<163840xi32, #tpu.memory_space<hbm>> -> memref<2048xi32, #tpu.memory_space<hbm>>
      %dma_wait3A_140 = arith.constant 0 : i32
      %dma_wait3A_141 = tpu.memref_slice %arg10[%rem3A_135, %dma_wait3A_140] : memref<2x2048xi32, #tpu.memory_space<vmem>> -> memref<1x2048xi32, #tpu.memory_space<vmem>>
      %dma_wait3A_142 = tpu.memref_squeeze %dma_wait3A_141 : memref<1x2048xi32, #tpu.memory_space<vmem>> -> memref<2048xi32, #tpu.memory_space<vmem>>
      %dma_wait3A_143 = arith.constant 0 : i32
      %dma_wait3A_144 = tpu.memref_slice %arg3[%dma_wait3A_143] : memref<163840xi32, #tpu.memory_space<hbm>> -> memref<2048xi32, #tpu.memory_space<hbm>>
      tpu.wait_dma2 semaphore(%arg12 : memref<!tpu.dma_semaphore, #tpu.memory_space<semaphore_mem>>) src(%dma_wait3A_144 : memref<2048xi32, #tpu.memory_space<hbm>>) dst(%dma_wait3A_142 : memref<2048xi32, #tpu.memory_space<vmem>>)
      %dma_wait3A_145 = arith.constant 0 : i32
      %dma_wait3A_146 = tpu.memref_slice %arg11[%rem3A_135, %dma_wait3A_145] : memref<2x2048xi32, #tpu.memory_space<vmem>> -> memref<1x2048xi32, #tpu.memory_space<vmem>>
      %dma_wait3A_147 = tpu.memref_squeeze %dma_wait3A_146 : memref<1x2048xi32, #tpu.memory_space<vmem>> -> memref<2048xi32, #tpu.memory_space<vmem>>
      %dma_wait3A_148 = arith.constant 0 : i32
      %dma_wait3A_149 = tpu.memref_slice %arg4[%dma_wait3A_148] : memref<163840xi32, #tpu.memory_space<hbm>> -> memref<2048xi32, #tpu.memory_space<hbm>>
      %dma_wait3A_150 = arith.constant 0 : i32
      %dma_wait3A_151 = tpu.memref_slice %arg11[%rem3A_135, %dma_wait3A_150] : memref<2x2048xi32, #tpu.memory_space<vmem>> -> memref<1x2048xi32, #tpu.memory_space<vmem>>
      %dma_wait3A_152 = tpu.memref_squeeze %dma_wait3A_151 : memref<1x2048xi32, #tpu.memory_space<vmem>> -> memref<2048xi32, #tpu.memory_space<vmem>>
      %dma_wait3A_153 = arith.constant 0 : i32
      %dma_wait3A_154 = tpu.memref_slice %arg4[%dma_wait3A_153] : memref<163840xi32, #tpu.memory_space<hbm>> -> memref<2048xi32, #tpu.memory_space<hbm>>
      tpu.wait_dma2 semaphore(%arg12 : memref<!tpu.dma_semaphore, #tpu.memory_space<semaphore_mem>>) src(%dma_wait3A_154 : memref<2048xi32, #tpu.memory_space<hbm>>) dst(%dma_wait3A_152 : memref<2048xi32, #tpu.memory_space<vmem>>)
      %add3A_155 = arith.constant 1 : i32
      %add3A_156 = arith.addi %scan3A_133, %add3A_155 : i32
      %lt3A_157 = arith.constant 80 : i32
      %lt3A_158 = arith.cmpi slt, %add3A_156, %lt3A_157 : i32
      %convert_element_type3A = arith.extui %lt3A_158 : i1 to i32
      %cond3A = arith.constant 0 : i32
      %cond3A_159 = arith.cmpi ne, %convert_element_type3A, %cond3A : i32
      scf.if %cond3A_159 {
        %add3A_166 = arith.constant 1 : i32
        %add3A_167 = arith.addi %scan3A_133, %add3A_166 : i32
        %mul3A_168 = arith.constant 2048 : i32
        %mul3A_169 = arith.muli %add3A_167, %mul3A_168 : i32
        %multiple_of3A = tpu.assume_multiple %mul3A_169, 8 : i32
        %sub3A_170 = arith.constant 1 : i32
        %sub3A_171 = arith.subi %sub3A_170, %rem3A_135 : i32
        %dma_start3A_172 = arith.constant 0 : i32
        %dma_start3A_173 = tpu.memref_slice %arg10[%sub3A_171, %dma_start3A_172] : memref<2x2048xi32, #tpu.memory_space<vmem>> -> memref<1x2048xi32, #tpu.memory_space<vmem>>
        %dma_start3A_174 = tpu.memref_squeeze %dma_start3A_173 : memref<1x2048xi32, #tpu.memory_space<vmem>> -> memref<2048xi32, #tpu.memory_space<vmem>>
        %dma_start3A_175 = tpu.memref_slice %arg3[%multiple_of3A] : memref<163840xi32, #tpu.memory_space<hbm>> -> memref<2048xi32, #tpu.memory_space<hbm>>
        %dma_start3A_176 = arith.constant 0 : i32
        %dma_start3A_177 = tpu.memref_slice %arg10[%sub3A_171, %dma_start3A_176] : memref<2x2048xi32, #tpu.memory_space<vmem>> -> memref<1x2048xi32, #tpu.memory_space<vmem>>
        %dma_start3A_178 = tpu.memref_squeeze %dma_start3A_177 : memref<1x2048xi32, #tpu.memory_space<vmem>> -> memref<2048xi32, #tpu.memory_space<vmem>>
        %dma_start3A_179 = tpu.memref_slice %arg3[%multiple_of3A] : memref<163840xi32, #tpu.memory_space<hbm>> -> memref<2048xi32, #tpu.memory_space<hbm>>
        tpu.enqueue_dma source(%dma_start3A_179 : memref<2048xi32, #tpu.memory_space<hbm>>) target(%dma_start3A_178 : memref<2048xi32, #tpu.memory_space<vmem>>) target_semaphore(%arg12 : memref<!tpu.dma_semaphore, #tpu.memory_space<semaphore_mem>>)
        %sub3A_180 = arith.constant 1 : i32
        %sub3A_181 = arith.subi %sub3A_180, %rem3A_135 : i32
        %dma_start3A_182 = arith.constant 0 : i32
        %dma_start3A_183 = tpu.memref_slice %arg11[%sub3A_181, %dma_start3A_182] : memref<2x2048xi32, #tpu.memory_space<vmem>> -> memref<1x2048xi32, #tpu.memory_space<vmem>>
        %dma_start3A_184 = tpu.memref_squeeze %dma_start3A_183 : memref<1x2048xi32, #tpu.memory_space<vmem>> -> memref<2048xi32, #tpu.memory_space<vmem>>
        %dma_start3A_185 = tpu.memref_slice %arg4[%multiple_of3A] : memref<163840xi32, #tpu.memory_space<hbm>> -> memref<2048xi32, #tpu.memory_space<hbm>>
        %dma_start3A_186 = arith.constant 0 : i32
        %dma_start3A_187 = tpu.memref_slice %arg11[%sub3A_181, %dma_start3A_186] : memref<2x2048xi32, #tpu.memory_space<vmem>> -> memref<1x2048xi32, #tpu.memory_space<vmem>>
        %dma_start3A_188 = tpu.memref_squeeze %dma_start3A_187 : memref<1x2048xi32, #tpu.memory_space<vmem>> -> memref<2048xi32, #tpu.memory_space<vmem>>
        %dma_start3A_189 = tpu.memref_slice %arg4[%multiple_of3A] : memref<163840xi32, #tpu.memory_space<hbm>> -> memref<2048xi32, #tpu.memory_space<hbm>>
        tpu.enqueue_dma source(%dma_start3A_189 : memref<2048xi32, #tpu.memory_space<hbm>>) target(%dma_start3A_188 : memref<2048xi32, #tpu.memory_space<vmem>>) target_semaphore(%arg12 : memref<!tpu.dma_semaphore, #tpu.memory_space<semaphore_mem>>)
      } else {
      }
      %scan3A_160 = arith.constant 0 : i32
      %scan3A_161 = arith.constant 0 : i32
      %scan3A_162 = arith.constant 128 : i32
      %scan3A_163 = arith.addi %scan3A_161, %scan3A_162 : i32
      %scan3A_164 = arith.constant 1 : i32
      scf.for %scan3A_166 = %scan3A_161 to %scan3A_163 step %scan3A_164  : i32 {
        %mul3A_167 = arith.constant 16 : i32
        %mul3A_168 = arith.muli %scan3A_166, %mul3A_167 : i32
        %get3A = arith.index_cast %rem3A_135 : i32 to index
        %get3A_169 = arith.index_cast %mul3A_168 : i32 to index
        %get3A_170 = tpu.vector_load %arg10[%get3A, %get3A_169] {strides = array<i32>} : memref<2x2048xi32, #tpu.memory_space<vmem>>, vector<16xi32>,
        %mul3A_171 = arith.constant 16 : i32
        %mul3A_172 = arith.muli %scan3A_166, %mul3A_171 : i32
        %get3A_173 = arith.index_cast %rem3A_135 : i32 to index
        %get3A_174 = arith.index_cast %mul3A_172 : i32 to index
        %get3A_175 = tpu.vector_load %arg11[%get3A_173, %get3A_174] {strides = array<i32>} : memref<2x2048xi32, #tpu.memory_space<vmem>>, vector<16xi32>,
        %mul3A_176 = arith.constant 4 : i32
        %mul3A_177 = vector.broadcast %mul3A_176 : i32 to vector<16xi32>
        %mul3A_178 = arith.muli %get3A_170, %mul3A_177 : vector<16xi32>
        %mul3A_179 = arith.constant 4 : i32
        %mul3A_180 = vector.broadcast %mul3A_179 : i32 to vector<16xi32>
        %mul3A_181 = arith.muli %get3A_175, %mul3A_180 : vector<16xi32>
        %add3A_182 = arith.addi %mul3A_178, %broadcast_in_dim3A_48 : vector<16xi32>
        %gather3A = tpu.vector_load_idx %arg7[%add3A_182] : memref<40000xf32, #tpu.memory_space<vmem>>[vector<16xi32>], vector<16xf32>,
        %add3A_183 = arith.addi %mul3A_181, %broadcast_in_dim3A_48 : vector<16xi32>
        tpu.vector_store_idx %arg8[%add3A_183], %gather3A {add = true} : memref<40448xf32, #tpu.memory_space<vmem>>[vector<16xi32>], vector<16xf32>,
        %add3A_184 = arith.addi %mul3A_178, %broadcast_in_dim3A_50 : vector<16xi32>
        %gather3A_185 = tpu.vector_load_idx %arg7[%add3A_184] : memref<40000xf32, #tpu.memory_space<vmem>>[vector<16xi32>], vector<16xf32>,
        %add3A_186 = arith.addi %mul3A_181, %broadcast_in_dim3A_50 : vector<16xi32>
        tpu.vector_store_idx %arg8[%add3A_186], %gather3A_185 {add = true} : memref<40448xf32, #tpu.memory_space<vmem>>[vector<16xi32>], vector<16xf32>,
        %add3A_187 = arith.addi %mul3A_178, %broadcast_in_dim3A_52 : vector<16xi32>
        %gather3A_188 = tpu.vector_load_idx %arg7[%add3A_187] : memref<40000xf32, #tpu.memory_space<vmem>>[vector<16xi32>], vector<16xf32>,
        %add3A_189 = arith.addi %mul3A_181, %broadcast_in_dim3A_52 : vector<16xi32>
        tpu.vector_store_idx %arg8[%add3A_189], %gather3A_188 {add = true} : memref<40448xf32, #tpu.memory_space<vmem>>[vector<16xi32>], vector<16xf32>,
        %add3A_190 = arith.addi %mul3A_178, %broadcast_in_dim3A_54 : vector<16xi32>
        %gather3A_191 = tpu.vector_load_idx %arg7[%add3A_190] : memref<40000xf32, #tpu.memory_space<vmem>>[vector<16xi32>], vector<16xf32>,
        %add3A_192 = arith.addi %mul3A_181, %broadcast_in_dim3A_54 : vector<16xi32>
        tpu.vector_store_idx %arg8[%add3A_192], %gather3A_191 {add = true} : memref<40448xf32, #tpu.memory_space<vmem>>[vector<16xi32>], vector<16xf32>,
      }
      %scan3A_165 = arith.constant 128 : i32
    }
    %scan3A_130 = arith.constant 80 : i32
    "tpu.region"() ({
      %run_scoped3A = tpu.sem_alloc : memref<!tpu.dma_semaphore, #tpu.memory_space<semaphore_mem>>
      %dma_start3A_133 = arith.constant 0 : i32
      %dma_start3A_134 = tpu.memref_slice %arg5[%add3A_96, %dma_start3A_133] : memref<64x40448xf32, #tpu.memory_space<hbm>> -> memref<1x40448xf32, #tpu.memory_space<hbm>>
      %dma_start3A_135 = tpu.memref_squeeze %dma_start3A_134 : memref<1x40448xf32, #tpu.memory_space<hbm>> -> memref<40448xf32, #tpu.memory_space<hbm>>
      %dma_start3A_136 = arith.constant 0 : i32
      %dma_start3A_137 = tpu.memref_slice %arg5[%add3A_96, %dma_start3A_136] : memref<64x40448xf32, #tpu.memory_space<hbm>> -> memref<1x40448xf32, #tpu.memory_space<hbm>>
      %dma_start3A_138 = tpu.memref_squeeze %dma_start3A_137 : memref<1x40448xf32, #tpu.memory_space<hbm>> -> memref<40448xf32, #tpu.memory_space<hbm>>
      tpu.enqueue_dma source(%arg8 : memref<40448xf32, #tpu.memory_space<vmem>>) target(%dma_start3A_138 : memref<40448xf32, #tpu.memory_space<hbm>>) target_semaphore(%run_scoped3A : memref<!tpu.dma_semaphore, #tpu.memory_space<semaphore_mem>>)
      %dma_wait3A = arith.constant 0 : i32
      %dma_wait3A_139 = tpu.memref_slice %arg5[%add3A_96, %dma_wait3A] : memref<64x40448xf32, #tpu.memory_space<hbm>> -> memref<1x40448xf32, #tpu.memory_space<hbm>>
      %dma_wait3A_140 = tpu.memref_squeeze %dma_wait3A_139 : memref<1x40448xf32, #tpu.memory_space<hbm>> -> memref<40448xf32, #tpu.memory_space<hbm>>
      %dma_wait3A_141 = arith.constant 0 : i32
      %dma_wait3A_142 = tpu.memref_slice %arg5[%add3A_96, %dma_wait3A_141] : memref<64x40448xf32, #tpu.memory_space<hbm>> -> memref<1x40448xf32, #tpu.memory_space<hbm>>
      %dma_wait3A_143 = tpu.memref_squeeze %dma_wait3A_142 : memref<1x40448xf32, #tpu.memory_space<hbm>> -> memref<40448xf32, #tpu.memory_space<hbm>>
      tpu.wait_dma2 semaphore(%run_scoped3A : memref<!tpu.dma_semaphore, #tpu.memory_space<semaphore_mem>>) src(%arg8 : memref<40448xf32, #tpu.memory_space<vmem>>) dst(%dma_wait3A_143 : memref<40448xf32, #tpu.memory_space<hbm>>)
      tpu.yield
    }) : () -> ()
    %mul3A_131 = arith.constant 320 : i32
    %mul3A_132 = arith.muli %add3A, %mul3A_131 : i32
    "tpu.region"() ({
      %run_scoped3A = tpu.sem_alloc : memref<!tpu.dma_semaphore, #tpu.memory_space<semaphore_mem>>
      %dma_start3A_133 = tpu.memref_slice %arg9[%mul3A_132] : memref<10240xf32, #tpu.memory_space<vmem>> -> memref<320xf32, #tpu.memory_space<vmem>>
      %dma_start3A_134 = tpu.memref_slice %arg6[%mul3A_132] : memref<10240xf32, #tpu.memory_space<hbm>> -> memref<320xf32, #tpu.memory_space<hbm>>
      %dma_start3A_135 = tpu.memref_slice %arg6[%mul3A_132] : memref<10240xf32, #tpu.memory_space<hbm>> -> memref<320xf32, #tpu.memory_space<hbm>>
      %dma_start3A_136 = tpu.memref_slice %arg9[%mul3A_132] : memref<10240xf32, #tpu.memory_space<vmem>> -> memref<320xf32, #tpu.memory_space<vmem>>
      tpu.enqueue_dma source(%dma_start3A_136 : memref<320xf32, #tpu.memory_space<vmem>>) target(%dma_start3A_135 : memref<320xf32, #tpu.memory_space<hbm>>) target_semaphore(%run_scoped3A : memref<!tpu.dma_semaphore, #tpu.memory_space<semaphore_mem>>)
      %dma_wait3A = tpu.memref_slice %arg9[%mul3A_132] : memref<10240xf32, #tpu.memory_space<vmem>> -> memref<320xf32, #tpu.memory_space<vmem>>
      %dma_wait3A_137 = tpu.memref_slice %arg6[%mul3A_132] : memref<10240xf32, #tpu.memory_space<hbm>> -> memref<320xf32, #tpu.memory_space<hbm>>
      %dma_wait3A_138 = tpu.memref_slice %arg6[%mul3A_132] : memref<10240xf32, #tpu.memory_space<hbm>> -> memref<320xf32, #tpu.memory_space<hbm>>
      %dma_wait3A_139 = tpu.memref_slice %arg9[%mul3A_132] : memref<10240xf32, #tpu.memory_space<vmem>> -> memref<320xf32, #tpu.memory_space<vmem>>
      tpu.wait_dma2 semaphore(%run_scoped3A : memref<!tpu.dma_semaphore, #tpu.memory_space<semaphore_mem>>) src(%dma_wait3A_139 : memref<320xf32, #tpu.memory_space<vmem>>) dst(%dma_wait3A_138 : memref<320xf32, #tpu.memory_space<hbm>>)
      tpu.yield
    }) : () -> ()
    return
  }
}

module attributes {stable_mosaic.version = 14 : i64} {
  func.func @_lin_body(%arg0: i32, %arg1: memref<1000x256xf32, #tpu.memory_space<vmem>>, %arg2: memref<1000x8xf32, #tpu.memory_space<vmem>>, %arg3: memref<256x256xf32, #tpu.memory_space<vmem>>, %arg4: memref<1x256xf32, #tpu.memory_space<vmem>>, %arg5: memref<1000x256xf32, #tpu.memory_space<vmem>>) attributes {dimension_semantics = [#tpu.dimension_semantics<arbitrary>], iteration_bounds = array<i64: 10>, scalar_prefetch = 0 : i64, scratch_operands = 0 : i64, tpu.core_type = #tpu.core_type<tc>, window_params = [{transform_indices = @transform_0, window_bounds = array<i64: 1000, 256>}, {transform_indices = @transform_1, window_bounds = array<i64: 1000, 8>}, {pipeline_mode = #tpu.pipeline_mode<synchronous>, transform_indices = @transform_2, window_bounds = array<i64: 256, 256>}, {pipeline_mode = #tpu.pipeline_mode<synchronous>, transform_indices = @transform_3, window_bounds = array<i64: 1, 256>}, {transform_indices = @transform_4, window_bounds = array<i64: 1000, 256>}]} {
    %get3A = arith.constant 0 : index
    %get3A_0 = arith.constant 0 : index
    %get3A_1 = vector.load %arg2[%get3A, %get3A_0] : memref<1000x8xf32, #tpu.memory_space<vmem>>, vector<1000x8xf32>
    %slice3A = vector.extract_strided_slice %get3A_1 {offsets = [0, 0], sizes = [1000, 1], strides = [1, 1]} : vector<1000x8xf32> to vector<1000x1xf32>
    %max3A = arith.constant 1.000000e+00 : f32
    %max3A_2 = vector.broadcast %max3A : f32 to vector<1000x1xf32>
    %max3A_3 = arith.maximumf %slice3A, %max3A_2 : vector<1000x1xf32>
    %div3A = arith.constant 1.000000e+00 : f32
    %div3A_4 = vector.broadcast %div3A : f32 to vector<1000x1xf32>
    %div3A_5 = arith.divf %div3A_4, %max3A_3 : vector<1000x1xf32>
    %get3A_6 = arith.constant 0 : index
    %get3A_7 = arith.constant 0 : index
    %get3A_8 = vector.load %arg1[%get3A_6, %get3A_7] : memref<1000x256xf32, #tpu.memory_space<vmem>>, vector<1000x256xf32>
    %mul3A = vector.broadcast %div3A_5 : vector<1000x1xf32> to vector<1000x256xf32>
    %mul3A_9 = arith.mulf %get3A_8, %mul3A : vector<1000x256xf32>
    %get3A_10 = arith.constant 0 : index
    %get3A_11 = arith.constant 0 : index
    %get3A_12 = vector.load %arg3[%get3A_10, %get3A_11] : memref<256x256xf32, #tpu.memory_space<vmem>>, vector<256x256xf32>
    %dot_general3A = arith.constant dense<0.000000e+00> : vector<1000x256xf32>
    %dot_general3A_13 = tpu.matmul %mul3A_9, %get3A_12, %dot_general3A {dimension_numbers = #tpu.dot_dimension_numbers<[1], [0], [0], [1], [0, 0, 1, 1], [], []>, transpose_lhs_hint = false} : vector<1000x256xf32>, vector<256x256xf32>, vector<1000x256xf32> -> vector<1000x256xf32>
    %get3A_14 = arith.constant 0 : index
    %get3A_15 = arith.constant 0 : index
    %get3A_16 = vector.load %arg4[%get3A_14, %get3A_15] : memref<1x256xf32, #tpu.memory_space<vmem>>, vector<1x256xf32>
    %add3A = vector.broadcast %get3A_16 : vector<1x256xf32> to vector<1000x256xf32>
    %add3A_17 = arith.addf %dot_general3A_13, %add3A : vector<1000x256xf32>
    %max3A_18 = arith.constant 0.000000e+00 : f32
    %max3A_19 = vector.broadcast %max3A_18 : f32 to vector<1000x256xf32>
    %max3A_20 = arith.maximumf %add3A_17, %max3A_19 : vector<1000x256xf32>
    %swap3A = arith.constant 0 : index
    %swap3A_21 = arith.constant 0 : index
    %swap3A_22 = vector.load %arg5[%swap3A, %swap3A_21] : memref<1000x256xf32, #tpu.memory_space<vmem>>, vector<1000x256xf32>
    tpu.vector_store %arg5[%swap3A, %swap3A_21], %max3A_20 {strides = array<i32>} : memref<1000x256xf32, #tpu.memory_space<vmem>>, vector<1000x256xf32>,
    return
  }
  func.func @transform_0(%arg0: i32) -> (i32, i32) {
    %c0_i32 = arith.constant 0 : i32
    %c0_i32_0 = arith.constant 0 : i32
    return %arg0, %c0_i32 : i32, i32
  }
  func.func @transform_1(%arg0: i32) -> (i32, i32) {
    %c0_i32 = arith.constant 0 : i32
    %c0_i32_0 = arith.constant 0 : i32
    return %arg0, %c0_i32 : i32, i32
  }
  func.func @transform_2(%arg0: i32) -> (i32, i32) {
    %c0_i32 = arith.constant 0 : i32
    %c0_i32_0 = arith.constant 0 : i32
    %c0_i32_1 = arith.constant 0 : i32
    return %c0_i32, %c0_i32_0 : i32, i32
  }
  func.func @transform_3(%arg0: i32) -> (i32, i32) {
    %c0_i32 = arith.constant 0 : i32
    %c0_i32_0 = arith.constant 0 : i32
    %c0_i32_1 = arith.constant 0 : i32
    return %c0_i32, %c0_i32_0 : i32, i32
  }
  func.func @transform_4(%arg0: i32) -> (i32, i32) {
    %c0_i32 = arith.constant 0 : i32
    %c0_i32_0 = arith.constant 0 : i32
    return %arg0, %c0_i32 : i32, i32
  }
}

module attributes {stable_mosaic.version = 14 : i64} {
  func.func @_lin_body(%arg0: i32, %arg1: memref<1000x256xf32, #tpu.memory_space<vmem>>, %arg2: memref<1000x8xf32, #tpu.memory_space<vmem>>, %arg3: memref<256x256xf32, #tpu.memory_space<vmem>>, %arg4: memref<1x256xf32, #tpu.memory_space<vmem>>, %arg5: memref<1000x256xf32, #tpu.memory_space<vmem>>) attributes {dimension_semantics = [#tpu.dimension_semantics<arbitrary>], iteration_bounds = array<i64: 10>, scalar_prefetch = 0 : i64, scratch_operands = 0 : i64, tpu.core_type = #tpu.core_type<tc>, window_params = [{transform_indices = @transform_0, window_bounds = array<i64: 1000, 256>}, {transform_indices = @transform_1, window_bounds = array<i64: 1000, 8>}, {pipeline_mode = #tpu.pipeline_mode<synchronous>, transform_indices = @transform_2, window_bounds = array<i64: 256, 256>}, {pipeline_mode = #tpu.pipeline_mode<synchronous>, transform_indices = @transform_3, window_bounds = array<i64: 1, 256>}, {transform_indices = @transform_4, window_bounds = array<i64: 1000, 256>}]} {
    %get3A = arith.constant 0 : index
    %get3A_0 = arith.constant 0 : index
    %get3A_1 = vector.load %arg2[%get3A, %get3A_0] : memref<1000x8xf32, #tpu.memory_space<vmem>>, vector<1000x8xf32>
    %slice3A = vector.extract_strided_slice %get3A_1 {offsets = [0, 0], sizes = [1000, 1], strides = [1, 1]} : vector<1000x8xf32> to vector<1000x1xf32>
    %max3A = arith.constant 1.000000e+00 : f32
    %max3A_2 = vector.broadcast %max3A : f32 to vector<1000x1xf32>
    %max3A_3 = arith.maximumf %slice3A, %max3A_2 : vector<1000x1xf32>
    %div3A = arith.constant 1.000000e+00 : f32
    %div3A_4 = vector.broadcast %div3A : f32 to vector<1000x1xf32>
    %div3A_5 = arith.divf %div3A_4, %max3A_3 : vector<1000x1xf32>
    %get3A_6 = arith.constant 0 : index
    %get3A_7 = arith.constant 0 : index
    %get3A_8 = vector.load %arg1[%get3A_6, %get3A_7] : memref<1000x256xf32, #tpu.memory_space<vmem>>, vector<1000x256xf32>
    %mul3A = vector.broadcast %div3A_5 : vector<1000x1xf32> to vector<1000x256xf32>
    %mul3A_9 = arith.mulf %get3A_8, %mul3A : vector<1000x256xf32>
    %get3A_10 = arith.constant 0 : index
    %get3A_11 = arith.constant 0 : index
    %get3A_12 = vector.load %arg3[%get3A_10, %get3A_11] : memref<256x256xf32, #tpu.memory_space<vmem>>, vector<256x256xf32>
    %dot_general3A = arith.constant dense<0.000000e+00> : vector<1000x256xf32>
    %dot_general3A_13 = tpu.matmul %mul3A_9, %get3A_12, %dot_general3A {dimension_numbers = #tpu.dot_dimension_numbers<[1], [0], [0], [1], [0, 0, 1, 1], [], []>, transpose_lhs_hint = false} : vector<1000x256xf32>, vector<256x256xf32>, vector<1000x256xf32> -> vector<1000x256xf32>
    %get3A_14 = arith.constant 0 : index
    %get3A_15 = arith.constant 0 : index
    %get3A_16 = vector.load %arg4[%get3A_14, %get3A_15] : memref<1x256xf32, #tpu.memory_space<vmem>>, vector<1x256xf32>
    %add3A = vector.broadcast %get3A_16 : vector<1x256xf32> to vector<1000x256xf32>
    %add3A_17 = arith.addf %dot_general3A_13, %add3A : vector<1000x256xf32>
    %max3A_18 = arith.constant 0.000000e+00 : f32
    %max3A_19 = vector.broadcast %max3A_18 : f32 to vector<1000x256xf32>
    %max3A_20 = arith.maximumf %add3A_17, %max3A_19 : vector<1000x256xf32>
    %swap3A = arith.constant 0 : index
    %swap3A_21 = arith.constant 0 : index
    %swap3A_22 = vector.load %arg5[%swap3A, %swap3A_21] : memref<1000x256xf32, #tpu.memory_space<vmem>>, vector<1000x256xf32>
    tpu.vector_store %arg5[%swap3A, %swap3A_21], %max3A_20 {strides = array<i32>} : memref<1000x256xf32, #tpu.memory_space<vmem>>, vector<1000x256xf32>,
    return
  }
  func.func @transform_0(%arg0: i32) -> (i32, i32) {
    %c0_i32 = arith.constant 0 : i32
    %c0_i32_0 = arith.constant 0 : i32
    return %arg0, %c0_i32 : i32, i32
  }
  func.func @transform_1(%arg0: i32) -> (i32, i32) {
    %c0_i32 = arith.constant 0 : i32
    %c0_i32_0 = arith.constant 0 : i32
    return %arg0, %c0_i32 : i32, i32
  }
  func.func @transform_2(%arg0: i32) -> (i32, i32) {
    %c0_i32 = arith.constant 0 : i32
    %c0_i32_0 = arith.constant 0 : i32
    %c0_i32_1 = arith.constant 0 : i32
    return %c0_i32, %c0_i32_0 : i32, i32
  }
  func.func @transform_3(%arg0: i32) -> (i32, i32) {
    %c0_i32 = arith.constant 0 : i32
    %c0_i32_0 = arith.constant 0 : i32
    %c0_i32_1 = arith.constant 0 : i32
    return %c0_i32, %c0_i32_0 : i32, i32
  }
  func.func @transform_4(%arg0: i32) -> (i32, i32) {
    %c0_i32 = arith.constant 0 : i32
    %c0_i32_0 = arith.constant 0 : i32
    return %arg0, %c0_i32 : i32, i32
  }
}

</mosaic_0001>

<sc_bundles>
// kernel: kernel.10.cloned.1.call-start
scs
__scs_entry_jumppad:
0x0: {  	(pc) =	sbr.rel $0x88, $3  }
0x1: {  	(tag) =	ssettag $0x0;
	lr =	simm.s32 $0x1  }
0x2: {  	[smem:$0x3F99] =	sst lr;
	_ =	strace $0xD0000000  }
0x3: {  	_ = 	snop  }
0x4: {  	_ = 	snop  }
0x5: {  	_ = 	snop  }
0x6: {  	_ = 	snop  }
0x7: {  	_ = 	snop  }
__scs_overlays_trampoline_lowered:
0x8: {  	[smem:$0x3FA8] =	sst s0  }
0x9: {  	[smem:$0x3FA9] =	sst s1  }
0xa: {  	[smem:$0x3FAA] =	sst s2  }
0xb: {  	[smem:$0x3FAB] =	sst s3  }
0xc: {  	[smem:$0x3FAC] =	sst s4  }
0xd: {  	[smem:$0x3FAD] =	sst s5  }
0xe: {  	[smem:$0x3FAE] =	sst s6  }
0xf: {  	[smem:$0x3FAF] =	sst s7  }
0x10: {  	[smem:$0x3FB0] =	sst s8  }
0x11: {  	[smem:$0x3FB1] =	sst s9;
	s0 =	simm.s32 @!p0 $0x0  }
0x12: {  	s1 =	sld [smem:$0x3F97];
	s0 =	simm.s32 @p0 $0x1  }
0x13: {  	[smem:$0x3FB2] =	sst s0;
	s0 =	simm.s32 @!p1 $0x0  }
0x14: {  	s2 =	sld [smem:$0x3F96];
	s0 =	simm.s32 @p1 $0x1  }
0x15: {  	[smem:$0x3FB3] =	sst s0;
	s0 =	simm.s32 @!p2 $0x0  }
0x16: {  	s3 =	sld [smem:$0x3FDB];
	s0 =	simm.s32 @p2 $0x1  }
0x17: {  	s4 =	simm.s32 $0x1BF5;
	[smem:$0x3FB5] =	sst s0  }
0x18: {  	s0 =	sld [smem:$0x3F98];
	_ =	swait.ge [sflag:s4], $0x0  }
0x19: {  	s7 =	sld [smem:$0x3F99]  }
0x1a: {  	s8 =	sadd.s32 $0xFFFFE003, lr  }
0x1b: {  	s9 =	sadd.s32 $0xFFFFFEF7, lr;
	s5 =	simm.s32 $0xFFFFFFFF;
	p2 =	slt.u32 s8, $0xFFFFF086  }
0x1c: {  	p1 =	slt.u32 s9, $0xF7A;
	s5 =	simm.s32 @!p2 $0x0  }
0x1d: {  	s5 =	simm.s32 @p1 $0x1;
	p0 =	seq.s32 s7, s2  }
0x1e: {  	s7 =	smul.u32 @!p0 $0xF7A, s2;
	p2 =	seq.s32 @!p0 s5, $0x0  }
0x1f: {  	s9 =	smul.u32 $0xF7A, s1;
	s8 =	simm.s32 @!p0 $0x1BF5;
	p2 =	por !p2, p0  }
0x20: {  	[sflag:s8] =	ssyncset.s32 @!p0 $0xFFFFF086;
	s6 =	sadd.s32 @!p0 s3, s7;
	s7 =	simm.s32 @!p0 $0x108  }
0x21: {  	s3 =	sadd.s32 s3, s9;
	s6 =	sadd.s32 @!p0 $0x88, s6;
	s7 =	simm.s32 @p2 $0x1082  }
0x22: {  	[simem:s7], [sflag:s8] =	dma.local @!p0 [hbm:s6], $0xF7A  }
0x23: {  	s9 =	sor.u32 $0xD0000000, s2;
	s6 =	simm.s32 $0x108;
	_ =	swait.ge @!p0 [sflag:s8], $0x0  }
0x24: {  	s3 =	sadd.s32 $0x88, s3;
	s6 =	simm.s32 @!p1 $0x1082;
	[sflag:s4] =	ssyncset.s32 $0xFFFFF086  }
0x25: {  	[simem:s6], [sflag:s4] =	dma.local [hbm:s3], $0xF7A  }
0x26: {  	[smem:$0x3F99] =	sst s1;
	(tag) =	ssettag s2;
	_ =	strace s9  }
0x27: {  	s1 =	sld [smem:$0x3FA9]  }
0x28: {  	s2 =	sld [smem:$0x3FAA]  }
0x29: {  	s4 =	sld [smem:$0x3FAC]  }
0x2a: {  	p0 =	seq.s32 s5, $0x0;
	s5 =	sld [smem:$0x3FAD]  }
0x2b: {  	s6 =	sld [smem:$0x3FAE]  }
0x2c: {  	s7 =	sld [smem:$0x3FAF]  }
0x2d: {  	s3 =	simm.s32 $0x108;
	s8 =	sld [smem:$0x3FB0]  }
0x2e: {  	s3 =	simm.s32 @!p0 $0x1082;
	s9 =	sld [smem:$0x3FB1]  }
0x2f: {  	lr =	sadd.s32 s0, s3;
	s0 =	sld [smem:$0x3FA8]  }
0x30: {  	s3 =	sld [smem:$0x3FAB]  }
0x31: {  	[smem:$0x3FB4] =	sst s10  }
0x32: {  	s10 =	sld [smem:$0x3FB2];
	_ =	sdelay $0x3  }
0x33: {  	p0 =	seq.s32 s10, $0x1;
	s10 =	sld [smem:$0x3FB4];
	_ =	sdelay $0x3  }
0x34: {  	[smem:$0x3FB4] =	sst s10  }
0x35: {  	s10 =	sld [smem:$0x3FB3];
	_ =	sdelay $0x3  }
0x36: {  	p1 =	seq.s32 s10, $0x1;
	s10 =	sld [smem:$0x3FB4];
	_ =	sdelay $0x3  }
0x37: {  	[smem:$0x3FB4] =	sst s10  }
0x38: {  	s10 =	sld [smem:$0x3FB5]  }
0x39: {  	_ = 	snop;
	(pc) =	sbr.ind lr, $3  }
0x3a: {  	_ = 	snop  }
0x3b: {  	_ = 	snop  }
0x3c: {  	p2 =	seq.s32 s10, $0x1;
	s10 =	sld [smem:$0x3FB4]  }
0x3d: {  	_ =	shalt  }
0x3e: {  	_ =	shalt  }
0x3f: {  	_ =	shalt  }
0x40: {  	_ =	shalt  }
0x41: {  	_ =	shalt  }
0x42: {  	_ =	shalt  }
0x43: {  	_ =	shalt  }
0x44: {  	_ =	shalt  }
0x45: {  	_ =	shalt  }
0x46: {  	_ =	shalt  }
0x47: {  	_ =	shalt  }
0x48: {  	_ =	shalt  }
0x49: {  	_ =	shalt  }
0x4a: {  	_ =	shalt  }
0x4b: {  	_ =	shalt  }
0x4c: {  	_ =	shalt  }
0x4d: {  	_ =	shalt  }
0x4e: {  	_ =	shalt  }
0x4f: {  	_ =	shalt  }
0x50: {  	_ =	shalt  }
0x51: {  	_ =	shalt  }
0x52: {  	_ =	shalt  }
0x53: {  	_ =	shalt  }
0x54: {  	_ =	shalt  }
0x55: {  	_ =	shalt  }
0x56: {  	_ =	shalt  }
0x57: {  	_ =	shalt  }
0x58: {  	_ =	shalt  }
0x59: {  	_ =	shalt  }
0x5a: {  	_ =	shalt  }
0x5b: {  	_ =	shalt  }
0x5c: {  	_ =	shalt  }
0x5d: {  	_ =	shalt  }
0x5e: {  	_ =	shalt  }
0x5f: {  	_ =	shalt  }
0x60: {  	_ =	shalt  }
0x61: {  	_ =	shalt  }
0x62: {  	_ =	shalt  }
0x63: {  	_ =	shalt  }
0x64: {  	_ =	shalt  }
0x65: {  	_ =	shalt  }
0x66: {  	_ =	shalt  }
0x67: {  	_ =	shalt  }
0x68: {  	_ =	shalt  }
0x69: {  	_ =	shalt  }
0x6a: {  	_ =	shalt  }
0x6b: {  	_ =	shalt  }
0x6c: {  	_ =	shalt  }
0x6d: {  	_ =	shalt  }
0x6e: {  	_ =	shalt  }
0x6f: {  	_ =	shalt  }
0x70: {  	_ =	shalt  }
0x71: {  	_ =	shalt  }
0x72: {  	_ =	shalt  }
0x73: {  	_ =	shalt  }
0x74: {  	_ =	shalt  }
0x75: {  	_ =	shalt  }
0x76: {  	_ =	shalt  }
0x77: {  	_ =	shalt  }
0x78: {  	_ =	shalt  }
0x79: {  	_ =	shalt  }
0x7a: {  	_ =	shalt  }
0x7b: {  	_ =	shalt  }
0x7c: {  	_ =	shalt  }
0x7d: {  	_ =	shalt  }
0x7e: {  	_ =	shalt  }
0x7f: {  	_ =	shalt  }
0x80: {  	_ =	shalt  }
0x81: {  	_ =	shalt  }
0x82: {  	_ =	shalt  }
0x83: {  	_ =	shalt  }
0x84: {  	_ =	shalt  }
0x85: {  	_ =	shalt  }
0x86: {  	_ =	shalt  }
0x87: {  	_ =	shalt  }
.Lfunc_end0:
.L_simem_size_0:
called_computation.1_lowered:
.L_overlay_start_0:
0x88: {  	s2 =	sld [smem:$0x3FD9]  }
0x89: {  	s3 =	sld [smem:$0x3FFE];
	_ =	sdelay $0x1  }
0x8a: {  	s1 =	srdreg.scid  }
0x8b: {  	s0 =	sand.u32 $0x1, s1  }
0x8c: {  	s17 =	sshll.u32 s0, $0xA;
	s2 =	sadd.s32 s3, s2  }
0x8d: {  	s2 =	sadd.s32 s2, s17  }
0x8e: {  	[smem:$0x3FC0] =	sst s2  }
0x8f: {  	_ = 	snop  }
0x90: {  	s2 =	sld [smem:$0x3FD0];
	(tm) =	ssettm $0x1  }
0x91: {  	s18 =	sld [smem:$0x3FFB];
	_ =	sdelay $0x3  }
0x92: {  	_ =	strace s18  }
0x93: {  	s3 =	sld [smem:$0x3FFC];
	_ =	sdelay $0x3  }
0x94: {  	_ =	strace s3  }
0x95: {  	s3 =	sld [smem:$0x3FFD];
	_ =	sdelay $0x3  }
0x96: {  	_ =	strace s3  }
0x97: {  	_ =	strace $0x8FFFFFFF  }
0x98: {  	s19 =	sld [smem:$0x3FDB];
	_ =	sdelay $0x1  }
0x99: {  	s4 =	simm.s32 $_scs_section_size  }
0x9a: {  	s5 =	simm.s32 $_size__tile_overlayer_lowered;
	s6 =	simm.s32 $_tile_overlayer_lowered  }
0x9b: {  	s22 =	simm.s32 $0x1BFF;
	s21 =	sshll.u32 s6, $0x1;
	s3 =	sadd.s32 s4, s19  }
0x9c: {  	s7 =	simm.s32 $0x0;
	s20 =	sshll.u32 s5, $0x1;
	s5 =	sadd.s32 s21, s3  }
0x9d: {  	[timem:s7], [sflag:s22] =	dma.local [hbm:s5], s20  }
0x9e: {  	_ =	swait.ge [sflag:s22], s20  }
0x9f: {  	s4 =	ssub.s32 $0x0, s20;
	[sflag:s22] =	ssyncset.done $0x0  }
0xa0: {  	[sflag:s22] =	ssyncadd.s32 s4;
	_ =	sdelay $0x1  }
0xa1: {  	s23 =	simm.s32 $0x1B8B  }
0xa2: {  	_ =	swait.ge [sflag:s23], $0x1  }
0xa3: {  	[sflag:s23] =	ssyncset.done $0x0  }
0xa4: {  	s25 =	simm.s32 $0x1B8E;
	s24 =	sld [smem:$0x3FFE];
	[sflag:s23] =	ssyncadd.s32 $0xFFFFFFFF  }
0xa5: {  	s26 =	simm.s32 $execute0_lowered;
	[smem:$0x3FD2] =	sst s25  }
0xa6: {  	s5 =	sshll.u32 s26, $0x1;
	_ =	strace $0x80000049;
	[dreg:$0x1] =	wrdreg $0xFFFFFFFF  }
0xa7: {  	s28 =	simm.s32 $_size_execute0_lowered;
	s3 =	sadd.s32 s3, s5;
	[dreg:$0x0] =	wrdreg $0x0  }
0xa8: {  	s5 =	sshll.u32 s28, $0x1;
	[dreg:$0x2] =	wrdreg s3  }
0xa9: {  	[dreg:$0x3] =	wrdreg s5  }
0xaa: {  	[dreg:$0x4] =	wrdreg $0xC0  }
0xab: {  	_ =	task [dreg:s7], $0x5FFFF  }
0xac: {  	[dreg:$0x1] =	wrdreg $0xFFFFFFFF  }
0xad: {  	[dreg:$0x0] =	wrdreg $0x60  }
0xae: {  	[dreg:$0x2] =	wrdreg s24  }
0xaf: {  	[dreg:$0x3] =	wrdreg s2  }
0xb0: {  	[dreg:$0x4] =	wrdreg $0x9  }
0xb1: {  	_ =	task.clear_ibuf [dreg:s7], $0x5FFFF;
	_ =	strace $0x90000049  }
0xb2: {  	s29 =	simm.s32 $0x9;
	_ =	strace $0x8000004B  }
0xb3: {  	_ =	swait.ge [sflag:s29], $0x1  }
0xb4: {  	[sflag:s29] =	ssyncadd.s32 $0xFFFFFFFF  }
0xb5: {  	_ =	strace $0x9000004B  }
0xb6: {  	_ =	sfence  }
0xb7: {  	s30 =	sld [smem:$0x0];
	_ =	sdelay $0x2  }
0xb8: {  	s31 =	sshll.u32 s1, $0xD;
	s1 =	sshrl.u32 s1, $0x2  }
0xb9: {  	s3 =	sand.u32 $0x4000, s31;
	s1 =	sadd.s32 s1, s30  }
0xba: {  	s0 =	sor.u32 s3, s0;
	s1 =	sshll.u32 s1, $0x11  }
0xbb: {  	s0 =	sor.u32 s1, s0  }
0xbc: {  	s0 =	sadd.s32 $0x8F2B, s0  }
0xbd: {  	[sflag:s0] =	ssyncadd.remote.s32 $0x1  }
0xbe: {  	_ =	sfence.sel $0xFFFF  }
0xbf: {  	[dreg:$0x0] =	wrdreg $0xFFFFFFFF;
	(pc) =	sbr.abs _section_cstart, $3  }
0xc0: {  	[dreg:$0x1] =	wrdreg $0xFFFFFFFF  }
0xc1: {  	_ =	task.clear_ibuf [dreg:s7], $0x2FFFF;
	_ =	strace $0x9FFFFFFF  }
0xc2: {  	(tm) =	ssettm $0x7FFFFFFF  }
0xc3: {  	_ =	shalt  }
tec
execute0_lowered:
.L_overlay_start_1:
0x0: {  	(tag) =	ssettag $0x1  }
0x1: {  	s13 =	rddreg [dreg:$0x0]  }
0x2: {  	s0 =	rddreg [dreg:$0x1];
	s1 =	simm.s32 $0x0;
	s5 =	srdreg.scid  }
0x3: {  	s8 =	stileid.u32;
	[smem:$0x7FF] =	sst s1  }
0x4: {  	s2 =	sadd.s32 $0x1A00, s13;
	s3 =	sadd.s32 $0x59E00, s13;
	s4 =	sadd.s32 $0x54E00, s13  }
0x5: {  	s5 =	sand.u32 $0x1, s5;
	s6 =	sshll.u32 s8, $0x1;
	s7 =	sadd.s32 $0x5EE00, s13  }
0x6: {  	s8 =	sshrl.u32 s8, $0x2;
	s15 =	sadd.s32 $0x59E40, s13;
	s16 =	sadd.s32 $0x59E50, s13  }
0x7: {  	s17 =	sadd.s32 $0x59E60, s13;
	_ =	strace $0x8000004A;
	[dreg:$0xd] =	wrdreg s15  }
0x8: {  	s18 =	sadd.s32 $0x59E70, s13;
	s19 =	sadd.s32 $0x59E80, s13;
	[dreg:$0xe] =	wrdreg s16  }
0x9: {  	s20 =	sadd.s32 $0x59E90, s13;
	s21 =	sadd.s32 $0x59EA0, s13;
	[dreg:$0xf] =	wrdreg s17  }
0xa: {  	s22 =	sadd.s32 $0x59EB0, s13;
	s23 =	sadd.s32 $0x59EC0, s13;
	[dreg:$0x10] =	wrdreg s18  }
0xb: {  	s29 =	sadd.s32 $0x54E20, s13;
	s30 =	sadd.s32 $0x54E30, s13;
	[dreg:$0x11] =	wrdreg s19  }
0xc: {  	s31 =	sadd.s32 $0x54E40, s13;
	s6 =	sor.u32 s5, s6;
	[dreg:$0x12] =	wrdreg s20  }
0xd: {  	s5 =	ssub.s32 $0x2, s5;
	s10 =	smul.u32 $0x4E400, s8;
	[dreg:$0x13] =	wrdreg s21  }
0xe: {  	s11 =	smul.u32 $0x4F000, s8;
	s8 =	sor.u32 $0x4, s8;
	[dreg:$0x14] =	wrdreg s22  }
0xf: {  	[dreg:$0x15] =	wrdreg s23;
	s15 =	simm.s32 $0x400;
	s16 =	simm.s32 $0x2  }
0x10: {  	s17 =	simm.s32 $0x1;
	s18 =	simm.s32 $0x9C80;
	s14 =	smul.u32 $0x4E400, s8  }
0x11: {  	s19 =	simm.s32 $0x13A80;
	s20 =	simm.s32 $0x0;
	s8 =	smul.u32 $0x4F000, s8  }
0x12: {  	s9 =	sshll.u32 s6, $0x7;
	s12 =	sshrl.u32 s5, $0x1;
	s6 =	smul.u32 $0x140, s6  }
0x13: {  	s9 =	sand.u32 $0x380, s9;
	s5 =	ssub.s32 s5, s12;
	s12 =	sadd.s32 $0x59E20, s13  }
0x14: {  	s10 =	sor.u32 s10, s9;
	s11 =	sor.u32 s11, s9;
	s25 =	sor.u32 s14, s9  }
0x15: {  	s8 =	sor.u32 s8, s9;
	s9 =	sadd.s32 $0x13A80, s6;
	[dreg:$0xb] =	wrdreg s12  }
0x16: {  	s14 =	sadd.s32 $0x59E30, s13;
	s10 =	sshrl.u32 s10, $0x3;
	[dreg:$0x8] =	wrdreg s9  }
0x17: {  	s24 =	sshrl.u32 s11, $0x3;
	s11 =	sadd.s32 $0x59E10, s13;
	[dreg:$0xc] =	wrdreg s14  }
0x18: {  	s28 =	sshrl.u32 s25, $0x3;
	s25 =	sadd.s32 $0x59EE0, s13;
	[dreg:$0xa] =	wrdreg s11  }
0x19: {  	s12 =	sadd.s32 $0x54EE0, s13;
	s10 =	sadd.s32 s2, s10;
	[dreg:$0x17] =	wrdreg s25  }
0x1a: {  	s8 =	sshrl.u32 s8, $0x3;
	s26 =	sadd.s32 s7, s24;
	[dreg:$0x3] =	wrdreg s10  }
0x1b: {  	s9 =	sadd.s32 $0x54EB0, s13;
	s2 =	sadd.s32 s2, s28;
	[dreg:$0x4] =	wrdreg s26  }
0x1c: {  	s14 =	simm.s32 $0x80;
	s7 =	sadd.s32 s7, s8;
	[dreg:$0x5] =	wrdreg s2  }
0x1d: {  	s8 =	sshrl.u32 s6, $0x3;
	s24 =	sadd.s32 $0x59ED0, s13;
	[dreg:$0x6] =	wrdreg s7  }
0x1e: {  	s28 =	sadd.s32 $0x54E10, s13;
	s6 =	sadd.s32 $0x54E80, s13;
	[dreg:$0x16] =	wrdreg s24  }
0x1f: {  	s11 =	sadd.s32 $0x54ED0, s13;
	s0 =	sadd.s32 s0, s8;
	[dreg:$0x19] =	wrdreg s28  }
0x20: {  	s10 =	smax.u32 s5, $0x1;
	s26 =	sadd.s32 $0x59EF0, s13;
	[dreg:$0x7] =	wrdreg s0  }
0x21: {  	s2 =	sadd.s32 $0x54E60, s13;
	s5 =	sadd.s32 $0x54E70, s13;
	[dreg:$0x9] =	wrdreg s10  }
0x22: {  	s7 =	sadd.s32 $0x54E90, s13;
	s8 =	sadd.s32 $0x54EA0, s13;
	[dreg:$0x18] =	wrdreg s26  }
0x23: {  	v0 =	vimm.f32 $0.0e+00;
	v1 =	vimm.f32 $1.000000000e+00;
	s0 =	sadd.s32 $0x54E50, s13;
	s10 =	sadd.s32 $0x54EC0, s13;
	s13 =	sadd.s32 $0x54EF0, s13  }
.LBB2_1:
0x24: {  	s21 =	simm.s32 $0x40;
	s22 =	simm.s32 $0x0  }
.LBB2_2:
0x25: {  	p0 =	sne.s32 s21, $0x9FC0;
	[tilespmem:s22+$0x13A80] =	vst v0;
	s22 =	smov.u32 s21;
	s21 =	sadd.s32 $0x40, s21  }
.Ltmp0:
0x26: {  	(pc) =	sbr.rel @p0 .LBB2_2-.Ltmp0, $2  }
0x27: {  	_ =	sdelay $0x2  }
0x28: {  	s22 =	sshra.s32 s22, $0x2  }
0x29: {  	[tilespmem:s22+$0x13A80] =	vst v0;
	s21 =	simm.s32 $0x0;
	s28 =	rddreg [dreg:$0x3]  }
0x2a: {  	[tilespmem:s21], [sflag:$0x2] =	stream.strided.gather [hbm4b:s28+s14], $0x9C80, s15, s14, $0x38;
	[tilespmem:$0x18280] =	vst v63  }
0x2b: {  	_ =	swait.ge [sflag:s16], $0x9C80  }
0x2c: {  	[sflag:s16] =	ssyncset.done $0x0  }
0x2d: {  	s22 =	simm.s32 $0x0;
	s21 =	simm.s32 $0x40;
	[sflag:s16] =	ssyncadd.s32 $0xFFFF6380  }
.LBB2_4:
0x2e: {  	p0 =	sne.s32 s21, $0x277C0;
	[tilespmem:s22+$0x9C80] =	vst v0;
	s22 =	smov.u32 s21;
	s21 =	sadd.s32 $0x40, s21  }
.Ltmp1:
0x2f: {  	(pc) =	sbr.rel @p0 .LBB2_4-.Ltmp1, $2  }
0x30: {  	_ =	sdelay $0x2  }
0x31: {  	s22 =	sshra.s32 s22, $0x2  }
0x32: {  	[tilespmem:s22+$0x9C80] =	vst v0;
	s23 =	simm.s32 $0x0;
	s21 =	simm.s32 $0x16280  }
0x33: {  	[tilespmem:s21], [sflag:$0x1] =	stream.linear.gather [hbm4b:s3+s23], $0x80, $0x38;
	[tilespmem:$0x18280] =	vst v63  }
0x34: {  	s24 =	rddreg [dreg:$0xa];
	s25 =	simm.s32 $0x16380  }
0x35: {  	[tilespmem:s25], [sflag:$0x1] =	stream.linear.gather [hbm4b:s24+s23], $0x80, $0x38;
	[tilespmem:$0x18280] =	vst v63  }
0x36: {  	s26 =	rddreg [dreg:$0xb];
	s28 =	simm.s32 $0x16480  }
0x37: {  	[tilespmem:s28], [sflag:$0x1] =	stream.linear.gather [hbm4b:s26+s23], $0x80, $0x38;
	[tilespmem:$0x18280] =	vst v63  }
0x38: {  	s24 =	rddreg [dreg:$0xc];
	s25 =	simm.s32 $0x16580  }
0x39: {  	[tilespmem:s25], [sflag:$0x1] =	stream.linear.gather [hbm4b:s24+s23], $0x80, $0x38;
	[tilespmem:$0x18280] =	vst v63  }
0x3a: {  	s26 =	rddreg [dreg:$0xd];
	s28 =	simm.s32 $0x16680  }
0x3b: {  	[tilespmem:s28], [sflag:$0x1] =	stream.linear.gather [hbm4b:s26+s23], $0x80, $0x38;
	[tilespmem:$0x18280] =	vst v63  }
0x3c: {  	s24 =	rddreg [dreg:$0xe];
	s25 =	simm.s32 $0x16780  }
0x3d: {  	[tilespmem:s25], [sflag:$0x1] =	stream.linear.gather [hbm4b:s24+s23], $0x80, $0x38;
	[tilespmem:$0x18280] =	vst v63  }
0x3e: {  	s26 =	rddreg [dreg:$0xf];
	s28 =	simm.s32 $0x16880  }
0x3f: {  	[tilespmem:s28], [sflag:$0x1] =	stream.linear.gather [hbm4b:s26+s23], $0x80, $0x38;
	[tilespmem:$0x18280] =	vst v63  }
0x40: {  	s24 =	rddreg [dreg:$0x10];
	s25 =	simm.s32 $0x16980  }
0x41: {  	[tilespmem:s25], [sflag:$0x1] =	stream.linear.gather [hbm4b:s24+s23], $0x80, $0x38;
	[tilespmem:$0x18280] =	vst v63  }
0x42: {  	s26 =	rddreg [dreg:$0x11];
	s28 =	simm.s32 $0x16A80  }
0x43: {  	[tilespmem:s28], [sflag:$0x1] =	stream.linear.gather [hbm4b:s26+s23], $0x80, $0x38;
	[tilespmem:$0x18280] =	vst v63  }
0x44: {  	s24 =	rddreg [dreg:$0x12];
	s25 =	simm.s32 $0x16B80  }
0x45: {  	[tilespmem:s25], [sflag:$0x1] =	stream.linear.gather [hbm4b:s24+s23], $0x80, $0x38;
	[tilespmem:$0x18280] =	vst v63  }
0x46: {  	s26 =	rddreg [dreg:$0x13];
	s28 =	simm.s32 $0x16C80  }
0x47: {  	[tilespmem:s28], [sflag:$0x1] =	stream.linear.gather [hbm4b:s26+s23], $0x80, $0x38;
	[tilespmem:$0x18280] =	vst v63  }
0x48: {  	s24 =	rddreg [dreg:$0x14];
	s25 =	simm.s32 $0x16D80  }
0x49: {  	[tilespmem:s25], [sflag:$0x1] =	stream.linear.gather [hbm4b:s24+s23], $0x80, $0x38;
	[tilespmem:$0x18280] =	vst v63  }
0x4a: {  	s26 =	rddreg [dreg:$0x15];
	s28 =	simm.s32 $0x16E80  }
0x4b: {  	[tilespmem:s28], [sflag:$0x1] =	stream.linear.gather [hbm4b:s26+s23], $0x80, $0x38;
	[tilespmem:$0x18280] =	vst v63  }
0x4c: {  	s24 =	rddreg [dreg:$0x16];
	s25 =	simm.s32 $0x16F80  }
0x4d: {  	[tilespmem:s25], [sflag:$0x1] =	stream.linear.gather [hbm4b:s24+s23], $0x80, $0x38;
	[tilespmem:$0x18280] =	vst v63  }
0x4e: {  	s26 =	rddreg [dreg:$0x17];
	s28 =	simm.s32 $0x17080  }
0x4f: {  	[tilespmem:s28], [sflag:$0x1] =	stream.linear.gather [hbm4b:s26+s23], $0x80, $0x38;
	[tilespmem:$0x18280] =	vst v63  }
0x50: {  	s22 =	rddreg [dreg:$0x18];
	s24 =	simm.s32 $0x17180  }
0x51: {  	[tilespmem:s24], [sflag:$0x1] =	stream.linear.gather [hbm4b:s22+s23], $0x80, $0x38;
	[tilespmem:$0x18280] =	vst v63  }
0x52: {  	s25 =	simm.s32 $0x17280  }
0x53: {  	[tilespmem:s25], [sflag:$0x1] =	stream.linear.gather [hbm4b:s4+s23], $0x80, $0x38;
	[tilespmem:$0x18280] =	vst v63  }
0x54: {  	s26 =	rddreg [dreg:$0x19];
	s28 =	simm.s32 $0x17380  }
0x55: {  	[tilespmem:s28], [sflag:$0x1] =	stream.linear.gather [hbm4b:s26+s23], $0x80, $0x38;
	[tilespmem:$0x18280] =	vst v63  }
0x56: {  	s24 =	simm.s32 $0x17480  }
0x57: {  	[tilespmem:s24], [sflag:$0x1] =	stream.linear.gather [hbm4b:s29+s23], $0x80, $0x38;
	[tilespmem:$0x18280] =	vst v63  }
0x58: {  	s25 =	simm.s32 $0x17580  }
0x59: {  	[tilespmem:s25], [sflag:$0x1] =	stream.linear.gather [hbm4b:s30+s23], $0x80, $0x38;
	[tilespmem:$0x18280] =	vst v63  }
0x5a: {  	s26 =	simm.s32 $0x17680  }
0x5b: {  	[tilespmem:s26], [sflag:$0x1] =	stream.linear.gather [hbm4b:s31+s23], $0x80, $0x38;
	[tilespmem:$0x18280] =	vst v63  }
0x5c: {  	s28 =	simm.s32 $0x17780  }
0x5d: {  	[tilespmem:s28], [sflag:$0x1] =	stream.linear.gather [hbm4b:s0+s23], $0x80, $0x38;
	[tilespmem:$0x18280] =	vst v63  }
0x5e: {  	s22 =	simm.s32 $0x17880  }
0x5f: {  	[tilespmem:s22], [sflag:$0x1] =	stream.linear.gather [hbm4b:s2+s23], $0x80, $0x38;
	[tilespmem:$0x18280] =	vst v63  }
0x60: {  	s24 =	simm.s32 $0x17980  }
0x61: {  	[tilespmem:s24], [sflag:$0x1] =	stream.linear.gather [hbm4b:s5+s23], $0x80, $0x38;
	[tilespmem:$0x18280] =	vst v63  }
0x62: {  	s25 =	simm.s32 $0x17A80  }
0x63: {  	[tilespmem:s25], [sflag:$0x1] =	stream.linear.gather [hbm4b:s6+s23], $0x80, $0x38;
	[tilespmem:$0x18280] =	vst v63  }
0x64: {  	s26 =	simm.s32 $0x17B80  }
0x65: {  	[tilespmem:s26], [sflag:$0x1] =	stream.linear.gather [hbm4b:s7+s23], $0x80, $0x38;
	[tilespmem:$0x18280] =	vst v63  }
0x66: {  	s28 =	simm.s32 $0x17C80  }
0x67: {  	[tilespmem:s28], [sflag:$0x1] =	stream.linear.gather [hbm4b:s8+s23], $0x80, $0x38;
	[tilespmem:$0x18280] =	vst v63  }
0x68: {  	s22 =	simm.s32 $0x17D80  }
0x69: {  	[tilespmem:s22], [sflag:$0x1] =	stream.linear.gather [hbm4b:s9+s23], $0x80, $0x38;
	[tilespmem:$0x18280] =	vst v63  }
0x6a: {  	s24 =	simm.s32 $0x17E80  }
0x6b: {  	[tilespmem:s24], [sflag:$0x1] =	stream.linear.gather [hbm4b:s10+s23], $0x80, $0x38;
	[tilespmem:$0x18280] =	vst v63  }
0x6c: {  	s25 =	simm.s32 $0x17F80  }
0x6d: {  	[tilespmem:s25], [sflag:$0x1] =	stream.linear.gather [hbm4b:s11+s23], $0x80, $0x38;
	[tilespmem:$0x18280] =	vst v63  }
0x6e: {  	s26 =	simm.s32 $0x18080  }
0x6f: {  	[tilespmem:s26], [sflag:$0x1] =	stream.linear.gather [hbm4b:s12+s23], $0x80, $0x38;
	[tilespmem:$0x18280] =	vst v63  }
0x70: {  	s28 =	simm.s32 $0x18180  }
0x71: {  	[tilespmem:s28], [sflag:$0x1] =	stream.linear.gather [hbm4b:s13+s23], $0x80, $0x38;
	[tilespmem:$0x18280] =	vst v63  }
.LBB2_7:
0x72: {  	_ =	swait.ge [sflag:s17], $0x800;
	p0 =	seq.s32 s23, $0x4F  }
.Ltmp2:
0x73: {  	[sflag:s17] =	ssyncset.done $0x0;
	(pc) =	sbr.rel @p0 .LBB2_9-.Ltmp2, $4  }
0x74: {  	[sflag:s17] =	ssyncadd.s32 $0xFFFFF800  }
0x75: {  	_ =	swait.ge [sflag:s17], $0x800  }
0x76: {  	[sflag:s17] =	ssyncset.done $0x0  }
0x77: {  	s21 =	sadd.s32 $0x1, s23;
	s22 =	simm.s32 $0x80;
	[sflag:s17] =	ssyncadd.s32 $0xFFFFF800  }
0x78: {  	s22 =	sshll.u32 s23, $0x7  }
0x79: {  	s22 =	sand.u32 $0x80, s22  }
0x7a: {  	s24 =	sshll.u32 s21, $0x8;
	s23 =	sxor.u32 $0x80, s22  }
0x7b: {  	s26 =	sadd.s32 s3, s24;
	s25 =	sadd.s32 $0x16280, s23  }
0x7c: {  	[tilespmem:s25], [sflag:$0x1] =	stream.linear.gather [hbm4b:s26+s1], $0x80, $0x38;
	[tilespmem:$0x18280] =	vst v63  }
0x7d: {  	s28 =	sadd.s32 $0x16380, s23;
	s25 =	sadd.s32 $0x10, s26  }
0x7e: {  	[tilespmem:s28], [sflag:$0x1] =	stream.linear.gather [hbm4b:s25+s1], $0x80, $0x38;
	[tilespmem:$0x18280] =	vst v63  }
0x7f: {  	s25 =	sadd.s32 $0x20, s26;
	s28 =	sadd.s32 $0x16480, s23  }
0x80: {  	[tilespmem:s28], [sflag:$0x1] =	stream.linear.gather [hbm4b:s25+s1], $0x80, $0x38;
	[tilespmem:$0x18280] =	vst v63  }
0x81: {  	s25 =	sadd.s32 $0x30, s26;
	s28 =	sadd.s32 $0x16580, s23  }
0x82: {  	[tilespmem:s28], [sflag:$0x1] =	stream.linear.gather [hbm4b:s25+s1], $0x80, $0x38;
	[tilespmem:$0x18280] =	vst v63  }
0x83: {  	s25 =	sadd.s32 $0x40, s26;
	s28 =	sadd.s32 $0x16680, s23  }
0x84: {  	[tilespmem:s28], [sflag:$0x1] =	stream.linear.gather [hbm4b:s25+s1], $0x80, $0x38;
	[tilespmem:$0x18280] =	vst v63  }
0x85: {  	s25 =	sadd.s32 $0x50, s26;
	s28 =	sadd.s32 $0x16780, s23  }
0x86: {  	[tilespmem:s28], [sflag:$0x1] =	stream.linear.gather [hbm4b:s25+s1], $0x80, $0x38;
	[tilespmem:$0x18280] =	vst v63  }
0x87: {  	s25 =	sadd.s32 $0x60, s26;
	s28 =	sadd.s32 $0x16880, s23  }
0x88: {  	[tilespmem:s28], [sflag:$0x1] =	stream.linear.gather [hbm4b:s25+s1], $0x80, $0x38;
	[tilespmem:$0x18280] =	vst v63  }
0x89: {  	s25 =	sadd.s32 $0x70, s26;
	s28 =	sadd.s32 $0x16980, s23  }
0x8a: {  	[tilespmem:s28], [sflag:$0x1] =	stream.linear.gather [hbm4b:s25+s1], $0x80, $0x38;
	[tilespmem:$0x18280] =	vst v63  }
0x8b: {  	s25 =	sadd.s32 $0x80, s26;
	s28 =	sadd.s32 $0x16A80, s23  }
0x8c: {  	[tilespmem:s28], [sflag:$0x1] =	stream.linear.gather [hbm4b:s25+s1], $0x80, $0x38;
	[tilespmem:$0x18280] =	vst v63  }
0x8d: {  	s25 =	sadd.s32 $0x90, s26;
	s28 =	sadd.s32 $0x16B80, s23  }
0x8e: {  	[tilespmem:s28], [sflag:$0x1] =	stream.linear.gather [hbm4b:s25+s1], $0x80, $0x38;
	[tilespmem:$0x18280] =	vst v63  }
0x8f: {  	s25 =	sadd.s32 $0xA0, s26;
	s28 =	sadd.s32 $0x16C80, s23  }
0x90: {  	[tilespmem:s28], [sflag:$0x1] =	stream.linear.gather [hbm4b:s25+s1], $0x80, $0x38;
	[tilespmem:$0x18280] =	vst v63  }
0x91: {  	s25 =	sadd.s32 $0xB0, s26;
	s28 =	sadd.s32 $0x16D80, s23  }
0x92: {  	[tilespmem:s28], [sflag:$0x1] =	stream.linear.gather [hbm4b:s25+s1], $0x80, $0x38;
	[tilespmem:$0x18280] =	vst v63  }
0x93: {  	s25 =	sadd.s32 $0xC0, s26;
	s28 =	sadd.s32 $0x16E80, s23  }
0x94: {  	[tilespmem:s28], [sflag:$0x1] =	stream.linear.gather [hbm4b:s25+s1], $0x80, $0x38;
	[tilespmem:$0x18280] =	vst v63  }
0x95: {  	s25 =	sadd.s32 $0xD0, s26;
	s28 =	sadd.s32 $0x16F80, s23  }
0x96: {  	[tilespmem:s28], [sflag:$0x1] =	stream.linear.gather [hbm4b:s25+s1], $0x80, $0x38;
	[tilespmem:$0x18280] =	vst v63  }
0x97: {  	s25 =	sadd.s32 $0xE0, s26;
	s28 =	sadd.s32 $0x17080, s23  }
0x98: {  	[tilespmem:s28], [sflag:$0x1] =	stream.linear.gather [hbm4b:s25+s1], $0x80, $0x38;
	[tilespmem:$0x18280] =	vst v63  }
0x99: {  	s26 =	sadd.s32 $0xF0, s26;
	s28 =	sadd.s32 $0x17180, s23  }
0x9a: {  	[tilespmem:s28], [sflag:$0x1] =	stream.linear.gather [hbm4b:s26+s1], $0x80, $0x38;
	[tilespmem:$0x18280] =	vst v63  }
0x9b: {  	s24 =	sadd.s32 s4, s24;
	s28 =	sadd.s32 $0x17280, s23  }
0x9c: {  	[tilespmem:s28], [sflag:$0x1] =	stream.linear.gather [hbm4b:s24+s1], $0x80, $0x38;
	[tilespmem:$0x18280] =	vst v63  }
0x9d: {  	s26 =	sadd.s32 $0x10, s24;
	s28 =	sadd.s32 $0x17380, s23  }
0x9e: {  	[tilespmem:s28], [sflag:$0x1] =	stream.linear.gather [hbm4b:s26+s1], $0x80, $0x38;
	[tilespmem:$0x18280] =	vst v63  }
0x9f: {  	s26 =	sadd.s32 $0x20, s24;
	s28 =	sadd.s32 $0x17480, s23  }
0xa0: {  	[tilespmem:s28], [sflag:$0x1] =	stream.linear.gather [hbm4b:s26+s1], $0x80, $0x38;
	[tilespmem:$0x18280] =	vst v63  }
0xa1: {  	s26 =	sadd.s32 $0x30, s24;
	s28 =	sadd.s32 $0x17580, s23  }
0xa2: {  	[tilespmem:s28], [sflag:$0x1] =	stream.linear.gather [hbm4b:s26+s1], $0x80, $0x38;
	[tilespmem:$0x18280] =	vst v63  }
0xa3: {  	s26 =	sadd.s32 $0x40, s24;
	s28 =	sadd.s32 $0x17680, s23  }
0xa4: {  	[tilespmem:s28], [sflag:$0x1] =	stream.linear.gather [hbm4b:s26+s1], $0x80, $0x38;
	[tilespmem:$0x18280] =	vst v63  }
0xa5: {  	s26 =	sadd.s32 $0x50, s24;
	s28 =	sadd.s32 $0x17780, s23  }
0xa6: {  	[tilespmem:s28], [sflag:$0x1] =	stream.linear.gather [hbm4b:s26+s1], $0x80, $0x38;
	[tilespmem:$0x18280] =	vst v63  }
0xa7: {  	s26 =	sadd.s32 $0x60, s24;
	s28 =	sadd.s32 $0x17880, s23  }
0xa8: {  	[tilespmem:s28], [sflag:$0x1] =	stream.linear.gather [hbm4b:s26+s1], $0x80, $0x38;
	[tilespmem:$0x18280] =	vst v63  }
0xa9: {  	s26 =	sadd.s32 $0x70, s24;
	s28 =	sadd.s32 $0x17980, s23  }
0xaa: {  	[tilespmem:s28], [sflag:$0x1] =	stream.linear.gather [hbm4b:s26+s1], $0x80, $0x38;
	[tilespmem:$0x18280] =	vst v63  }
0xab: {  	s26 =	sadd.s32 $0x80, s24;
	s28 =	sadd.s32 $0x17A80, s23  }
0xac: {  	[tilespmem:s28], [sflag:$0x1] =	stream.linear.gather [hbm4b:s26+s1], $0x80, $0x38;
	[tilespmem:$0x18280] =	vst v63  }
0xad: {  	s26 =	sadd.s32 $0x90, s24;
	s28 =	sadd.s32 $0x17B80, s23  }
0xae: {  	[tilespmem:s28], [sflag:$0x1] =	stream.linear.gather [hbm4b:s26+s1], $0x80, $0x38;
	[tilespmem:$0x18280] =	vst v63  }
0xaf: {  	s26 =	sadd.s32 $0xA0, s24;
	s28 =	sadd.s32 $0x17C80, s23  }
0xb0: {  	[tilespmem:s28], [sflag:$0x1] =	stream.linear.gather [hbm4b:s26+s1], $0x80, $0x38;
	[tilespmem:$0x18280] =	vst v63  }
0xb1: {  	s26 =	sadd.s32 $0xB0, s24;
	s28 =	sadd.s32 $0x17D80, s23  }
0xb2: {  	[tilespmem:s28], [sflag:$0x1] =	stream.linear.gather [hbm4b:s26+s1], $0x80, $0x38;
	[tilespmem:$0x18280] =	vst v63  }
0xb3: {  	s26 =	sadd.s32 $0xC0, s24;
	s28 =	sadd.s32 $0x17E80, s23  }
0xb4: {  	[tilespmem:s28], [sflag:$0x1] =	stream.linear.gather [hbm4b:s26+s1], $0x80, $0x38;
	[tilespmem:$0x18280] =	vst v63  }
0xb5: {  	s26 =	sadd.s32 $0xD0, s24;
	s28 =	sadd.s32 $0x17F80, s23  }
0xb6: {  	[tilespmem:s28], [sflag:$0x1] =	stream.linear.gather [hbm4b:s26+s1], $0x80, $0x38;
	[tilespmem:$0x18280] =	vst v63  }
0xb7: {  	s26 =	sadd.s32 $0xE0, s24;
	s28 =	sadd.s32 $0x18080, s23  }
0xb8: {  	[tilespmem:s28], [sflag:$0x1] =	stream.linear.gather [hbm4b:s26+s1], $0x80, $0x38;
	[tilespmem:$0x18280] =	vst v63  }
0xb9: {  	s24 =	sadd.s32 $0xF0, s24;
	s23 =	sadd.s32 $0x18180, s23  }
0xba: {  	[tilespmem:s23], [sflag:$0x1] =	stream.linear.gather [hbm4b:s24+s1], $0x80, $0x38;
	[tilespmem:$0x18280] =	vst v63  }
.LBB2_9:
0xbb: {  	s23 =	simm.s32 $0x0  }
0xbc: {  	s24 =	sand.u32 $0xF00, s23  }
0xbd: {  	s23 =	sand.u32 $0x70, s23;
	s24 =	sor.u32 s22, s24  }
0xbe: {  	s23 =	sor.u32 s23, s24  }
0xbf: {  	v2 =	vld [tilespmem:s23+$0x16280];
	_ =	sdelay $0x4  }
0xc0: {  	v3 =	vshll.u32 v2, $0x2;
	v2 =	vld [tilespmem:s23+$0x17280];
	_ =	sdelay $0x4  }
0xc1: {  	v4 =	vld.idx.msk [tilespmem:v3+s1+$0x0], $0xffff;
	v5 =	vshll.u32 v2, $0x2  }
0xc2: {  	v6 =	vor.u32 $0x1, v3;
	_ =	sdelay $0x3  }
0xc3: {  	[tilespmem:v5+s18+$0x0] =	vst.idx.add.f32.msk $0xffff, v4  }
0xc4: {  	v61 =	vor.u32 $0x1, v5;
	v4 =	vld.idx.msk [tilespmem:v6+s1+$0x0], $0xffff  }
0xc5: {  	v7 =	vor.u32 $0x2, v3;
	_ =	sdelay $0x3  }
0xc6: {  	[tilespmem:v61+s18+$0x0] =	vst.idx.add.f32.msk $0xffff, v4  }
0xc7: {  	v62 =	vor.u32 $0x2, v5;
	v4 =	vld.idx.msk [tilespmem:v7+s1+$0x0], $0xffff  }
0xc8: {  	v3 =	vor.u32 $0x3, v3;
	_ =	sdelay $0x3  }
0xc9: {  	[tilespmem:v62+s18+$0x0] =	vst.idx.add.f32.msk $0xffff, v4  }
0xca: {  	v63 =	vor.u32 $0x3, v5;
	v3 =	vld.idx.msk [tilespmem:v3+s1+$0x0], $0xffff;
	_ =	sdelay $0x2  }
0xcb: {  	s23 =	simm.s32 $0x20  }
0xcc: {  	s25 =	simm.s32 $0x10;
	s26 =	sand.u32 $0xF00, s23  }
0xcd: {  	s25 =	sand.u32 $0x70, s25;
	s24 =	simm.s32 $0x20;
	s26 =	sor.u32 s22, s26;
	[tilespmem:v63+s18+$0x0] =	vst.idx.add.f32.msk $0xffff, v3  }
.LBB2_10:
0xce: {  	p0 =	seq.s32 s24, $0x7F0  }
0xcf: {  	s25 =	sor.u32 s25, s26;
	[tilespmem:v2+s19+$0x0] =	vst.idx.add.f32.msk $0xffff, v1;
	s26 =	smov.u32 s24;
	s24 =	sadd.s32 $0x10, s24  }
0xd0: {  	v2 =	vld [tilespmem:s25+$0x16280];
	_ =	sdelay $0x4  }
0xd1: {  	v3 =	vshll.u32 v2, $0x2  }
0xd2: {  	v2 =	vld [tilespmem:s25+$0x17280];
	_ =	sdelay $0x3  }
0xd3: {  	v4 =	vld.idx.msk [tilespmem:v3+s1+$0x0], $0xffff  }
0xd4: {  	v5 =	vshll.u32 v2, $0x2  }
0xd5: {  	v6 =	vor.u32 $0x1, v3;
	_ =	sdelay $0x3  }
0xd6: {  	[tilespmem:v5+s18+$0x0] =	vst.idx.add.f32.msk $0xffff, v4  }
0xd7: {  	v4 =	vld.idx.msk [tilespmem:v6+s1+$0x0], $0xffff  }
0xd8: {  	v6 =	vor.u32 $0x1, v5  }
0xd9: {  	v7 =	vor.u32 $0x2, v3;
	_ =	sdelay $0x3  }
0xda: {  	[tilespmem:v6+s18+$0x0] =	vst.idx.add.f32.msk $0xffff, v4  }
0xdb: {  	v4 =	vld.idx.msk [tilespmem:v7+s1+$0x0], $0xffff  }
0xdc: {  	v6 =	vor.u32 $0x2, v5  }
0xdd: {  	v3 =	vor.u32 $0x3, v3;
	_ =	sdelay $0x3  }
0xde: {  	[tilespmem:v6+s18+$0x0] =	vst.idx.add.f32.msk $0xffff, v4  }
0xdf: {  	v3 =	vld.idx.msk [tilespmem:v3+s1+$0x0], $0xffff  }
0xe0: {  	v4 =	vor.u32 $0x3, v5  }
.Ltmp3:
0xe1: {  	(pc) =	sbr.rel @!p0 .LBB2_10-.Ltmp3, $4  }
0xe2: {  	_ = 	snop  }
0xe3: {  	s23 =	sadd.s32 $0x20, s23  }
0xe4: {  	s28 =	sand.u32 $0xF00, s23  }
0xe5: {  	s25 =	sand.u32 $0x70, s26;
	s26 =	sor.u32 s22, s28;
	[tilespmem:v4+s18+$0x0] =	vst.idx.add.f32.msk $0xffff, v3  }
0xe6: {  	_ =	sdelay $0x3  }
0xe7: {  	s22 =	sor.u32 s25, s26;
	[tilespmem:v2+s19+$0x0] =	vst.idx.add.f32.msk $0xffff, v1  }
0xe8: {  	v2 =	vld [tilespmem:s22+$0x16280];
	_ =	sdelay $0x4  }
0xe9: {  	v3 =	vld [tilespmem:s22+$0x17280];
	v2 =	vshll.u32 v2, $0x2;
	_ =	sdelay $0x4  }
0xea: {  	v5 =	vshll.u32 v3, $0x2;
	v4 =	vld.idx.msk [tilespmem:v2+s1+$0x0], $0xffff  }
0xeb: {  	v6 =	vor.u32 $0x1, v2;
	_ =	sdelay $0x3  }
0xec: {  	[tilespmem:v5+s18+$0x0] =	vst.idx.add.f32.msk $0xffff, v4  }
0xed: {  	v61 =	vor.u32 $0x1, v5;
	v4 =	vld.idx.msk [tilespmem:v6+s1+$0x0], $0xffff  }
0xee: {  	v7 =	vor.u32 $0x2, v2;
	_ =	sdelay $0x3  }
0xef: {  	[tilespmem:v61+s18+$0x0] =	vst.idx.add.f32.msk $0xffff, v4  }
0xf0: {  	v62 =	vor.u32 $0x2, v5;
	v4 =	vld.idx.msk [tilespmem:v7+s1+$0x0], $0xffff  }
0xf1: {  	v2 =	vor.u32 $0x3, v2;
	_ =	sdelay $0x3  }
0xf2: {  	[tilespmem:v62+s18+$0x0] =	vst.idx.add.f32.msk $0xffff, v4  }
0xf3: {  	v63 =	vor.u32 $0x3, v5;
	v2 =	vld.idx.msk [tilespmem:v2+s1+$0x0], $0xffff;
	_ =	sdelay $0x4  }
0xf4: {  	[tilespmem:v63+s18+$0x0] =	vst.idx.add.f32.msk $0xffff, v2  }
0xf5: {  	[tilespmem:v3+s19+$0x0] =	vst.idx.add.f32.msk $0xffff, v1  }
0xf6: {  	p0 =	seq.s32 s21, $0x50  }
.Ltmp4:
0xf7: {  	_ = 	snop;
	(pc) =	sbr.rel @!p0 .LBB2_7-.Ltmp4, $2  }
0xf8: {  	_ =	sdelay $0x2  }
0xf9: {  	s23 =	smov.u32 s21  }
0xfa: {  	s21 =	rddreg [dreg:$0x4]  }
0xfb: {  	[hbm4b:s21+s14] =	stream.strided.scatter [tilespmem:s18], [sflag:$0x2], $0x9E00, s15, s14, $0x38;
	[tilespmem:$0x18280] =	vst v63  }
0xfc: {  	_ =	swait.ge [sflag:s16], $0x9E00  }
0xfd: {  	[sflag:s16] =	ssyncset.done $0x0  }
0xfe: {  	s28 =	simm.s32 $0x0;
	s22 =	rddreg [dreg:$0x5];
	[sflag:s16] =	ssyncadd.s32 $0xFFFF6200  }
0xff: {  	[tilespmem:s28], [sflag:$0x2] =	stream.strided.gather [hbm4b:s22+s14], $0x9C80, s15, s14, $0x38;
	[tilespmem:$0x18280] =	vst v63  }
0x100: {  	_ =	swait.ge [sflag:s16], $0x9C80  }
0x101: {  	[sflag:s16] =	ssyncset.done $0x0  }
0x102: {  	s21 =	simm.s32 $0x40;
	s22 =	simm.s32 $0x0;
	[sflag:s16] =	ssyncadd.s32 $0xFFFF6380  }
.LBB2_13:
0x103: {  	p0 =	sne.s32 s21, $0x277C0;
	[tilespmem:s22+$0x9C80] =	vst v0;
	s22 =	smov.u32 s21;
	s21 =	sadd.s32 $0x40, s21  }
.Ltmp5:
0x104: {  	(pc) =	sbr.rel @p0 .LBB2_13-.Ltmp5, $2  }
0x105: {  	_ =	sdelay $0x2  }
0x106: {  	s22 =	sshra.s32 s22, $0x2  }
0x107: {  	[tilespmem:s22+$0x9C80] =	vst v0;
	s23 =	simm.s32 $0x0;
	s21 =	simm.s32 $0x16280  }
0x108: {  	[tilespmem:s21], [sflag:$0x1] =	stream.linear.gather [hbm4b:s3+s23], $0x80, $0x38;
	[tilespmem:$0x18280] =	vst v63  }
0x109: {  	s24 =	rddreg [dreg:$0xa];
	s25 =	simm.s32 $0x16380  }
0x10a: {  	[tilespmem:s25], [sflag:$0x1] =	stream.linear.gather [hbm4b:s24+s23], $0x80, $0x38;
	[tilespmem:$0x18280] =	vst v63  }
0x10b: {  	s26 =	rddreg [dreg:$0xb];
	s28 =	simm.s32 $0x16480  }
0x10c: {  	[tilespmem:s28], [sflag:$0x1] =	stream.linear.gather [hbm4b:s26+s23], $0x80, $0x38;
	[tilespmem:$0x18280] =	vst v63  }
0x10d: {  	s24 =	rddreg [dreg:$0xc];
	s25 =	simm.s32 $0x16580  }
0x10e: {  	[tilespmem:s25], [sflag:$0x1] =	stream.linear.gather [hbm4b:s24+s23], $0x80, $0x38;
	[tilespmem:$0x18280] =	vst v63  }
0x10f: {  	s26 =	rddreg [dreg:$0xd];
	s28 =	simm.s32 $0x16680  }
0x110: {  	[tilespmem:s28], [sflag:$0x1] =	stream.linear.gather [hbm4b:s26+s23], $0x80, $0x38;
	[tilespmem:$0x18280] =	vst v63  }
0x111: {  	s24 =	rddreg [dreg:$0xe];
	s25 =	simm.s32 $0x16780  }
0x112: {  	[tilespmem:s25], [sflag:$0x1] =	stream.linear.gather [hbm4b:s24+s23], $0x80, $0x38;
	[tilespmem:$0x18280] =	vst v63  }
0x113: {  	s26 =	rddreg [dreg:$0xf];
	s28 =	simm.s32 $0x16880  }
0x114: {  	[tilespmem:s28], [sflag:$0x1] =	stream.linear.gather [hbm4b:s26+s23], $0x80, $0x38;
	[tilespmem:$0x18280] =	vst v63  }
0x115: {  	s24 =	rddreg [dreg:$0x10];
	s25 =	simm.s32 $0x16980  }
0x116: {  	[tilespmem:s25], [sflag:$0x1] =	stream.linear.gather [hbm4b:s24+s23], $0x80, $0x38;
	[tilespmem:$0x18280] =	vst v63  }
0x117: {  	s26 =	rddreg [dreg:$0x11];
	s28 =	simm.s32 $0x16A80  }
0x118: {  	[tilespmem:s28], [sflag:$0x1] =	stream.linear.gather [hbm4b:s26+s23], $0x80, $0x38;
	[tilespmem:$0x18280] =	vst v63  }
0x119: {  	s24 =	rddreg [dreg:$0x12];
	s25 =	simm.s32 $0x16B80  }
0x11a: {  	[tilespmem:s25], [sflag:$0x1] =	stream.linear.gather [hbm4b:s24+s23], $0x80, $0x38;
	[tilespmem:$0x18280] =	vst v63  }
0x11b: {  	s26 =	rddreg [dreg:$0x13];
	s28 =	simm.s32 $0x16C80  }
0x11c: {  	[tilespmem:s28], [sflag:$0x1] =	stream.linear.gather [hbm4b:s26+s23], $0x80, $0x38;
	[tilespmem:$0x18280] =	vst v63  }
0x11d: {  	s24 =	rddreg [dreg:$0x14];
	s25 =	simm.s32 $0x16D80  }
0x11e: {  	[tilespmem:s25], [sflag:$0x1] =	stream.linear.gather [hbm4b:s24+s23], $0x80, $0x38;
	[tilespmem:$0x18280] =	vst v63  }
0x11f: {  	s26 =	rddreg [dreg:$0x15];
	s28 =	simm.s32 $0x16E80  }
0x120: {  	[tilespmem:s28], [sflag:$0x1] =	stream.linear.gather [hbm4b:s26+s23], $0x80, $0x38;
	[tilespmem:$0x18280] =	vst v63  }
0x121: {  	s24 =	rddreg [dreg:$0x16];
	s25 =	simm.s32 $0x16F80  }
0x122: {  	[tilespmem:s25], [sflag:$0x1] =	stream.linear.gather [hbm4b:s24+s23], $0x80, $0x38;
	[tilespmem:$0x18280] =	vst v63  }
0x123: {  	s26 =	rddreg [dreg:$0x17];
	s28 =	simm.s32 $0x17080  }
0x124: {  	[tilespmem:s28], [sflag:$0x1] =	stream.linear.gather [hbm4b:s26+s23], $0x80, $0x38;
	[tilespmem:$0x18280] =	vst v63  }
0x125: {  	s22 =	rddreg [dreg:$0x18];
	s24 =	simm.s32 $0x17180  }
0x126: {  	[tilespmem:s24], [sflag:$0x1] =	stream.linear.gather [hbm4b:s22+s23], $0x80, $0x38;
	[tilespmem:$0x18280] =	vst v63  }
0x127: {  	s25 =	simm.s32 $0x17280  }
0x128: {  	[tilespmem:s25], [sflag:$0x1] =	stream.linear.gather [hbm4b:s4+s23], $0x80, $0x38;
	[tilespmem:$0x18280] =	vst v63  }
0x129: {  	s26 =	rddreg [dreg:$0x19];
	s28 =	simm.s32 $0x17380  }
0x12a: {  	[tilespmem:s28], [sflag:$0x1] =	stream.linear.gather [hbm4b:s26+s23], $0x80, $0x38;
	[tilespmem:$0x18280] =	vst v63  }
0x12b: {  	s24 =	simm.s32 $0x17480  }
0x12c: {  	[tilespmem:s24], [sflag:$0x1] =	stream.linear.gather [hbm4b:s29+s23], $0x80, $0x38;
	[tilespmem:$0x18280] =	vst v63  }
0x12d: {  	s25 =	simm.s32 $0x17580  }
0x12e: {  	[tilespmem:s25], [sflag:$0x1] =	stream.linear.gather [hbm4b:s30+s23], $0x80, $0x38;
	[tilespmem:$0x18280] =	vst v63  }
0x12f: {  	s26 =	simm.s32 $0x17680  }
0x130: {  	[tilespmem:s26], [sflag:$0x1] =	stream.linear.gather [hbm4b:s31+s23], $0x80, $0x38;
	[tilespmem:$0x18280] =	vst v63  }
0x131: {  	s28 =	simm.s32 $0x17780  }
0x132: {  	[tilespmem:s28], [sflag:$0x1] =	stream.linear.gather [hbm4b:s0+s23], $0x80, $0x38;
	[tilespmem:$0x18280] =	vst v63  }
0x133: {  	s22 =	simm.s32 $0x17880  }
0x134: {  	[tilespmem:s22], [sflag:$0x1] =	stream.linear.gather [hbm4b:s2+s23], $0x80, $0x38;
	[tilespmem:$0x18280] =	vst v63  }
0x135: {  	s24 =	simm.s32 $0x17980  }
0x136: {  	[tilespmem:s24], [sflag:$0x1] =	stream.linear.gather [hbm4b:s5+s23], $0x80, $0x38;
	[tilespmem:$0x18280] =	vst v63  }
0x137: {  	s25 =	simm.s32 $0x17A80  }
0x138: {  	[tilespmem:s25], [sflag:$0x1] =	stream.linear.gather [hbm4b:s6+s23], $0x80, $0x38;
	[tilespmem:$0x18280] =	vst v63  }
0x139: {  	s26 =	simm.s32 $0x17B80  }
0x13a: {  	[tilespmem:s26], [sflag:$0x1] =	stream.linear.gather [hbm4b:s7+s23], $0x80, $0x38;
	[tilespmem:$0x18280] =	vst v63  }
0x13b: {  	s28 =	simm.s32 $0x17C80  }
0x13c: {  	[tilespmem:s28], [sflag:$0x1] =	stream.linear.gather [hbm4b:s8+s23], $0x80, $0x38;
	[tilespmem:$0x18280] =	vst v63  }
0x13d: {  	s22 =	simm.s32 $0x17D80  }
0x13e: {  	[tilespmem:s22], [sflag:$0x1] =	stream.linear.gather [hbm4b:s9+s23], $0x80, $0x38;
	[tilespmem:$0x18280] =	vst v63  }
0x13f: {  	s24 =	simm.s32 $0x17E80  }
0x140: {  	[tilespmem:s24], [sflag:$0x1] =	stream.linear.gather [hbm4b:s10+s23], $0x80, $0x38;
	[tilespmem:$0x18280] =	vst v63  }
0x141: {  	s25 =	simm.s32 $0x17F80  }
0x142: {  	[tilespmem:s25], [sflag:$0x1] =	stream.linear.gather [hbm4b:s11+s23], $0x80, $0x38;
	[tilespmem:$0x18280] =	vst v63  }
0x143: {  	s26 =	simm.s32 $0x18080  }
0x144: {  	[tilespmem:s26], [sflag:$0x1] =	stream.linear.gather [hbm4b:s12+s23], $0x80, $0x38;
	[tilespmem:$0x18280] =	vst v63  }
0x145: {  	s28 =	simm.s32 $0x18180  }
0x146: {  	[tilespmem:s28], [sflag:$0x1] =	stream.linear.gather [hbm4b:s13+s23], $0x80, $0x38;
	[tilespmem:$0x18280] =	vst v63  }
.LBB2_16:
0x147: {  	_ =	swait.ge [sflag:s17], $0x800;
	p0 =	seq.s32 s23, $0x4F  }
.Ltmp6:
0x148: {  	[sflag:s17] =	ssyncset.done $0x0;
	(pc) =	sbr.rel @p0 .LBB2_18-.Ltmp6, $4  }
0x149: {  	[sflag:s17] =	ssyncadd.s32 $0xFFFFF800  }
0x14a: {  	_ =	swait.ge [sflag:s17], $0x800  }
0x14b: {  	[sflag:s17] =	ssyncset.done $0x0  }
0x14c: {  	s21 =	sadd.s32 $0x1, s23;
	s22 =	simm.s32 $0x80;
	[sflag:s17] =	ssyncadd.s32 $0xFFFFF800  }
0x14d: {  	s22 =	sshll.u32 s23, $0x7  }
0x14e: {  	s22 =	sand.u32 $0x80, s22  }
0x14f: {  	s24 =	sshll.u32 s21, $0x8;
	s23 =	sxor.u32 $0x80, s22  }
0x150: {  	s26 =	sadd.s32 s3, s24;
	s25 =	sadd.s32 $0x16280, s23  }
0x151: {  	[tilespmem:s25], [sflag:$0x1] =	stream.linear.gather [hbm4b:s26+s1], $0x80, $0x38;
	[tilespmem:$0x18280] =	vst v63  }
0x152: {  	s28 =	sadd.s32 $0x16380, s23;
	s25 =	sadd.s32 $0x10, s26  }
0x153: {  	[tilespmem:s28], [sflag:$0x1] =	stream.linear.gather [hbm4b:s25+s1], $0x80, $0x38;
	[tilespmem:$0x18280] =	vst v63  }
0x154: {  	s25 =	sadd.s32 $0x20, s26;
	s28 =	sadd.s32 $0x16480, s23  }
0x155: {  	[tilespmem:s28], [sflag:$0x1] =	stream.linear.gather [hbm4b:s25+s1], $0x80, $0x38;
	[tilespmem:$0x18280] =	vst v63  }
0x156: {  	s25 =	sadd.s32 $0x30, s26;
	s28 =	sadd.s32 $0x16580, s23  }
0x157: {  	[tilespmem:s28], [sflag:$0x1] =	stream.linear.gather [hbm4b:s25+s1], $0x80, $0x38;
	[tilespmem:$0x18280] =	vst v63  }
0x158: {  	s25 =	sadd.s32 $0x40, s26;
	s28 =	sadd.s32 $0x16680, s23  }
0x159: {  	[tilespmem:s28], [sflag:$0x1] =	stream.linear.gather [hbm4b:s25+s1], $0x80, $0x38;
	[tilespmem:$0x18280] =	vst v63  }
0x15a: {  	s25 =	sadd.s32 $0x50, s26;
	s28 =	sadd.s32 $0x16780, s23  }
0x15b: {  	[tilespmem:s28], [sflag:$0x1] =	stream.linear.gather [hbm4b:s25+s1], $0x80, $0x38;
	[tilespmem:$0x18280] =	vst v63  }
0x15c: {  	s25 =	sadd.s32 $0x60, s26;
	s28 =	sadd.s32 $0x16880, s23  }
0x15d: {  	[tilespmem:s28], [sflag:$0x1] =	stream.linear.gather [hbm4b:s25+s1], $0x80, $0x38;
	[tilespmem:$0x18280] =	vst v63  }
0x15e: {  	s25 =	sadd.s32 $0x70, s26;
	s28 =	sadd.s32 $0x16980, s23  }
0x15f: {  	[tilespmem:s28], [sflag:$0x1] =	stream.linear.gather [hbm4b:s25+s1], $0x80, $0x38;
	[tilespmem:$0x18280] =	vst v63  }
0x160: {  	s25 =	sadd.s32 $0x80, s26;
	s28 =	sadd.s32 $0x16A80, s23  }
0x161: {  	[tilespmem:s28], [sflag:$0x1] =	stream.linear.gather [hbm4b:s25+s1], $0x80, $0x38;
	[tilespmem:$0x18280] =	vst v63  }
0x162: {  	s25 =	sadd.s32 $0x90, s26;
	s28 =	sadd.s32 $0x16B80, s23  }
0x163: {  	[tilespmem:s28], [sflag:$0x1] =	stream.linear.gather [hbm4b:s25+s1], $0x80, $0x38;
	[tilespmem:$0x18280] =	vst v63  }
0x164: {  	s25 =	sadd.s32 $0xA0, s26;
	s28 =	sadd.s32 $0x16C80, s23  }
0x165: {  	[tilespmem:s28], [sflag:$0x1] =	stream.linear.gather [hbm4b:s25+s1], $0x80, $0x38;
	[tilespmem:$0x18280] =	vst v63  }
0x166: {  	s25 =	sadd.s32 $0xB0, s26;
	s28 =	sadd.s32 $0x16D80, s23  }
0x167: {  	[tilespmem:s28], [sflag:$0x1] =	stream.linear.gather [hbm4b:s25+s1], $0x80, $0x38;
	[tilespmem:$0x18280] =	vst v63  }
0x168: {  	s25 =	sadd.s32 $0xC0, s26;
	s28 =	sadd.s32 $0x16E80, s23  }
0x169: {  	[tilespmem:s28], [sflag:$0x1] =	stream.linear.gather [hbm4b:s25+s1], $0x80, $0x38;
	[tilespmem:$0x18280] =	vst v63  }
0x16a: {  	s25 =	sadd.s32 $0xD0, s26;
	s28 =	sadd.s32 $0x16F80, s23  }
0x16b: {  	[tilespmem:s28], [sflag:$0x1] =	stream.linear.gather [hbm4b:s25+s1], $0x80, $0x38;
	[tilespmem:$0x18280] =	vst v63  }
0x16c: {  	s25 =	sadd.s32 $0xE0, s26;
	s28 =	sadd.s32 $0x17080, s23  }
0x16d: {  	[tilespmem:s28], [sflag:$0x1] =	stream.linear.gather [hbm4b:s25+s1], $0x80, $0x38;
	[tilespmem:$0x18280] =	vst v63  }
0x16e: {  	s26 =	sadd.s32 $0xF0, s26;
	s28 =	sadd.s32 $0x17180, s23  }
0x16f: {  	[tilespmem:s28], [sflag:$0x1] =	stream.linear.gather [hbm4b:s26+s1], $0x80, $0x38;
	[tilespmem:$0x18280] =	vst v63  }
0x170: {  	s24 =	sadd.s32 s4, s24;
	s28 =	sadd.s32 $0x17280, s23  }
0x171: {  	[tilespmem:s28], [sflag:$0x1] =	stream.linear.gather [hbm4b:s24+s1], $0x80, $0x38;
	[tilespmem:$0x18280] =	vst v63  }
0x172: {  	s26 =	sadd.s32 $0x10, s24;
	s28 =	sadd.s32 $0x17380, s23  }
0x173: {  	[tilespmem:s28], [sflag:$0x1] =	stream.linear.gather [hbm4b:s26+s1], $0x80, $0x38;
	[tilespmem:$0x18280] =	vst v63  }
0x174: {  	s26 =	sadd.s32 $0x20, s24;
	s28 =	sadd.s32 $0x17480, s23  }
0x175: {  	[tilespmem:s28], [sflag:$0x1] =	stream.linear.gather [hbm4b:s26+s1], $0x80, $0x38;
	[tilespmem:$0x18280] =	vst v63  }
0x176: {  	s26 =	sadd.s32 $0x30, s24;
	s28 =	sadd.s32 $0x17580, s23  }
0x177: {  	[tilespmem:s28], [sflag:$0x1] =	stream.linear.gather [hbm4b:s26+s1], $0x80, $0x38;
	[tilespmem:$0x18280] =	vst v63  }
0x178: {  	s26 =	sadd.s32 $0x40, s24;
	s28 =	sadd.s32 $0x17680, s23  }
0x179: {  	[tilespmem:s28], [sflag:$0x1] =	stream.linear.gather [hbm4b:s26+s1], $0x80, $0x38;
	[tilespmem:$0x18280] =	vst v63  }
0x17a: {  	s26 =	sadd.s32 $0x50, s24;
	s28 =	sadd.s32 $0x17780, s23  }
0x17b: {  	[tilespmem:s28], [sflag:$0x1] =	stream.linear.gather [hbm4b:s26+s1], $0x80, $0x38;
	[tilespmem:$0x18280] =	vst v63  }
0x17c: {  	s26 =	sadd.s32 $0x60, s24;
	s28 =	sadd.s32 $0x17880, s23  }
0x17d: {  	[tilespmem:s28], [sflag:$0x1] =	stream.linear.gather [hbm4b:s26+s1], $0x80, $0x38;
	[tilespmem:$0x18280] =	vst v63  }
0x17e: {  	s26 =	sadd.s32 $0x70, s24;
	s28 =	sadd.s32 $0x17980, s23  }
0x17f: {  	[tilespmem:s28], [sflag:$0x1] =	stream.linear.gather [hbm4b:s26+s1], $0x80, $0x38;
	[tilespmem:$0x18280] =	vst v63  }
0x180: {  	s26 =	sadd.s32 $0x80, s24;
	s28 =	sadd.s32 $0x17A80, s23  }
0x181: {  	[tilespmem:s28], [sflag:$0x1] =	stream.linear.gather [hbm4b:s26+s1], $0x80, $0x38;
	[tilespmem:$0x18280] =	vst v63  }
0x182: {  	s26 =	sadd.s32 $0x90, s24;
	s28 =	sadd.s32 $0x17B80, s23  }
0x183: {  	[tilespmem:s28], [sflag:$0x1] =	stream.linear.gather [hbm4b:s26+s1], $0x80, $0x38;
	[tilespmem:$0x18280] =	vst v63  }
0x184: {  	s26 =	sadd.s32 $0xA0, s24;
	s28 =	sadd.s32 $0x17C80, s23  }
0x185: {  	[tilespmem:s28], [sflag:$0x1] =	stream.linear.gather [hbm4b:s26+s1], $0x80, $0x38;
	[tilespmem:$0x18280] =	vst v63  }
0x186: {  	s26 =	sadd.s32 $0xB0, s24;
	s28 =	sadd.s32 $0x17D80, s23  }
0x187: {  	[tilespmem:s28], [sflag:$0x1] =	stream.linear.gather [hbm4b:s26+s1], $0x80, $0x38;
	[tilespmem:$0x18280] =	vst v63  }
0x188: {  	s26 =	sadd.s32 $0xC0, s24;
	s28 =	sadd.s32 $0x17E80, s23  }
0x189: {  	[tilespmem:s28], [sflag:$0x1] =	stream.linear.gather [hbm4b:s26+s1], $0x80, $0x38;
	[tilespmem:$0x18280] =	vst v63  }
0x18a: {  	s26 =	sadd.s32 $0xD0, s24;
	s28 =	sadd.s32 $0x17F80, s23  }
0x18b: {  	[tilespmem:s28], [sflag:$0x1] =	stream.linear.gather [hbm4b:s26+s1], $0x80, $0x38;
	[tilespmem:$0x18280] =	vst v63  }
0x18c: {  	s26 =	sadd.s32 $0xE0, s24;
	s28 =	sadd.s32 $0x18080, s23  }
0x18d: {  	[tilespmem:s28], [sflag:$0x1] =	stream.linear.gather [hbm4b:s26+s1], $0x80, $0x38;
	[tilespmem:$0x18280] =	vst v63  }
0x18e: {  	s24 =	sadd.s32 $0xF0, s24;
	s23 =	sadd.s32 $0x18180, s23  }
0x18f: {  	[tilespmem:s23], [sflag:$0x1] =	stream.linear.gather [hbm4b:s24+s1], $0x80, $0x38;
	[tilespmem:$0x18280] =	vst v63  }
.LBB2_18:
0x190: {  	s23 =	simm.s32 $0x0  }
0x191: {  	s24 =	sand.u32 $0xF00, s23  }
0x192: {  	s23 =	sand.u32 $0x70, s23;
	s24 =	sor.u32 s22, s24  }
0x193: {  	s23 =	sor.u32 s23, s24  }
0x194: {  	v2 =	vld [tilespmem:s23+$0x16280];
	_ =	sdelay $0x4  }
0x195: {  	v3 =	vld [tilespmem:s23+$0x17280];
	v2 =	vshll.u32 v2, $0x2;
	_ =	sdelay $0x4  }
0x196: {  	v3 =	vshll.u32 v3, $0x2;
	v4 =	vld.idx.msk [tilespmem:v2+s1+$0x0], $0xffff  }
0x197: {  	v5 =	vor.u32 $0x1, v2;
	_ =	sdelay $0x3  }
0x198: {  	[tilespmem:v3+s18+$0x0] =	vst.idx.add.f32.msk $0xffff, v4  }
0x199: {  	v4 =	vld.idx.msk [tilespmem:v5+s1+$0x0], $0xffff;
	v5 =	vor.u32 $0x1, v3  }
0x19a: {  	v6 =	vor.u32 $0x2, v2;
	_ =	sdelay $0x3  }
0x19b: {  	[tilespmem:v5+s18+$0x0] =	vst.idx.add.f32.msk $0xffff, v4  }
0x19c: {  	v5 =	vor.u32 $0x2, v3;
	v4 =	vld.idx.msk [tilespmem:v6+s1+$0x0], $0xffff  }
0x19d: {  	v2 =	vor.u32 $0x3, v2;
	_ =	sdelay $0x3  }
0x19e: {  	[tilespmem:v5+s18+$0x0] =	vst.idx.add.f32.msk $0xffff, v4  }
0x19f: {  	v3 =	vor.u32 $0x3, v3;
	v2 =	vld.idx.msk [tilespmem:v2+s1+$0x0], $0xffff  }
0x1a0: {  	s23 =	simm.s32 $0x20  }
0x1a1: {  	s25 =	simm.s32 $0x10;
	s26 =	sand.u32 $0xF00, s23  }
0x1a2: {  	s25 =	sand.u32 $0x70, s25;
	s24 =	simm.s32 $0x20;
	s26 =	sor.u32 s22, s26  }
.LBB2_19:
0x1a3: {  	p0 =	seq.s32 s24, $0x7F0  }
0x1a4: {  	s25 =	sor.u32 s25, s26;
	[tilespmem:v3+s18+$0x0] =	vst.idx.add.f32.msk $0xffff, v2;
	s26 =	smov.u32 s24;
	s24 =	sadd.s32 $0x10, s24  }
0x1a5: {  	v2 =	vld [tilespmem:s25+$0x16280];
	_ =	sdelay $0x4  }
0x1a6: {  	v2 =	vshll.u32 v2, $0x2  }
0x1a7: {  	v3 =	vld [tilespmem:s25+$0x17280];
	_ =	sdelay $0x3  }
0x1a8: {  	v4 =	vld.idx.msk [tilespmem:v2+s1+$0x0], $0xffff  }
0x1a9: {  	v3 =	vshll.u32 v3, $0x2  }
0x1aa: {  	v5 =	vor.u32 $0x1, v2;
	_ =	sdelay $0x3  }
0x1ab: {  	[tilespmem:v3+s18+$0x0] =	vst.idx.add.f32.msk $0xffff, v4  }
0x1ac: {  	v4 =	vld.idx.msk [tilespmem:v5+s1+$0x0], $0xffff  }
0x1ad: {  	v5 =	vor.u32 $0x1, v3  }
0x1ae: {  	v6 =	vor.u32 $0x2, v2;
	_ =	sdelay $0x3  }
0x1af: {  	[tilespmem:v5+s18+$0x0] =	vst.idx.add.f32.msk $0xffff, v4  }
0x1b0: {  	v4 =	vld.idx.msk [tilespmem:v6+s1+$0x0], $0xffff  }
0x1b1: {  	v5 =	vor.u32 $0x2, v3  }
0x1b2: {  	v2 =	vor.u32 $0x3, v2;
	_ =	sdelay $0x3  }
0x1b3: {  	[tilespmem:v5+s18+$0x0] =	vst.idx.add.f32.msk $0xffff, v4  }
0x1b4: {  	v2 =	vld.idx.msk [tilespmem:v2+s1+$0x0], $0xffff  }
.Ltmp7:
0x1b5: {  	v3 =	vor.u32 $0x3, v3;
	(pc) =	sbr.rel @!p0 .LBB2_19-.Ltmp7, $4  }
0x1b6: {  	_ = 	snop  }
0x1b7: {  	s23 =	sadd.s32 $0x20, s23  }
0x1b8: {  	s28 =	sand.u32 $0xF00, s23  }
0x1b9: {  	s25 =	sand.u32 $0x70, s26;
	s26 =	sor.u32 s22, s28  }
0x1ba: {  	_ =	sdelay $0x3  }
0x1bb: {  	s22 =	sor.u32 s25, s26;
	[tilespmem:v3+s18+$0x0] =	vst.idx.add.f32.msk $0xffff, v2  }
0x1bc: {  	v2 =	vld [tilespmem:s22+$0x16280];
	_ =	sdelay $0x4  }
0x1bd: {  	v3 =	vld [tilespmem:s22+$0x17280];
	v2 =	vshll.u32 v2, $0x2;
	_ =	sdelay $0x4  }
0x1be: {  	v3 =	vshll.u32 v3, $0x2;
	v4 =	vld.idx.msk [tilespmem:v2+s1+$0x0], $0xffff  }
0x1bf: {  	v5 =	vor.u32 $0x1, v2;
	_ =	sdelay $0x3  }
0x1c0: {  	[tilespmem:v3+s18+$0x0] =	vst.idx.add.f32.msk $0xffff, v4  }
0x1c1: {  	v62 =	vor.u32 $0x1, v3;
	v4 =	vld.idx.msk [tilespmem:v5+s1+$0x0], $0xffff  }
0x1c2: {  	v6 =	vor.u32 $0x2, v2;
	_ =	sdelay $0x3  }
0x1c3: {  	[tilespmem:v62+s18+$0x0] =	vst.idx.add.f32.msk $0xffff, v4  }
0x1c4: {  	v63 =	vor.u32 $0x2, v3;
	v4 =	vld.idx.msk [tilespmem:v6+s1+$0x0], $0xffff  }
0x1c5: {  	v2 =	vor.u32 $0x3, v2;
	_ =	sdelay $0x3  }
0x1c6: {  	[tilespmem:v63+s18+$0x0] =	vst.idx.add.f32.msk $0xffff, v4  }
0x1c7: {  	v3 =	vor.u32 $0x3, v3;
	v2 =	vld.idx.msk [tilespmem:v2+s1+$0x0], $0xffff;
	_ =	sdelay $0x4  }
0x1c8: {  	[tilespmem:v3+s18+$0x0] =	vst.idx.add.f32.msk $0xffff, v2  }
0x1c9: {  	p0 =	seq.s32 s21, $0x50  }
.Ltmp8:
0x1ca: {  	_ = 	snop;
	(pc) =	sbr.rel @!p0 .LBB2_16-.Ltmp8, $2  }
0x1cb: {  	_ =	sdelay $0x2  }
0x1cc: {  	s23 =	smov.u32 s21  }
0x1cd: {  	s21 =	rddreg [dreg:$0x6]  }
0x1ce: {  	[hbm4b:s21+s14] =	stream.strided.scatter [tilespmem:s18], [sflag:$0x2], $0x9E00, s15, s14, $0x38;
	[tilespmem:$0x18280] =	vst v63  }
0x1cf: {  	_ =	swait.ge [sflag:s16], $0x9E00  }
0x1d0: {  	[sflag:s16] =	ssyncset.done $0x0;
	s26 =	rddreg [dreg:$0x7]  }
0x1d1: {  	s22 =	rddreg [dreg:$0x8];
	[sflag:s16] =	ssyncadd.s32 $0xFFFF6200  }
0x1d2: {  	[hbm4b:s26+s1] =	stream.linear.scatter [tilespmem:s22], [sflag:$0x2], $0x140, $0x38;
	[tilespmem:$0x18280] =	vst v63  }
0x1d3: {  	_ =	swait.ge [sflag:s16], $0x140  }
0x1d4: {  	s20 =	sadd.s32 $0x1, s20;
	s28 =	rddreg [dreg:$0x9]  }
0x1d5: {  	p0 =	sne.s32 s20, s28  }
.Ltmp9:
0x1d6: {  	_ = 	snop;
	(pc) =	sbr.rel @p0 .LBB2_1-.Ltmp9, $3  }
0x1d7: {  	_ =	sdelay $0x1  }
0x1d8: {  	[sflag:s16] =	ssyncset.done $0x0  }
0x1d9: {  	[sflag:s16] =	ssyncadd.s32 $0xFFFFFEC0  }
0x1da: {  	_ =	sfence.sel $0x180000  }
0x1db: {  	[bflag:$0x0] =	sbarrier.arrive $0xFFFF  }
0x1dc: {  	_ =	strace $0x9000004A  }
0x1dd: {  	s0 =	stileid.u32;
	[bflag:$0x2] =	sbarrier.arrive $0xFFFF  }
0x1de: {  	p0 =	sne.s32 s0, $0x0;
	s0 =	rddreg [dreg:$0x2]  }
0x1df: {  	s0 =	sadd.s32 @!p0 $0x100000, s0  }
0x1e0: {  	[sflag:s0] =	ssyncadd.tile.s32 @!p0 $0x1;
	_ =	shalt  }
.Lfunc_end2:
_tile_overlayer_lowered:
.L_overlay_start_2:
0x1e1: {  	(tag) =	ssettag $0x2  }
0x1e2: {  	s0 =	rddreg [dreg:$0x0];
	s2 =	stileid.u32  }
0x1e3: {  	s1 =	rddreg [dreg:$0x1];
	p0 =	sne.s32 s2, $0x0  }
0x1e4: {  	s3 =	rddreg [dreg:$0x2];
	[bflag:$0x3] =	sbarrier.arrive $0xFFFF;
	s2 =	simm.s32 @!p0 $0x1C02  }
0x1e5: {  	[timem:s3], [sflag:s2] =	dma.local @!p0 [hbm:s0], s1  }
0x1e6: {  	s0 =	simm.s32 @!p0 $0x2  }
0x1e7: {  	_ =	swait.ge @!p0 [sflag:s0], s1  }
0x1e8: {  	s1 =	ssub.s32 @!p0 $0x0, s1;
	[sflag:s0] =	ssyncset.done @!p0 $0x0  }
0x1e9: {  	[sflag:s0] =	ssyncadd.s32 @!p0 s1  }
0x1ea: {  	[bflag:$0x3] =	sbarrier.arrive $0xFFFF  }
0x1eb: {  	_ =	shalt  }

// kernel: kernel.7.cloned.1.call-start
scs
__scs_entry_jumppad:
0x0: {  	(pc) =	sbr.rel $0x88, $3  }
0x1: {  	(tag) =	ssettag $0x0;
	lr =	simm.s32 $0x1  }
0x2: {  	[smem:$0x3F99] =	sst lr;
	_ =	strace $0xD0000000  }
0x3: {  	_ = 	snop  }
0x4: {  	_ = 	snop  }
0x5: {  	_ = 	snop  }
0x6: {  	_ = 	snop  }
0x7: {  	_ = 	snop  }
__scs_overlays_trampoline_lowered:
0x8: {  	[smem:$0x3FA8] =	sst s0  }
0x9: {  	[smem:$0x3FA9] =	sst s1  }
0xa: {  	[smem:$0x3FAA] =	sst s2  }
0xb: {  	[smem:$0x3FAB] =	sst s3  }
0xc: {  	[smem:$0x3FAC] =	sst s4  }
0xd: {  	[smem:$0x3FAD] =	sst s5  }
0xe: {  	[smem:$0x3FAE] =	sst s6  }
0xf: {  	[smem:$0x3FAF] =	sst s7  }
0x10: {  	[smem:$0x3FB0] =	sst s8  }
0x11: {  	[smem:$0x3FB1] =	sst s9;
	s0 =	simm.s32 @!p0 $0x0  }
0x12: {  	s1 =	sld [smem:$0x3F97];
	s0 =	simm.s32 @p0 $0x1  }
0x13: {  	[smem:$0x3FB2] =	sst s0;
	s0 =	simm.s32 @!p1 $0x0  }
0x14: {  	s2 =	sld [smem:$0x3F96];
	s0 =	simm.s32 @p1 $0x1  }
0x15: {  	[smem:$0x3FB3] =	sst s0;
	s0 =	simm.s32 @!p2 $0x0  }
0x16: {  	s3 =	sld [smem:$0x3FDB];
	s0 =	simm.s32 @p2 $0x1  }
0x17: {  	s4 =	simm.s32 $0x1BF5;
	[smem:$0x3FB5] =	sst s0  }
0x18: {  	s0 =	sld [smem:$0x3F98];
	_ =	swait.ge [sflag:s4], $0x0  }
0x19: {  	s7 =	sld [smem:$0x3F99]  }
0x1a: {  	s8 =	sadd.s32 $0xFFFFE003, lr  }
0x1b: {  	s9 =	sadd.s32 $0xFFFFFEF7, lr;
	s5 =	simm.s32 $0xFFFFFFFF;
	p2 =	slt.u32 s8, $0xFFFFF086  }
0x1c: {  	p1 =	slt.u32 s9, $0xF7A;
	s5 =	simm.s32 @!p2 $0x0  }
0x1d: {  	s5 =	simm.s32 @p1 $0x1;
	p0 =	seq.s32 s7, s2  }
0x1e: {  	s7 =	smul.u32 @!p0 $0xF7A, s2;
	p2 =	seq.s32 @!p0 s5, $0x0  }
0x1f: {  	s9 =	smul.u32 $0xF7A, s1;
	s8 =	simm.s32 @!p0 $0x1BF5;
	p2 =	por !p2, p0  }
0x20: {  	[sflag:s8] =	ssyncset.s32 @!p0 $0xFFFFF086;
	s6 =	sadd.s32 @!p0 s3, s7;
	s7 =	simm.s32 @!p0 $0x108  }
0x21: {  	s3 =	sadd.s32 s3, s9;
	s6 =	sadd.s32 @!p0 $0x88, s6;
	s7 =	simm.s32 @p2 $0x1082  }
0x22: {  	[simem:s7], [sflag:s8] =	dma.local @!p0 [hbm:s6], $0xF7A  }
0x23: {  	s9 =	sor.u32 $0xD0000000, s2;
	s6 =	simm.s32 $0x108;
	_ =	swait.ge @!p0 [sflag:s8], $0x0  }
0x24: {  	s3 =	sadd.s32 $0x88, s3;
	s6 =	simm.s32 @!p1 $0x1082;
	[sflag:s4] =	ssyncset.s32 $0xFFFFF086  }
0x25: {  	[simem:s6], [sflag:s4] =	dma.local [hbm:s3], $0xF7A  }
0x26: {  	[smem:$0x3F99] =	sst s1;
	(tag) =	ssettag s2;
	_ =	strace s9  }
0x27: {  	s1 =	sld [smem:$0x3FA9]  }
0x28: {  	s2 =	sld [smem:$0x3FAA]  }
0x29: {  	s4 =	sld [smem:$0x3FAC]  }
0x2a: {  	p0 =	seq.s32 s5, $0x0;
	s5 =	sld [smem:$0x3FAD]  }
0x2b: {  	s6 =	sld [smem:$0x3FAE]  }
0x2c: {  	s7 =	sld [smem:$0x3FAF]  }
0x2d: {  	s3 =	simm.s32 $0x108;
	s8 =	sld [smem:$0x3FB0]  }
0x2e: {  	s3 =	simm.s32 @!p0 $0x1082;
	s9 =	sld [smem:$0x3FB1]  }
0x2f: {  	lr =	sadd.s32 s0, s3;
	s0 =	sld [smem:$0x3FA8]  }
0x30: {  	s3 =	sld [smem:$0x3FAB]  }
0x31: {  	[smem:$0x3FB4] =	sst s10  }
0x32: {  	s10 =	sld [smem:$0x3FB2];
	_ =	sdelay $0x3  }
0x33: {  	p0 =	seq.s32 s10, $0x1;
	s10 =	sld [smem:$0x3FB4];
	_ =	sdelay $0x3  }
0x34: {  	[smem:$0x3FB4] =	sst s10  }
0x35: {  	s10 =	sld [smem:$0x3FB3];
	_ =	sdelay $0x3  }
0x36: {  	p1 =	seq.s32 s10, $0x1;
	s10 =	sld [smem:$0x3FB4];
	_ =	sdelay $0x3  }
0x37: {  	[smem:$0x3FB4] =	sst s10  }
0x38: {  	s10 =	sld [smem:$0x3FB5]  }
0x39: {  	_ = 	snop;
	(pc) =	sbr.ind lr, $3  }
0x3a: {  	_ = 	snop  }
0x3b: {  	_ = 	snop  }
0x3c: {  	p2 =	seq.s32 s10, $0x1;
	s10 =	sld [smem:$0x3FB4]  }
0x3d: {  	_ =	shalt  }
0x3e: {  	_ =	shalt  }
0x3f: {  	_ =	shalt  }
0x40: {  	_ =	shalt  }
0x41: {  	_ =	shalt  }
0x42: {  	_ =	shalt  }
0x43: {  	_ =	shalt  }
0x44: {  	_ =	shalt  }
0x45: {  	_ =	shalt  }
0x46: {  	_ =	shalt  }
0x47: {  	_ =	shalt  }
0x48: {  	_ =	shalt  }
0x49: {  	_ =	shalt  }
0x4a: {  	_ =	shalt  }
0x4b: {  	_ =	shalt  }
0x4c: {  	_ =	shalt  }
0x4d: {  	_ =	shalt  }
0x4e: {  	_ =	shalt  }
0x4f: {  	_ =	shalt  }
0x50: {  	_ =	shalt  }
0x51: {  	_ =	shalt  }
0x52: {  	_ =	shalt  }
0x53: {  	_ =	shalt  }
0x54: {  	_ =	shalt  }
0x55: {  	_ =	shalt  }
0x56: {  	_ =	shalt  }
0x57: {  	_ =	shalt  }
0x58: {  	_ =	shalt  }
0x59: {  	_ =	shalt  }
0x5a: {  	_ =	shalt  }
0x5b: {  	_ =	shalt  }
0x5c: {  	_ =	shalt  }
0x5d: {  	_ =	shalt  }
0x5e: {  	_ =	shalt  }
0x5f: {  	_ =	shalt  }
0x60: {  	_ =	shalt  }
0x61: {  	_ =	shalt  }
0x62: {  	_ =	shalt  }
0x63: {  	_ =	shalt  }
0x64: {  	_ =	shalt  }
0x65: {  	_ =	shalt  }
0x66: {  	_ =	shalt  }
0x67: {  	_ =	shalt  }
0x68: {  	_ =	shalt  }
0x69: {  	_ =	shalt  }
0x6a: {  	_ =	shalt  }
0x6b: {  	_ =	shalt  }
0x6c: {  	_ =	shalt  }
0x6d: {  	_ =	shalt  }
0x6e: {  	_ =	shalt  }
0x6f: {  	_ =	shalt  }
0x70: {  	_ =	shalt  }
0x71: {  	_ =	shalt  }
0x72: {  	_ =	shalt  }
0x73: {  	_ =	shalt  }
0x74: {  	_ =	shalt  }
0x75: {  	_ =	shalt  }
0x76: {  	_ =	shalt  }
0x77: {  	_ =	shalt  }
0x78: {  	_ =	shalt  }
0x79: {  	_ =	shalt  }
0x7a: {  	_ =	shalt  }
0x7b: {  	_ =	shalt  }
0x7c: {  	_ =	shalt  }
0x7d: {  	_ =	shalt  }
0x7e: {  	_ =	shalt  }
0x7f: {  	_ =	shalt  }
0x80: {  	_ =	shalt  }
0x81: {  	_ =	shalt  }
0x82: {  	_ =	shalt  }
0x83: {  	_ =	shalt  }
0x84: {  	_ =	shalt  }
0x85: {  	_ =	shalt  }
0x86: {  	_ =	shalt  }
0x87: {  	_ =	shalt  }
.Lfunc_end0:
.L_simem_size_0:
called_computation_lowered:
.L_overlay_start_0:
0x88: {  	s2 =	sld [smem:$0x3FD9]  }
0x89: {  	s3 =	sld [smem:$0x3FFE];
	_ =	sdelay $0x1  }
0x8a: {  	s1 =	srdreg.scid  }
0x8b: {  	s0 =	sand.u32 $0x1, s1  }
0x8c: {  	s17 =	sshll.u32 s0, $0xA;
	s2 =	sadd.s32 s3, s2  }
0x8d: {  	s2 =	sadd.s32 s2, s17  }
0x8e: {  	[smem:$0x3FC0] =	sst s2  }
0x8f: {  	_ = 	snop  }
0x90: {  	s2 =	sld [smem:$0x3FD0];
	(tm) =	ssettm $0x1  }
0x91: {  	s18 =	sld [smem:$0x3FFB];
	_ =	sdelay $0x3  }
0x92: {  	_ =	strace s18  }
0x93: {  	s3 =	sld [smem:$0x3FFC];
	_ =	sdelay $0x3  }
0x94: {  	_ =	strace s3  }
0x95: {  	s3 =	sld [smem:$0x3FFD];
	_ =	sdelay $0x3  }
0x96: {  	_ =	strace s3  }
0x97: {  	_ =	strace $0x8FFFFFFF  }
0x98: {  	s19 =	sld [smem:$0x3FDB];
	_ =	sdelay $0x1  }
0x99: {  	s4 =	simm.s32 $_scs_section_size  }
0x9a: {  	s5 =	simm.s32 $_size__tile_overlayer_lowered;
	s6 =	simm.s32 $_tile_overlayer_lowered  }
0x9b: {  	s22 =	simm.s32 $0x1BFF;
	s21 =	sshll.u32 s6, $0x1;
	s3 =	sadd.s32 s4, s19  }
0x9c: {  	s7 =	simm.s32 $0x0;
	s20 =	sshll.u32 s5, $0x1;
	s5 =	sadd.s32 s21, s3  }
0x9d: {  	[timem:s7], [sflag:s22] =	dma.local [hbm:s5], s20  }
0x9e: {  	_ =	swait.ge [sflag:s22], s20  }
0x9f: {  	s4 =	ssub.s32 $0x0, s20;
	[sflag:s22] =	ssyncset.done $0x0  }
0xa0: {  	[sflag:s22] =	ssyncadd.s32 s4;
	_ =	sdelay $0x1  }
0xa1: {  	s23 =	simm.s32 $0x1B8B  }
0xa2: {  	_ =	swait.ge [sflag:s23], $0x1  }
0xa3: {  	[sflag:s23] =	ssyncset.done $0x0  }
0xa4: {  	s25 =	simm.s32 $0x1B8E;
	s24 =	sld [smem:$0x3FFE];
	[sflag:s23] =	ssyncadd.s32 $0xFFFFFFFF  }
0xa5: {  	s26 =	simm.s32 $execute0_lowered;
	[smem:$0x3FD2] =	sst s25  }
0xa6: {  	s5 =	sshll.u32 s26, $0x1;
	_ =	strace $0x80000046;
	[dreg:$0x1] =	wrdreg $0xFFFFFFFF  }
0xa7: {  	s28 =	simm.s32 $_size_execute0_lowered;
	s3 =	sadd.s32 s3, s5;
	[dreg:$0x0] =	wrdreg $0x0  }
0xa8: {  	s5 =	sshll.u32 s28, $0x1;
	[dreg:$0x2] =	wrdreg s3  }
0xa9: {  	[dreg:$0x3] =	wrdreg s5  }
0xaa: {  	[dreg:$0x4] =	wrdreg $0xC0  }
0xab: {  	_ =	task [dreg:s7], $0x5FFFF  }
0xac: {  	[dreg:$0x1] =	wrdreg $0xFFFFFFFF  }
0xad: {  	[dreg:$0x0] =	wrdreg $0x60  }
0xae: {  	[dreg:$0x2] =	wrdreg s24  }
0xaf: {  	[dreg:$0x3] =	wrdreg s2  }
0xb0: {  	[dreg:$0x4] =	wrdreg $0x9  }
0xb1: {  	_ =	task.clear_ibuf [dreg:s7], $0x5FFFF;
	_ =	strace $0x90000046  }
0xb2: {  	s29 =	simm.s32 $0x9;
	_ =	strace $0x80000048  }
0xb3: {  	_ =	swait.ge [sflag:s29], $0x1  }
0xb4: {  	[sflag:s29] =	ssyncadd.s32 $0xFFFFFFFF  }
0xb5: {  	_ =	strace $0x90000048  }
0xb6: {  	_ =	sfence  }
0xb7: {  	s30 =	sld [smem:$0x0];
	_ =	sdelay $0x2  }
0xb8: {  	s31 =	sshll.u32 s1, $0xD;
	s1 =	sshrl.u32 s1, $0x2  }
0xb9: {  	s3 =	sand.u32 $0x4000, s31;
	s1 =	sadd.s32 s1, s30  }
0xba: {  	s0 =	sor.u32 s3, s0;
	s1 =	sshll.u32 s1, $0x11  }
0xbb: {  	s0 =	sor.u32 s1, s0  }
0xbc: {  	s0 =	sadd.s32 $0x8F2B, s0  }
0xbd: {  	[sflag:s0] =	ssyncadd.remote.s32 $0x1  }
0xbe: {  	_ =	sfence.sel $0xFFFF  }
0xbf: {  	[dreg:$0x0] =	wrdreg $0xFFFFFFFF;
	(pc) =	sbr.abs _section_cstart, $3  }
0xc0: {  	[dreg:$0x1] =	wrdreg $0xFFFFFFFF  }
0xc1: {  	_ =	task.clear_ibuf [dreg:s7], $0x2FFFF;
	_ =	strace $0x9FFFFFFF  }
0xc2: {  	(tm) =	ssettm $0x7FFFFFFF  }
0xc3: {  	_ =	shalt  }
tec
execute0_lowered:
.L_overlay_start_1:
0x0: {  	(tag) =	ssettag $0x1  }
0x1: {  	s0 =	rddreg [dreg:$0x0]  }
0x2: {  	s2 =	rddreg [dreg:$0x1];
	s1 =	srdreg.scid  }
0x3: {  	s9 =	stileid.u32;
	s3 =	simm.s32 $0x0;
	s1 =	sand.u32 $0x1, s1  }
0x4: {  	s4 =	sshll.u32 s9, $0x1;
	[smem:$0x7FF] =	sst s3;
	s6 =	sadd.s32 $0x1A00, s0  }
0x5: {  	s8 =	sadd.s32 $0x5EE00, s0;
	s9 =	sshrl.u32 s9, $0x2;
	s15 =	sadd.s32 $0x4FE30, s0  }
0x6: {  	s16 =	sadd.s32 $0x4FE40, s0;
	_ =	strace $0x80000047;
	[dreg:$0xc] =	wrdreg s15  }
0x7: {  	s17 =	sadd.s32 $0x4FE50, s0;
	s18 =	sadd.s32 $0x4FE60, s0;
	[dreg:$0xd] =	wrdreg s16  }
0x8: {  	s19 =	sadd.s32 $0x4FE70, s0;
	s20 =	sadd.s32 $0x4FE80, s0;
	[dreg:$0xe] =	wrdreg s17  }
0x9: {  	s21 =	sadd.s32 $0x4FE90, s0;
	s22 =	sadd.s32 $0x4FEA0, s0;
	[dreg:$0xf] =	wrdreg s18  }
0xa: {  	s23 =	sadd.s32 $0x4FEB0, s0;
	s29 =	sadd.s32 $0x20, s2;
	[dreg:$0x10] =	wrdreg s19  }
0xb: {  	s30 =	sadd.s32 $0x30, s2;
	s31 =	sadd.s32 $0x40, s2;
	[dreg:$0x11] =	wrdreg s20  }
0xc: {  	s5 =	sor.u32 s1, s4;
	s11 =	smul.u32 $0x4E400, s9;
	[dreg:$0x12] =	wrdreg s21  }
0xd: {  	s4 =	sadd.s32 $0x4FE00, s0;
	s12 =	smul.u32 $0x4F000, s9;
	[dreg:$0x13] =	wrdreg s22  }
0xe: {  	s9 =	sor.u32 $0x4, s9;
	s1 =	ssub.s32 $0x2, s1;
	[dreg:$0x14] =	wrdreg s23  }
0xf: {  	s15 =	simm.s32 $0x400;
	s16 =	simm.s32 $0x2;
	s17 =	simm.s32 $0x1  }
0x10: {  	s18 =	simm.s32 $0x9C80;
	s19 =	simm.s32 $0x13A80;
	s7 =	smul.u32 $0x140, s5  }
0x11: {  	s20 =	simm.s32 $0x0;
	s5 =	sshll.u32 s5, $0x7;
	s13 =	smul.u32 $0x4E400, s9  }
0x12: {  	s14 =	sshrl.u32 s1, $0x1;
	s9 =	smul.u32 $0x4F000, s9;
	s5 =	sand.u32 $0x380, s5  }
0x13: {  	s1 =	ssub.s32 s1, s14;
	s14 =	sadd.s32 $0x4FE20, s0;
	s10 =	sshrl.u32 s7, $0x3  }
0x14: {  	s11 =	sor.u32 s11, s5;
	s24 =	sor.u32 s12, s5;
	s25 =	sor.u32 s13, s5  }
0x15: {  	s5 =	sor.u32 s9, s5;
	s12 =	sadd.s32 $0x13A80, s7;
	[dreg:$0xb] =	wrdreg s14  }
0x16: {  	s1 =	smax.u32 s1, $0x1;
	s13 =	sadd.s32 $0x4FE10, s0;
	[dreg:$0x8] =	wrdreg s12  }
0x17: {  	s7 =	sadd.s32 $0x90, s2;
	s11 =	sshrl.u32 s11, $0x3;
	[dreg:$0x9] =	wrdreg s1  }
0x18: {  	s26 =	sshrl.u32 s24, $0x3;
	[dreg:$0xa] =	wrdreg s13;
	s24 =	sadd.s32 $0x4FEC0, s0  }
0x19: {  	s28 =	sshrl.u32 s25, $0x3;
	s25 =	sadd.s32 $0x4FED0, s0;
	[dreg:$0x15] =	wrdreg s24  }
0x1a: {  	s14 =	simm.s32 $0x80;
	s11 =	sadd.s32 s6, s11;
	[dreg:$0x16] =	wrdreg s25  }
0x1b: {  	s10 =	sadd.s32 s10, s0;
	s9 =	sadd.s32 s8, s26;
	[dreg:$0x3] =	wrdreg s11  }
0x1c: {  	s5 =	sshrl.u32 s5, $0x3;
	s6 =	sadd.s32 s6, s28;
	[dreg:$0x4] =	wrdreg s9  }
0x1d: {  	s1 =	sadd.s32 $0x60, s2;
	s5 =	sadd.s32 s8, s5;
	[dreg:$0x5] =	wrdreg s6  }
0x1e: {  	s12 =	sadd.s32 $0xE0, s2;
	s26 =	sadd.s32 $0x4FEE0, s0;
	[dreg:$0x6] =	wrdreg s5  }
0x1f: {  	s13 =	sadd.s32 $0xF0, s2;
	s0 =	sadd.s32 $0x4FEF0, s0;
	[dreg:$0x17] =	wrdreg s26  }
0x20: {  	s28 =	sadd.s32 $0x10, s2;
	s8 =	sadd.s32 $0xA0, s2;
	[dreg:$0x18] =	wrdreg s0  }
0x21: {  	s11 =	sadd.s32 $0xADE00, s10;
	[dreg:$0x19] =	wrdreg s28;
	s0 =	sadd.s32 $0x50, s2  }
0x22: {  	s5 =	sadd.s32 $0x70, s2;
	s6 =	sadd.s32 $0x80, s2;
	s9 =	sadd.s32 $0xB0, s2  }
0x23: {  	v0 =	vimm.f32 $0.0e+00;
	v1 =	vimm.f32 $1.000000000e+00;
	s10 =	sadd.s32 $0xC0, s2;
	[dreg:$0x7] =	wrdreg s11;
	s11 =	sadd.s32 $0xD0, s2  }
.LBB2_1:
0x24: {  	s21 =	simm.s32 $0x40;
	s22 =	simm.s32 $0x0  }
.LBB2_2:
0x25: {  	p0 =	sne.s32 s21, $0x9FC0;
	[tilespmem:s22+$0x13A80] =	vst v0;
	s22 =	smov.u32 s21;
	s21 =	sadd.s32 $0x40, s21  }
.Ltmp0:
0x26: {  	(pc) =	sbr.rel @p0 .LBB2_2-.Ltmp0, $2  }
0x27: {  	_ =	sdelay $0x2  }
0x28: {  	s22 =	sshra.s32 s22, $0x2  }
0x29: {  	[tilespmem:s22+$0x13A80] =	vst v0;
	s21 =	simm.s32 $0x0;
	s28 =	rddreg [dreg:$0x3]  }
0x2a: {  	[tilespmem:s21], [sflag:$0x2] =	stream.strided.gather [hbm4b:s28+s14], $0x9C80, s15, s14, $0x38;
	[tilespmem:$0x18280] =	vst v63  }
0x2b: {  	_ =	swait.ge [sflag:s16], $0x9C80  }
0x2c: {  	[sflag:s16] =	ssyncset.done $0x0  }
0x2d: {  	s22 =	simm.s32 $0x0;
	s21 =	simm.s32 $0x40;
	[sflag:s16] =	ssyncadd.s32 $0xFFFF6380  }
.LBB2_4:
0x2e: {  	p0 =	sne.s32 s21, $0x277C0;
	[tilespmem:s22+$0x9C80] =	vst v0;
	s22 =	smov.u32 s21;
	s21 =	sadd.s32 $0x40, s21  }
.Ltmp1:
0x2f: {  	(pc) =	sbr.rel @p0 .LBB2_4-.Ltmp1, $2  }
0x30: {  	_ =	sdelay $0x2  }
0x31: {  	s22 =	sshra.s32 s22, $0x2  }
0x32: {  	[tilespmem:s22+$0x9C80] =	vst v0;
	s23 =	simm.s32 $0x0;
	s21 =	simm.s32 $0x16280  }
0x33: {  	[tilespmem:s21], [sflag:$0x1] =	stream.linear.gather [hbm4b:s2+s23], $0x80, $0x38;
	[tilespmem:$0x18280] =	vst v63  }
0x34: {  	s24 =	rddreg [dreg:$0x19];
	s25 =	simm.s32 $0x16380  }
0x35: {  	[tilespmem:s25], [sflag:$0x1] =	stream.linear.gather [hbm4b:s24+s23], $0x80, $0x38;
	[tilespmem:$0x18280] =	vst v63  }
0x36: {  	s26 =	simm.s32 $0x16480  }
0x37: {  	[tilespmem:s26], [sflag:$0x1] =	stream.linear.gather [hbm4b:s29+s23], $0x80, $0x38;
	[tilespmem:$0x18280] =	vst v63  }
0x38: {  	s28 =	simm.s32 $0x16580  }
0x39: {  	[tilespmem:s28], [sflag:$0x1] =	stream.linear.gather [hbm4b:s30+s23], $0x80, $0x38;
	[tilespmem:$0x18280] =	vst v63  }
0x3a: {  	s22 =	simm.s32 $0x16680  }
0x3b: {  	[tilespmem:s22], [sflag:$0x1] =	stream.linear.gather [hbm4b:s31+s23], $0x80, $0x38;
	[tilespmem:$0x18280] =	vst v63  }
0x3c: {  	s24 =	simm.s32 $0x16780  }
0x3d: {  	[tilespmem:s24], [sflag:$0x1] =	stream.linear.gather [hbm4b:s0+s23], $0x80, $0x38;
	[tilespmem:$0x18280] =	vst v63  }
0x3e: {  	s25 =	simm.s32 $0x16880  }
0x3f: {  	[tilespmem:s25], [sflag:$0x1] =	stream.linear.gather [hbm4b:s1+s23], $0x80, $0x38;
	[tilespmem:$0x18280] =	vst v63  }
0x40: {  	s26 =	simm.s32 $0x16980  }
0x41: {  	[tilespmem:s26], [sflag:$0x1] =	stream.linear.gather [hbm4b:s5+s23], $0x80, $0x38;
	[tilespmem:$0x18280] =	vst v63  }
0x42: {  	s28 =	simm.s32 $0x16A80  }
0x43: {  	[tilespmem:s28], [sflag:$0x1] =	stream.linear.gather [hbm4b:s6+s23], $0x80, $0x38;
	[tilespmem:$0x18280] =	vst v63  }
0x44: {  	s22 =	simm.s32 $0x16B80  }
0x45: {  	[tilespmem:s22], [sflag:$0x1] =	stream.linear.gather [hbm4b:s7+s23], $0x80, $0x38;
	[tilespmem:$0x18280] =	vst v63  }
0x46: {  	s24 =	simm.s32 $0x16C80  }
0x47: {  	[tilespmem:s24], [sflag:$0x1] =	stream.linear.gather [hbm4b:s8+s23], $0x80, $0x38;
	[tilespmem:$0x18280] =	vst v63  }
0x48: {  	s25 =	simm.s32 $0x16D80  }
0x49: {  	[tilespmem:s25], [sflag:$0x1] =	stream.linear.gather [hbm4b:s9+s23], $0x80, $0x38;
	[tilespmem:$0x18280] =	vst v63  }
0x4a: {  	s26 =	simm.s32 $0x16E80  }
0x4b: {  	[tilespmem:s26], [sflag:$0x1] =	stream.linear.gather [hbm4b:s10+s23], $0x80, $0x38;
	[tilespmem:$0x18280] =	vst v63  }
0x4c: {  	s28 =	simm.s32 $0x16F80  }
0x4d: {  	[tilespmem:s28], [sflag:$0x1] =	stream.linear.gather [hbm4b:s11+s23], $0x80, $0x38;
	[tilespmem:$0x18280] =	vst v63  }
0x4e: {  	s22 =	simm.s32 $0x17080  }
0x4f: {  	[tilespmem:s22], [sflag:$0x1] =	stream.linear.gather [hbm4b:s12+s23], $0x80, $0x38;
	[tilespmem:$0x18280] =	vst v63  }
0x50: {  	s24 =	simm.s32 $0x17180  }
0x51: {  	[tilespmem:s24], [sflag:$0x1] =	stream.linear.gather [hbm4b:s13+s23], $0x80, $0x38;
	[tilespmem:$0x18280] =	vst v63  }
0x52: {  	s25 =	simm.s32 $0x17280  }
0x53: {  	[tilespmem:s25], [sflag:$0x1] =	stream.linear.gather [hbm4b:s4+s23], $0x80, $0x38;
	[tilespmem:$0x18280] =	vst v63  }
0x54: {  	s26 =	rddreg [dreg:$0xa];
	s28 =	simm.s32 $0x17380  }
0x55: {  	[tilespmem:s28], [sflag:$0x1] =	stream.linear.gather [hbm4b:s26+s23], $0x80, $0x38;
	[tilespmem:$0x18280] =	vst v63  }
0x56: {  	s24 =	rddreg [dreg:$0xb];
	s25 =	simm.s32 $0x17480  }
0x57: {  	[tilespmem:s25], [sflag:$0x1] =	stream.linear.gather [hbm4b:s24+s23], $0x80, $0x38;
	[tilespmem:$0x18280] =	vst v63  }
0x58: {  	s26 =	rddreg [dreg:$0xc];
	s28 =	simm.s32 $0x17580  }
0x59: {  	[tilespmem:s28], [sflag:$0x1] =	stream.linear.gather [hbm4b:s26+s23], $0x80, $0x38;
	[tilespmem:$0x18280] =	vst v63  }
0x5a: {  	s24 =	rddreg [dreg:$0xd];
	s25 =	simm.s32 $0x17680  }
0x5b: {  	[tilespmem:s25], [sflag:$0x1] =	stream.linear.gather [hbm4b:s24+s23], $0x80, $0x38;
	[tilespmem:$0x18280] =	vst v63  }
0x5c: {  	s26 =	rddreg [dreg:$0xe];
	s28 =	simm.s32 $0x17780  }
0x5d: {  	[tilespmem:s28], [sflag:$0x1] =	stream.linear.gather [hbm4b:s26+s23], $0x80, $0x38;
	[tilespmem:$0x18280] =	vst v63  }
0x5e: {  	s24 =	rddreg [dreg:$0xf];
	s25 =	simm.s32 $0x17880  }
0x5f: {  	[tilespmem:s25], [sflag:$0x1] =	stream.linear.gather [hbm4b:s24+s23], $0x80, $0x38;
	[tilespmem:$0x18280] =	vst v63  }
0x60: {  	s26 =	rddreg [dreg:$0x10];
	s28 =	simm.s32 $0x17980  }
0x61: {  	[tilespmem:s28], [sflag:$0x1] =	stream.linear.gather [hbm4b:s26+s23], $0x80, $0x38;
	[tilespmem:$0x18280] =	vst v63  }
0x62: {  	s24 =	rddreg [dreg:$0x11];
	s25 =	simm.s32 $0x17A80  }
0x63: {  	[tilespmem:s25], [sflag:$0x1] =	stream.linear.gather [hbm4b:s24+s23], $0x80, $0x38;
	[tilespmem:$0x18280] =	vst v63  }
0x64: {  	s26 =	rddreg [dreg:$0x12];
	s28 =	simm.s32 $0x17B80  }
0x65: {  	[tilespmem:s28], [sflag:$0x1] =	stream.linear.gather [hbm4b:s26+s23], $0x80, $0x38;
	[tilespmem:$0x18280] =	vst v63  }
0x66: {  	s24 =	rddreg [dreg:$0x13];
	s25 =	simm.s32 $0x17C80  }
0x67: {  	[tilespmem:s25], [sflag:$0x1] =	stream.linear.gather [hbm4b:s24+s23], $0x80, $0x38;
	[tilespmem:$0x18280] =	vst v63  }
0x68: {  	s26 =	rddreg [dreg:$0x14];
	s28 =	simm.s32 $0x17D80  }
0x69: {  	[tilespmem:s28], [sflag:$0x1] =	stream.linear.gather [hbm4b:s26+s23], $0x80, $0x38;
	[tilespmem:$0x18280] =	vst v63  }
0x6a: {  	s24 =	rddreg [dreg:$0x15];
	s25 =	simm.s32 $0x17E80  }
0x6b: {  	[tilespmem:s25], [sflag:$0x1] =	stream.linear.gather [hbm4b:s24+s23], $0x80, $0x38;
	[tilespmem:$0x18280] =	vst v63  }
0x6c: {  	s26 =	rddreg [dreg:$0x16];
	s28 =	simm.s32 $0x17F80  }
0x6d: {  	[tilespmem:s28], [sflag:$0x1] =	stream.linear.gather [hbm4b:s26+s23], $0x80, $0x38;
	[tilespmem:$0x18280] =	vst v63  }
0x6e: {  	s24 =	rddreg [dreg:$0x17];
	s25 =	simm.s32 $0x18080  }
0x6f: {  	[tilespmem:s25], [sflag:$0x1] =	stream.linear.gather [hbm4b:s24+s23], $0x80, $0x38;
	[tilespmem:$0x18280] =	vst v63  }
0x70: {  	s26 =	rddreg [dreg:$0x18];
	s28 =	simm.s32 $0x18180  }
0x71: {  	[tilespmem:s28], [sflag:$0x1] =	stream.linear.gather [hbm4b:s26+s23], $0x80, $0x38;
	[tilespmem:$0x18280] =	vst v63  }
.LBB2_7:
0x72: {  	_ =	swait.ge [sflag:s17], $0x800;
	p0 =	seq.s32 s23, $0x4F  }
.Ltmp2:
0x73: {  	[sflag:s17] =	ssyncset.done $0x0;
	(pc) =	sbr.rel @p0 .LBB2_9-.Ltmp2, $4  }
0x74: {  	[sflag:s17] =	ssyncadd.s32 $0xFFFFF800  }
0x75: {  	_ =	swait.ge [sflag:s17], $0x800  }
0x76: {  	[sflag:s17] =	ssyncset.done $0x0  }
0x77: {  	s21 =	sadd.s32 $0x1, s23;
	s22 =	simm.s32 $0x80;
	[sflag:s17] =	ssyncadd.s32 $0xFFFFF800  }
0x78: {  	s22 =	sshll.u32 s23, $0x7  }
0x79: {  	s22 =	sand.u32 $0x80, s22  }
0x7a: {  	s24 =	sshll.u32 s21, $0x8;
	s23 =	sxor.u32 $0x80, s22  }
0x7b: {  	s26 =	sadd.s32 s2, s24;
	s25 =	sadd.s32 $0x16280, s23  }
0x7c: {  	[tilespmem:s25], [sflag:$0x1] =	stream.linear.gather [hbm4b:s26+s3], $0x80, $0x38;
	[tilespmem:$0x18280] =	vst v63  }
0x7d: {  	s28 =	sadd.s32 $0x16380, s23;
	s25 =	sadd.s32 $0x10, s26  }
0x7e: {  	[tilespmem:s28], [sflag:$0x1] =	stream.linear.gather [hbm4b:s25+s3], $0x80, $0x38;
	[tilespmem:$0x18280] =	vst v63  }
0x7f: {  	s25 =	sadd.s32 $0x20, s26;
	s28 =	sadd.s32 $0x16480, s23  }
0x80: {  	[tilespmem:s28], [sflag:$0x1] =	stream.linear.gather [hbm4b:s25+s3], $0x80, $0x38;
	[tilespmem:$0x18280] =	vst v63  }
0x81: {  	s25 =	sadd.s32 $0x30, s26;
	s28 =	sadd.s32 $0x16580, s23  }
0x82: {  	[tilespmem:s28], [sflag:$0x1] =	stream.linear.gather [hbm4b:s25+s3], $0x80, $0x38;
	[tilespmem:$0x18280] =	vst v63  }
0x83: {  	s25 =	sadd.s32 $0x40, s26;
	s28 =	sadd.s32 $0x16680, s23  }
0x84: {  	[tilespmem:s28], [sflag:$0x1] =	stream.linear.gather [hbm4b:s25+s3], $0x80, $0x38;
	[tilespmem:$0x18280] =	vst v63  }
0x85: {  	s25 =	sadd.s32 $0x50, s26;
	s28 =	sadd.s32 $0x16780, s23  }
0x86: {  	[tilespmem:s28], [sflag:$0x1] =	stream.linear.gather [hbm4b:s25+s3], $0x80, $0x38;
	[tilespmem:$0x18280] =	vst v63  }
0x87: {  	s25 =	sadd.s32 $0x60, s26;
	s28 =	sadd.s32 $0x16880, s23  }
0x88: {  	[tilespmem:s28], [sflag:$0x1] =	stream.linear.gather [hbm4b:s25+s3], $0x80, $0x38;
	[tilespmem:$0x18280] =	vst v63  }
0x89: {  	s25 =	sadd.s32 $0x70, s26;
	s28 =	sadd.s32 $0x16980, s23  }
0x8a: {  	[tilespmem:s28], [sflag:$0x1] =	stream.linear.gather [hbm4b:s25+s3], $0x80, $0x38;
	[tilespmem:$0x18280] =	vst v63  }
0x8b: {  	s25 =	sadd.s32 $0x80, s26;
	s28 =	sadd.s32 $0x16A80, s23  }
0x8c: {  	[tilespmem:s28], [sflag:$0x1] =	stream.linear.gather [hbm4b:s25+s3], $0x80, $0x38;
	[tilespmem:$0x18280] =	vst v63  }
0x8d: {  	s25 =	sadd.s32 $0x90, s26;
	s28 =	sadd.s32 $0x16B80, s23  }
0x8e: {  	[tilespmem:s28], [sflag:$0x1] =	stream.linear.gather [hbm4b:s25+s3], $0x80, $0x38;
	[tilespmem:$0x18280] =	vst v63  }
0x8f: {  	s25 =	sadd.s32 $0xA0, s26;
	s28 =	sadd.s32 $0x16C80, s23  }
0x90: {  	[tilespmem:s28], [sflag:$0x1] =	stream.linear.gather [hbm4b:s25+s3], $0x80, $0x38;
	[tilespmem:$0x18280] =	vst v63  }
0x91: {  	s25 =	sadd.s32 $0xB0, s26;
	s28 =	sadd.s32 $0x16D80, s23  }
0x92: {  	[tilespmem:s28], [sflag:$0x1] =	stream.linear.gather [hbm4b:s25+s3], $0x80, $0x38;
	[tilespmem:$0x18280] =	vst v63  }
0x93: {  	s25 =	sadd.s32 $0xC0, s26;
	s28 =	sadd.s32 $0x16E80, s23  }
0x94: {  	[tilespmem:s28], [sflag:$0x1] =	stream.linear.gather [hbm4b:s25+s3], $0x80, $0x38;
	[tilespmem:$0x18280] =	vst v63  }
0x95: {  	s25 =	sadd.s32 $0xD0, s26;
	s28 =	sadd.s32 $0x16F80, s23  }
0x96: {  	[tilespmem:s28], [sflag:$0x1] =	stream.linear.gather [hbm4b:s25+s3], $0x80, $0x38;
	[tilespmem:$0x18280] =	vst v63  }
0x97: {  	s25 =	sadd.s32 $0xE0, s26;
	s28 =	sadd.s32 $0x17080, s23  }
0x98: {  	[tilespmem:s28], [sflag:$0x1] =	stream.linear.gather [hbm4b:s25+s3], $0x80, $0x38;
	[tilespmem:$0x18280] =	vst v63  }
0x99: {  	s26 =	sadd.s32 $0xF0, s26;
	s28 =	sadd.s32 $0x17180, s23  }
0x9a: {  	[tilespmem:s28], [sflag:$0x1] =	stream.linear.gather [hbm4b:s26+s3], $0x80, $0x38;
	[tilespmem:$0x18280] =	vst v63  }
0x9b: {  	s24 =	sadd.s32 s4, s24;
	s28 =	sadd.s32 $0x17280, s23  }
0x9c: {  	[tilespmem:s28], [sflag:$0x1] =	stream.linear.gather [hbm4b:s24+s3], $0x80, $0x38;
	[tilespmem:$0x18280] =	vst v63  }
0x9d: {  	s26 =	sadd.s32 $0x10, s24;
	s28 =	sadd.s32 $0x17380, s23  }
0x9e: {  	[tilespmem:s28], [sflag:$0x1] =	stream.linear.gather [hbm4b:s26+s3], $0x80, $0x38;
	[tilespmem:$0x18280] =	vst v63  }
0x9f: {  	s26 =	sadd.s32 $0x20, s24;
	s28 =	sadd.s32 $0x17480, s23  }
0xa0: {  	[tilespmem:s28], [sflag:$0x1] =	stream.linear.gather [hbm4b:s26+s3], $0x80, $0x38;
	[tilespmem:$0x18280] =	vst v63  }
0xa1: {  	s26 =	sadd.s32 $0x30, s24;
	s28 =	sadd.s32 $0x17580, s23  }
0xa2: {  	[tilespmem:s28], [sflag:$0x1] =	stream.linear.gather [hbm4b:s26+s3], $0x80, $0x38;
	[tilespmem:$0x18280] =	vst v63  }
0xa3: {  	s26 =	sadd.s32 $0x40, s24;
	s28 =	sadd.s32 $0x17680, s23  }
0xa4: {  	[tilespmem:s28], [sflag:$0x1] =	stream.linear.gather [hbm4b:s26+s3], $0x80, $0x38;
	[tilespmem:$0x18280] =	vst v63  }
0xa5: {  	s26 =	sadd.s32 $0x50, s24;
	s28 =	sadd.s32 $0x17780, s23  }
0xa6: {  	[tilespmem:s28], [sflag:$0x1] =	stream.linear.gather [hbm4b:s26+s3], $0x80, $0x38;
	[tilespmem:$0x18280] =	vst v63  }
0xa7: {  	s26 =	sadd.s32 $0x60, s24;
	s28 =	sadd.s32 $0x17880, s23  }
0xa8: {  	[tilespmem:s28], [sflag:$0x1] =	stream.linear.gather [hbm4b:s26+s3], $0x80, $0x38;
	[tilespmem:$0x18280] =	vst v63  }
0xa9: {  	s26 =	sadd.s32 $0x70, s24;
	s28 =	sadd.s32 $0x17980, s23  }
0xaa: {  	[tilespmem:s28], [sflag:$0x1] =	stream.linear.gather [hbm4b:s26+s3], $0x80, $0x38;
	[tilespmem:$0x18280] =	vst v63  }
0xab: {  	s26 =	sadd.s32 $0x80, s24;
	s28 =	sadd.s32 $0x17A80, s23  }
0xac: {  	[tilespmem:s28], [sflag:$0x1] =	stream.linear.gather [hbm4b:s26+s3], $0x80, $0x38;
	[tilespmem:$0x18280] =	vst v63  }
0xad: {  	s26 =	sadd.s32 $0x90, s24;
	s28 =	sadd.s32 $0x17B80, s23  }
0xae: {  	[tilespmem:s28], [sflag:$0x1] =	stream.linear.gather [hbm4b:s26+s3], $0x80, $0x38;
	[tilespmem:$0x18280] =	vst v63  }
0xaf: {  	s26 =	sadd.s32 $0xA0, s24;
	s28 =	sadd.s32 $0x17C80, s23  }
0xb0: {  	[tilespmem:s28], [sflag:$0x1] =	stream.linear.gather [hbm4b:s26+s3], $0x80, $0x38;
	[tilespmem:$0x18280] =	vst v63  }
0xb1: {  	s26 =	sadd.s32 $0xB0, s24;
	s28 =	sadd.s32 $0x17D80, s23  }
0xb2: {  	[tilespmem:s28], [sflag:$0x1] =	stream.linear.gather [hbm4b:s26+s3], $0x80, $0x38;
	[tilespmem:$0x18280] =	vst v63  }
0xb3: {  	s26 =	sadd.s32 $0xC0, s24;
	s28 =	sadd.s32 $0x17E80, s23  }
0xb4: {  	[tilespmem:s28], [sflag:$0x1] =	stream.linear.gather [hbm4b:s26+s3], $0x80, $0x38;
	[tilespmem:$0x18280] =	vst v63  }
0xb5: {  	s26 =	sadd.s32 $0xD0, s24;
	s28 =	sadd.s32 $0x17F80, s23  }
0xb6: {  	[tilespmem:s28], [sflag:$0x1] =	stream.linear.gather [hbm4b:s26+s3], $0x80, $0x38;
	[tilespmem:$0x18280] =	vst v63  }
0xb7: {  	s26 =	sadd.s32 $0xE0, s24;
	s28 =	sadd.s32 $0x18080, s23  }
0xb8: {  	[tilespmem:s28], [sflag:$0x1] =	stream.linear.gather [hbm4b:s26+s3], $0x80, $0x38;
	[tilespmem:$0x18280] =	vst v63  }
0xb9: {  	s24 =	sadd.s32 $0xF0, s24;
	s23 =	sadd.s32 $0x18180, s23  }
0xba: {  	[tilespmem:s23], [sflag:$0x1] =	stream.linear.gather [hbm4b:s24+s3], $0x80, $0x38;
	[tilespmem:$0x18280] =	vst v63  }
.LBB2_9:
0xbb: {  	s23 =	simm.s32 $0x0  }
0xbc: {  	s24 =	sand.u32 $0xF00, s23  }
0xbd: {  	s23 =	sand.u32 $0x70, s23;
	s24 =	sor.u32 s22, s24  }
0xbe: {  	s23 =	sor.u32 s23, s24  }
0xbf: {  	v2 =	vld [tilespmem:s23+$0x16280];
	_ =	sdelay $0x4  }
0xc0: {  	v3 =	vshll.u32 v2, $0x2;
	v2 =	vld [tilespmem:s23+$0x17280];
	_ =	sdelay $0x4  }
0xc1: {  	v4 =	vld.idx.msk [tilespmem:v3+s3+$0x0], $0xffff;
	v5 =	vshll.u32 v2, $0x2  }
0xc2: {  	v6 =	vor.u32 $0x1, v3;
	_ =	sdelay $0x3  }
0xc3: {  	[tilespmem:v5+s18+$0x0] =	vst.idx.add.f32.msk $0xffff, v4  }
0xc4: {  	v61 =	vor.u32 $0x1, v5;
	v4 =	vld.idx.msk [tilespmem:v6+s3+$0x0], $0xffff  }
0xc5: {  	v7 =	vor.u32 $0x2, v3;
	_ =	sdelay $0x3  }
0xc6: {  	[tilespmem:v61+s18+$0x0] =	vst.idx.add.f32.msk $0xffff, v4  }
0xc7: {  	v62 =	vor.u32 $0x2, v5;
	v4 =	vld.idx.msk [tilespmem:v7+s3+$0x0], $0xffff  }
0xc8: {  	v3 =	vor.u32 $0x3, v3;
	_ =	sdelay $0x3  }
0xc9: {  	[tilespmem:v62+s18+$0x0] =	vst.idx.add.f32.msk $0xffff, v4  }
0xca: {  	v63 =	vor.u32 $0x3, v5;
	v3 =	vld.idx.msk [tilespmem:v3+s3+$0x0], $0xffff;
	_ =	sdelay $0x2  }
0xcb: {  	s23 =	simm.s32 $0x20  }
0xcc: {  	s25 =	simm.s32 $0x10;
	s26 =	sand.u32 $0xF00, s23  }
0xcd: {  	s25 =	sand.u32 $0x70, s25;
	s24 =	simm.s32 $0x20;
	s26 =	sor.u32 s22, s26;
	[tilespmem:v63+s18+$0x0] =	vst.idx.add.f32.msk $0xffff, v3  }
.LBB2_10:
0xce: {  	p0 =	seq.s32 s24, $0x7F0  }
0xcf: {  	s25 =	sor.u32 s25, s26;
	[tilespmem:v2+s19+$0x0] =	vst.idx.add.f32.msk $0xffff, v1;
	s26 =	smov.u32 s24;
	s24 =	sadd.s32 $0x10, s24  }
0xd0: {  	v2 =	vld [tilespmem:s25+$0x16280];
	_ =	sdelay $0x4  }
0xd1: {  	v3 =	vshll.u32 v2, $0x2  }
0xd2: {  	v2 =	vld [tilespmem:s25+$0x17280];
	_ =	sdelay $0x3  }
0xd3: {  	v4 =	vld.idx.msk [tilespmem:v3+s3+$0x0], $0xffff  }
0xd4: {  	v5 =	vshll.u32 v2, $0x2  }
0xd5: {  	v6 =	vor.u32 $0x1, v3;
	_ =	sdelay $0x3  }
0xd6: {  	[tilespmem:v5+s18+$0x0] =	vst.idx.add.f32.msk $0xffff, v4  }
0xd7: {  	v4 =	vld.idx.msk [tilespmem:v6+s3+$0x0], $0xffff  }
0xd8: {  	v6 =	vor.u32 $0x1, v5  }
0xd9: {  	v7 =	vor.u32 $0x2, v3;
	_ =	sdelay $0x3  }
0xda: {  	[tilespmem:v6+s18+$0x0] =	vst.idx.add.f32.msk $0xffff, v4  }
0xdb: {  	v4 =	vld.idx.msk [tilespmem:v7+s3+$0x0], $0xffff  }
0xdc: {  	v6 =	vor.u32 $0x2, v5  }
0xdd: {  	v3 =	vor.u32 $0x3, v3;
	_ =	sdelay $0x3  }
0xde: {  	[tilespmem:v6+s18+$0x0] =	vst.idx.add.f32.msk $0xffff, v4  }
0xdf: {  	v3 =	vld.idx.msk [tilespmem:v3+s3+$0x0], $0xffff  }
0xe0: {  	v4 =	vor.u32 $0x3, v5  }
.Ltmp3:
0xe1: {  	(pc) =	sbr.rel @!p0 .LBB2_10-.Ltmp3, $4  }
0xe2: {  	_ = 	snop  }
0xe3: {  	s23 =	sadd.s32 $0x20, s23  }
0xe4: {  	s28 =	sand.u32 $0xF00, s23  }
0xe5: {  	s25 =	sand.u32 $0x70, s26;
	s26 =	sor.u32 s22, s28;
	[tilespmem:v4+s18+$0x0] =	vst.idx.add.f32.msk $0xffff, v3  }
0xe6: {  	_ =	sdelay $0x3  }
0xe7: {  	s22 =	sor.u32 s25, s26;
	[tilespmem:v2+s19+$0x0] =	vst.idx.add.f32.msk $0xffff, v1  }
0xe8: {  	v2 =	vld [tilespmem:s22+$0x16280];
	_ =	sdelay $0x4  }
0xe9: {  	v3 =	vld [tilespmem:s22+$0x17280];
	v2 =	vshll.u32 v2, $0x2;
	_ =	sdelay $0x4  }
0xea: {  	v5 =	vshll.u32 v3, $0x2;
	v4 =	vld.idx.msk [tilespmem:v2+s3+$0x0], $0xffff  }
0xeb: {  	v6 =	vor.u32 $0x1, v2;
	_ =	sdelay $0x3  }
0xec: {  	[tilespmem:v5+s18+$0x0] =	vst.idx.add.f32.msk $0xffff, v4  }
0xed: {  	v61 =	vor.u32 $0x1, v5;
	v4 =	vld.idx.msk [tilespmem:v6+s3+$0x0], $0xffff  }
0xee: {  	v7 =	vor.u32 $0x2, v2;
	_ =	sdelay $0x3  }
0xef: {  	[tilespmem:v61+s18+$0x0] =	vst.idx.add.f32.msk $0xffff, v4  }
0xf0: {  	v62 =	vor.u32 $0x2, v5;
	v4 =	vld.idx.msk [tilespmem:v7+s3+$0x0], $0xffff  }
0xf1: {  	v2 =	vor.u32 $0x3, v2;
	_ =	sdelay $0x3  }
0xf2: {  	[tilespmem:v62+s18+$0x0] =	vst.idx.add.f32.msk $0xffff, v4  }
0xf3: {  	v63 =	vor.u32 $0x3, v5;
	v2 =	vld.idx.msk [tilespmem:v2+s3+$0x0], $0xffff;
	_ =	sdelay $0x4  }
0xf4: {  	[tilespmem:v63+s18+$0x0] =	vst.idx.add.f32.msk $0xffff, v2  }
0xf5: {  	[tilespmem:v3+s19+$0x0] =	vst.idx.add.f32.msk $0xffff, v1  }
0xf6: {  	p0 =	seq.s32 s21, $0x50  }
.Ltmp4:
0xf7: {  	_ = 	snop;
	(pc) =	sbr.rel @!p0 .LBB2_7-.Ltmp4, $2  }
0xf8: {  	_ =	sdelay $0x2  }
0xf9: {  	s23 =	smov.u32 s21  }
0xfa: {  	s21 =	rddreg [dreg:$0x4]  }
0xfb: {  	[hbm4b:s21+s14] =	stream.strided.scatter [tilespmem:s18], [sflag:$0x2], $0x9E00, s15, s14, $0x38;
	[tilespmem:$0x18280] =	vst v63  }
0xfc: {  	_ =	swait.ge [sflag:s16], $0x9E00  }
0xfd: {  	[sflag:s16] =	ssyncset.done $0x0  }
0xfe: {  	s28 =	simm.s32 $0x0;
	s22 =	rddreg [dreg:$0x5];
	[sflag:s16] =	ssyncadd.s32 $0xFFFF6200  }
0xff: {  	[tilespmem:s28], [sflag:$0x2] =	stream.strided.gather [hbm4b:s22+s14], $0x9C80, s15, s14, $0x38;
	[tilespmem:$0x18280] =	vst v63  }
0x100: {  	_ =	swait.ge [sflag:s16], $0x9C80  }
0x101: {  	[sflag:s16] =	ssyncset.done $0x0  }
0x102: {  	s21 =	simm.s32 $0x40;
	s22 =	simm.s32 $0x0;
	[sflag:s16] =	ssyncadd.s32 $0xFFFF6380  }
.LBB2_13:
0x103: {  	p0 =	sne.s32 s21, $0x277C0;
	[tilespmem:s22+$0x9C80] =	vst v0;
	s22 =	smov.u32 s21;
	s21 =	sadd.s32 $0x40, s21  }
.Ltmp5:
0x104: {  	(pc) =	sbr.rel @p0 .LBB2_13-.Ltmp5, $2  }
0x105: {  	_ =	sdelay $0x2  }
0x106: {  	s22 =	sshra.s32 s22, $0x2  }
0x107: {  	[tilespmem:s22+$0x9C80] =	vst v0;
	s23 =	simm.s32 $0x0;
	s21 =	simm.s32 $0x16280  }
0x108: {  	[tilespmem:s21], [sflag:$0x1] =	stream.linear.gather [hbm4b:s2+s23], $0x80, $0x38;
	[tilespmem:$0x18280] =	vst v63  }
0x109: {  	s24 =	rddreg [dreg:$0x19];
	s25 =	simm.s32 $0x16380  }
0x10a: {  	[tilespmem:s25], [sflag:$0x1] =	stream.linear.gather [hbm4b:s24+s23], $0x80, $0x38;
	[tilespmem:$0x18280] =	vst v63  }
0x10b: {  	s26 =	simm.s32 $0x16480  }
0x10c: {  	[tilespmem:s26], [sflag:$0x1] =	stream.linear.gather [hbm4b:s29+s23], $0x80, $0x38;
	[tilespmem:$0x18280] =	vst v63  }
0x10d: {  	s28 =	simm.s32 $0x16580  }
0x10e: {  	[tilespmem:s28], [sflag:$0x1] =	stream.linear.gather [hbm4b:s30+s23], $0x80, $0x38;
	[tilespmem:$0x18280] =	vst v63  }
0x10f: {  	s22 =	simm.s32 $0x16680  }
0x110: {  	[tilespmem:s22], [sflag:$0x1] =	stream.linear.gather [hbm4b:s31+s23], $0x80, $0x38;
	[tilespmem:$0x18280] =	vst v63  }
0x111: {  	s24 =	simm.s32 $0x16780  }
0x112: {  	[tilespmem:s24], [sflag:$0x1] =	stream.linear.gather [hbm4b:s0+s23], $0x80, $0x38;
	[tilespmem:$0x18280] =	vst v63  }
0x113: {  	s25 =	simm.s32 $0x16880  }
0x114: {  	[tilespmem:s25], [sflag:$0x1] =	stream.linear.gather [hbm4b:s1+s23], $0x80, $0x38;
	[tilespmem:$0x18280] =	vst v63  }
0x115: {  	s26 =	simm.s32 $0x16980  }
0x116: {  	[tilespmem:s26], [sflag:$0x1] =	stream.linear.gather [hbm4b:s5+s23], $0x80, $0x38;
	[tilespmem:$0x18280] =	vst v63  }
0x117: {  	s28 =	simm.s32 $0x16A80  }
0x118: {  	[tilespmem:s28], [sflag:$0x1] =	stream.linear.gather [hbm4b:s6+s23], $0x80, $0x38;
	[tilespmem:$0x18280] =	vst v63  }
0x119: {  	s22 =	simm.s32 $0x16B80  }
0x11a: {  	[tilespmem:s22], [sflag:$0x1] =	stream.linear.gather [hbm4b:s7+s23], $0x80, $0x38;
	[tilespmem:$0x18280] =	vst v63  }
0x11b: {  	s24 =	simm.s32 $0x16C80  }
0x11c: {  	[tilespmem:s24], [sflag:$0x1] =	stream.linear.gather [hbm4b:s8+s23], $0x80, $0x38;
	[tilespmem:$0x18280] =	vst v63  }
0x11d: {  	s25 =	simm.s32 $0x16D80  }
0x11e: {  	[tilespmem:s25], [sflag:$0x1] =	stream.linear.gather [hbm4b:s9+s23], $0x80, $0x38;
	[tilespmem:$0x18280] =	vst v63  }
0x11f: {  	s26 =	simm.s32 $0x16E80  }
0x120: {  	[tilespmem:s26], [sflag:$0x1] =	stream.linear.gather [hbm4b:s10+s23], $0x80, $0x38;
	[tilespmem:$0x18280] =	vst v63  }
0x121: {  	s28 =	simm.s32 $0x16F80  }
0x122: {  	[tilespmem:s28], [sflag:$0x1] =	stream.linear.gather [hbm4b:s11+s23], $0x80, $0x38;
	[tilespmem:$0x18280] =	vst v63  }
0x123: {  	s22 =	simm.s32 $0x17080  }
0x124: {  	[tilespmem:s22], [sflag:$0x1] =	stream.linear.gather [hbm4b:s12+s23], $0x80, $0x38;
	[tilespmem:$0x18280] =	vst v63  }
0x125: {  	s24 =	simm.s32 $0x17180  }
0x126: {  	[tilespmem:s24], [sflag:$0x1] =	stream.linear.gather [hbm4b:s13+s23], $0x80, $0x38;
	[tilespmem:$0x18280] =	vst v63  }
0x127: {  	s25 =	simm.s32 $0x17280  }
0x128: {  	[tilespmem:s25], [sflag:$0x1] =	stream.linear.gather [hbm4b:s4+s23], $0x80, $0x38;
	[tilespmem:$0x18280] =	vst v63  }
0x129: {  	s26 =	rddreg [dreg:$0xa];
	s28 =	simm.s32 $0x17380  }
0x12a: {  	[tilespmem:s28], [sflag:$0x1] =	stream.linear.gather [hbm4b:s26+s23], $0x80, $0x38;
	[tilespmem:$0x18280] =	vst v63  }
0x12b: {  	s24 =	rddreg [dreg:$0xb];
	s25 =	simm.s32 $0x17480  }
0x12c: {  	[tilespmem:s25], [sflag:$0x1] =	stream.linear.gather [hbm4b:s24+s23], $0x80, $0x38;
	[tilespmem:$0x18280] =	vst v63  }
0x12d: {  	s26 =	rddreg [dreg:$0xc];
	s28 =	simm.s32 $0x17580  }
0x12e: {  	[tilespmem:s28], [sflag:$0x1] =	stream.linear.gather [hbm4b:s26+s23], $0x80, $0x38;
	[tilespmem:$0x18280] =	vst v63  }
0x12f: {  	s24 =	rddreg [dreg:$0xd];
	s25 =	simm.s32 $0x17680  }
0x130: {  	[tilespmem:s25], [sflag:$0x1] =	stream.linear.gather [hbm4b:s24+s23], $0x80, $0x38;
	[tilespmem:$0x18280] =	vst v63  }
0x131: {  	s26 =	rddreg [dreg:$0xe];
	s28 =	simm.s32 $0x17780  }
0x132: {  	[tilespmem:s28], [sflag:$0x1] =	stream.linear.gather [hbm4b:s26+s23], $0x80, $0x38;
	[tilespmem:$0x18280] =	vst v63  }
0x133: {  	s24 =	rddreg [dreg:$0xf];
	s25 =	simm.s32 $0x17880  }
0x134: {  	[tilespmem:s25], [sflag:$0x1] =	stream.linear.gather [hbm4b:s24+s23], $0x80, $0x38;
	[tilespmem:$0x18280] =	vst v63  }
0x135: {  	s26 =	rddreg [dreg:$0x10];
	s28 =	simm.s32 $0x17980  }
0x136: {  	[tilespmem:s28], [sflag:$0x1] =	stream.linear.gather [hbm4b:s26+s23], $0x80, $0x38;
	[tilespmem:$0x18280] =	vst v63  }
0x137: {  	s24 =	rddreg [dreg:$0x11];
	s25 =	simm.s32 $0x17A80  }
0x138: {  	[tilespmem:s25], [sflag:$0x1] =	stream.linear.gather [hbm4b:s24+s23], $0x80, $0x38;
	[tilespmem:$0x18280] =	vst v63  }
0x139: {  	s26 =	rddreg [dreg:$0x12];
	s28 =	simm.s32 $0x17B80  }
0x13a: {  	[tilespmem:s28], [sflag:$0x1] =	stream.linear.gather [hbm4b:s26+s23], $0x80, $0x38;
	[tilespmem:$0x18280] =	vst v63  }
0x13b: {  	s24 =	rddreg [dreg:$0x13];
	s25 =	simm.s32 $0x17C80  }
0x13c: {  	[tilespmem:s25], [sflag:$0x1] =	stream.linear.gather [hbm4b:s24+s23], $0x80, $0x38;
	[tilespmem:$0x18280] =	vst v63  }
0x13d: {  	s26 =	rddreg [dreg:$0x14];
	s28 =	simm.s32 $0x17D80  }
0x13e: {  	[tilespmem:s28], [sflag:$0x1] =	stream.linear.gather [hbm4b:s26+s23], $0x80, $0x38;
	[tilespmem:$0x18280] =	vst v63  }
0x13f: {  	s24 =	rddreg [dreg:$0x15];
	s25 =	simm.s32 $0x17E80  }
0x140: {  	[tilespmem:s25], [sflag:$0x1] =	stream.linear.gather [hbm4b:s24+s23], $0x80, $0x38;
	[tilespmem:$0x18280] =	vst v63  }
0x141: {  	s26 =	rddreg [dreg:$0x16];
	s28 =	simm.s32 $0x17F80  }
0x142: {  	[tilespmem:s28], [sflag:$0x1] =	stream.linear.gather [hbm4b:s26+s23], $0x80, $0x38;
	[tilespmem:$0x18280] =	vst v63  }
0x143: {  	s24 =	rddreg [dreg:$0x17];
	s25 =	simm.s32 $0x18080  }
0x144: {  	[tilespmem:s25], [sflag:$0x1] =	stream.linear.gather [hbm4b:s24+s23], $0x80, $0x38;
	[tilespmem:$0x18280] =	vst v63  }
0x145: {  	s26 =	rddreg [dreg:$0x18];
	s28 =	simm.s32 $0x18180  }
0x146: {  	[tilespmem:s28], [sflag:$0x1] =	stream.linear.gather [hbm4b:s26+s23], $0x80, $0x38;
	[tilespmem:$0x18280] =	vst v63  }
.LBB2_16:
0x147: {  	_ =	swait.ge [sflag:s17], $0x800;
	p0 =	seq.s32 s23, $0x4F  }
.Ltmp6:
0x148: {  	[sflag:s17] =	ssyncset.done $0x0;
	(pc) =	sbr.rel @p0 .LBB2_18-.Ltmp6, $4  }
0x149: {  	[sflag:s17] =	ssyncadd.s32 $0xFFFFF800  }
0x14a: {  	_ =	swait.ge [sflag:s17], $0x800  }
0x14b: {  	[sflag:s17] =	ssyncset.done $0x0  }
0x14c: {  	s21 =	sadd.s32 $0x1, s23;
	s22 =	simm.s32 $0x80;
	[sflag:s17] =	ssyncadd.s32 $0xFFFFF800  }
0x14d: {  	s22 =	sshll.u32 s23, $0x7  }
0x14e: {  	s22 =	sand.u32 $0x80, s22  }
0x14f: {  	s24 =	sshll.u32 s21, $0x8;
	s23 =	sxor.u32 $0x80, s22  }
0x150: {  	s26 =	sadd.s32 s2, s24;
	s25 =	sadd.s32 $0x16280, s23  }
0x151: {  	[tilespmem:s25], [sflag:$0x1] =	stream.linear.gather [hbm4b:s26+s3], $0x80, $0x38;
	[tilespmem:$0x18280] =	vst v63  }
0x152: {  	s28 =	sadd.s32 $0x16380, s23;
	s25 =	sadd.s32 $0x10, s26  }
0x153: {  	[tilespmem:s28], [sflag:$0x1] =	stream.linear.gather [hbm4b:s25+s3], $0x80, $0x38;
	[tilespmem:$0x18280] =	vst v63  }
0x154: {  	s25 =	sadd.s32 $0x20, s26;
	s28 =	sadd.s32 $0x16480, s23  }
0x155: {  	[tilespmem:s28], [sflag:$0x1] =	stream.linear.gather [hbm4b:s25+s3], $0x80, $0x38;
	[tilespmem:$0x18280] =	vst v63  }
0x156: {  	s25 =	sadd.s32 $0x30, s26;
	s28 =	sadd.s32 $0x16580, s23  }
0x157: {  	[tilespmem:s28], [sflag:$0x1] =	stream.linear.gather [hbm4b:s25+s3], $0x80, $0x38;
	[tilespmem:$0x18280] =	vst v63  }
0x158: {  	s25 =	sadd.s32 $0x40, s26;
	s28 =	sadd.s32 $0x16680, s23  }
0x159: {  	[tilespmem:s28], [sflag:$0x1] =	stream.linear.gather [hbm4b:s25+s3], $0x80, $0x38;
	[tilespmem:$0x18280] =	vst v63  }
0x15a: {  	s25 =	sadd.s32 $0x50, s26;
	s28 =	sadd.s32 $0x16780, s23  }
0x15b: {  	[tilespmem:s28], [sflag:$0x1] =	stream.linear.gather [hbm4b:s25+s3], $0x80, $0x38;
	[tilespmem:$0x18280] =	vst v63  }
0x15c: {  	s25 =	sadd.s32 $0x60, s26;
	s28 =	sadd.s32 $0x16880, s23  }
0x15d: {  	[tilespmem:s28], [sflag:$0x1] =	stream.linear.gather [hbm4b:s25+s3], $0x80, $0x38;
	[tilespmem:$0x18280] =	vst v63  }
0x15e: {  	s25 =	sadd.s32 $0x70, s26;
	s28 =	sadd.s32 $0x16980, s23  }
0x15f: {  	[tilespmem:s28], [sflag:$0x1] =	stream.linear.gather [hbm4b:s25+s3], $0x80, $0x38;
	[tilespmem:$0x18280] =	vst v63  }
0x160: {  	s25 =	sadd.s32 $0x80, s26;
	s28 =	sadd.s32 $0x16A80, s23  }
0x161: {  	[tilespmem:s28], [sflag:$0x1] =	stream.linear.gather [hbm4b:s25+s3], $0x80, $0x38;
	[tilespmem:$0x18280] =	vst v63  }
0x162: {  	s25 =	sadd.s32 $0x90, s26;
	s28 =	sadd.s32 $0x16B80, s23  }
0x163: {  	[tilespmem:s28], [sflag:$0x1] =	stream.linear.gather [hbm4b:s25+s3], $0x80, $0x38;
	[tilespmem:$0x18280] =	vst v63  }
0x164: {  	s25 =	sadd.s32 $0xA0, s26;
	s28 =	sadd.s32 $0x16C80, s23  }
0x165: {  	[tilespmem:s28], [sflag:$0x1] =	stream.linear.gather [hbm4b:s25+s3], $0x80, $0x38;
	[tilespmem:$0x18280] =	vst v63  }
0x166: {  	s25 =	sadd.s32 $0xB0, s26;
	s28 =	sadd.s32 $0x16D80, s23  }
0x167: {  	[tilespmem:s28], [sflag:$0x1] =	stream.linear.gather [hbm4b:s25+s3], $0x80, $0x38;
	[tilespmem:$0x18280] =	vst v63  }
0x168: {  	s25 =	sadd.s32 $0xC0, s26;
	s28 =	sadd.s32 $0x16E80, s23  }
0x169: {  	[tilespmem:s28], [sflag:$0x1] =	stream.linear.gather [hbm4b:s25+s3], $0x80, $0x38;
	[tilespmem:$0x18280] =	vst v63  }
0x16a: {  	s25 =	sadd.s32 $0xD0, s26;
	s28 =	sadd.s32 $0x16F80, s23  }
0x16b: {  	[tilespmem:s28], [sflag:$0x1] =	stream.linear.gather [hbm4b:s25+s3], $0x80, $0x38;
	[tilespmem:$0x18280] =	vst v63  }
0x16c: {  	s25 =	sadd.s32 $0xE0, s26;
	s28 =	sadd.s32 $0x17080, s23  }
0x16d: {  	[tilespmem:s28], [sflag:$0x1] =	stream.linear.gather [hbm4b:s25+s3], $0x80, $0x38;
	[tilespmem:$0x18280] =	vst v63  }
0x16e: {  	s26 =	sadd.s32 $0xF0, s26;
	s28 =	sadd.s32 $0x17180, s23  }
0x16f: {  	[tilespmem:s28], [sflag:$0x1] =	stream.linear.gather [hbm4b:s26+s3], $0x80, $0x38;
	[tilespmem:$0x18280] =	vst v63  }
0x170: {  	s24 =	sadd.s32 s4, s24;
	s28 =	sadd.s32 $0x17280, s23  }
0x171: {  	[tilespmem:s28], [sflag:$0x1] =	stream.linear.gather [hbm4b:s24+s3], $0x80, $0x38;
	[tilespmem:$0x18280] =	vst v63  }
0x172: {  	s26 =	sadd.s32 $0x10, s24;
	s28 =	sadd.s32 $0x17380, s23  }
0x173: {  	[tilespmem:s28], [sflag:$0x1] =	stream.linear.gather [hbm4b:s26+s3], $0x80, $0x38;
	[tilespmem:$0x18280] =	vst v63  }
0x174: {  	s26 =	sadd.s32 $0x20, s24;
	s28 =	sadd.s32 $0x17480, s23  }
0x175: {  	[tilespmem:s28], [sflag:$0x1] =	stream.linear.gather [hbm4b:s26+s3], $0x80, $0x38;
	[tilespmem:$0x18280] =	vst v63  }
0x176: {  	s26 =	sadd.s32 $0x30, s24;
	s28 =	sadd.s32 $0x17580, s23  }
0x177: {  	[tilespmem:s28], [sflag:$0x1] =	stream.linear.gather [hbm4b:s26+s3], $0x80, $0x38;
	[tilespmem:$0x18280] =	vst v63  }
0x178: {  	s26 =	sadd.s32 $0x40, s24;
	s28 =	sadd.s32 $0x17680, s23  }
0x179: {  	[tilespmem:s28], [sflag:$0x1] =	stream.linear.gather [hbm4b:s26+s3], $0x80, $0x38;
	[tilespmem:$0x18280] =	vst v63  }
0x17a: {  	s26 =	sadd.s32 $0x50, s24;
	s28 =	sadd.s32 $0x17780, s23  }
0x17b: {  	[tilespmem:s28], [sflag:$0x1] =	stream.linear.gather [hbm4b:s26+s3], $0x80, $0x38;
	[tilespmem:$0x18280] =	vst v63  }
0x17c: {  	s26 =	sadd.s32 $0x60, s24;
	s28 =	sadd.s32 $0x17880, s23  }
0x17d: {  	[tilespmem:s28], [sflag:$0x1] =	stream.linear.gather [hbm4b:s26+s3], $0x80, $0x38;
	[tilespmem:$0x18280] =	vst v63  }
0x17e: {  	s26 =	sadd.s32 $0x70, s24;
	s28 =	sadd.s32 $0x17980, s23  }
0x17f: {  	[tilespmem:s28], [sflag:$0x1] =	stream.linear.gather [hbm4b:s26+s3], $0x80, $0x38;
	[tilespmem:$0x18280] =	vst v63  }
0x180: {  	s26 =	sadd.s32 $0x80, s24;
	s28 =	sadd.s32 $0x17A80, s23  }
0x181: {  	[tilespmem:s28], [sflag:$0x1] =	stream.linear.gather [hbm4b:s26+s3], $0x80, $0x38;
	[tilespmem:$0x18280] =	vst v63  }
0x182: {  	s26 =	sadd.s32 $0x90, s24;
	s28 =	sadd.s32 $0x17B80, s23  }
0x183: {  	[tilespmem:s28], [sflag:$0x1] =	stream.linear.gather [hbm4b:s26+s3], $0x80, $0x38;
	[tilespmem:$0x18280] =	vst v63  }
0x184: {  	s26 =	sadd.s32 $0xA0, s24;
	s28 =	sadd.s32 $0x17C80, s23  }
0x185: {  	[tilespmem:s28], [sflag:$0x1] =	stream.linear.gather [hbm4b:s26+s3], $0x80, $0x38;
	[tilespmem:$0x18280] =	vst v63  }
0x186: {  	s26 =	sadd.s32 $0xB0, s24;
	s28 =	sadd.s32 $0x17D80, s23  }
0x187: {  	[tilespmem:s28], [sflag:$0x1] =	stream.linear.gather [hbm4b:s26+s3], $0x80, $0x38;
	[tilespmem:$0x18280] =	vst v63  }
0x188: {  	s26 =	sadd.s32 $0xC0, s24;
	s28 =	sadd.s32 $0x17E80, s23  }
0x189: {  	[tilespmem:s28], [sflag:$0x1] =	stream.linear.gather [hbm4b:s26+s3], $0x80, $0x38;
	[tilespmem:$0x18280] =	vst v63  }
0x18a: {  	s26 =	sadd.s32 $0xD0, s24;
	s28 =	sadd.s32 $0x17F80, s23  }
0x18b: {  	[tilespmem:s28], [sflag:$0x1] =	stream.linear.gather [hbm4b:s26+s3], $0x80, $0x38;
	[tilespmem:$0x18280] =	vst v63  }
0x18c: {  	s26 =	sadd.s32 $0xE0, s24;
	s28 =	sadd.s32 $0x18080, s23  }
0x18d: {  	[tilespmem:s28], [sflag:$0x1] =	stream.linear.gather [hbm4b:s26+s3], $0x80, $0x38;
	[tilespmem:$0x18280] =	vst v63  }
0x18e: {  	s24 =	sadd.s32 $0xF0, s24;
	s23 =	sadd.s32 $0x18180, s23  }
0x18f: {  	[tilespmem:s23], [sflag:$0x1] =	stream.linear.gather [hbm4b:s24+s3], $0x80, $0x38;
	[tilespmem:$0x18280] =	vst v63  }
.LBB2_18:
0x190: {  	s23 =	simm.s32 $0x0  }
0x191: {  	s24 =	sand.u32 $0xF00, s23  }
0x192: {  	s23 =	sand.u32 $0x70, s23;
	s24 =	sor.u32 s22, s24  }
0x193: {  	s23 =	sor.u32 s23, s24  }
0x194: {  	v2 =	vld [tilespmem:s23+$0x16280];
	_ =	sdelay $0x4  }
0x195: {  	v3 =	vld [tilespmem:s23+$0x17280];
	v2 =	vshll.u32 v2, $0x2;
	_ =	sdelay $0x4  }
0x196: {  	v3 =	vshll.u32 v3, $0x2;
	v4 =	vld.idx.msk [tilespmem:v2+s3+$0x0], $0xffff  }
0x197: {  	v5 =	vor.u32 $0x1, v2;
	_ =	sdelay $0x3  }
0x198: {  	[tilespmem:v3+s18+$0x0] =	vst.idx.add.f32.msk $0xffff, v4  }
0x199: {  	v4 =	vld.idx.msk [tilespmem:v5+s3+$0x0], $0xffff;
	v5 =	vor.u32 $0x1, v3  }
0x19a: {  	v6 =	vor.u32 $0x2, v2;
	_ =	sdelay $0x3  }
0x19b: {  	[tilespmem:v5+s18+$0x0] =	vst.idx.add.f32.msk $0xffff, v4  }
0x19c: {  	v5 =	vor.u32 $0x2, v3;
	v4 =	vld.idx.msk [tilespmem:v6+s3+$0x0], $0xffff  }
0x19d: {  	v2 =	vor.u32 $0x3, v2;
	_ =	sdelay $0x3  }
0x19e: {  	[tilespmem:v5+s18+$0x0] =	vst.idx.add.f32.msk $0xffff, v4  }
0x19f: {  	v3 =	vor.u32 $0x3, v3;
	v2 =	vld.idx.msk [tilespmem:v2+s3+$0x0], $0xffff  }
0x1a0: {  	s23 =	simm.s32 $0x20  }
0x1a1: {  	s25 =	simm.s32 $0x10;
	s26 =	sand.u32 $0xF00, s23  }
0x1a2: {  	s25 =	sand.u32 $0x70, s25;
	s24 =	simm.s32 $0x20;
	s26 =	sor.u32 s22, s26  }
.LBB2_19:
0x1a3: {  	p0 =	seq.s32 s24, $0x7F0  }
0x1a4: {  	s25 =	sor.u32 s25, s26;
	[tilespmem:v3+s18+$0x0] =	vst.idx.add.f32.msk $0xffff, v2;
	s26 =	smov.u32 s24;
	s24 =	sadd.s32 $0x10, s24  }
0x1a5: {  	v2 =	vld [tilespmem:s25+$0x16280];
	_ =	sdelay $0x4  }
0x1a6: {  	v2 =	vshll.u32 v2, $0x2  }
0x1a7: {  	v3 =	vld [tilespmem:s25+$0x17280];
	_ =	sdelay $0x3  }
0x1a8: {  	v4 =	vld.idx.msk [tilespmem:v2+s3+$0x0], $0xffff  }
0x1a9: {  	v3 =	vshll.u32 v3, $0x2  }
0x1aa: {  	v5 =	vor.u32 $0x1, v2;
	_ =	sdelay $0x3  }
0x1ab: {  	[tilespmem:v3+s18+$0x0] =	vst.idx.add.f32.msk $0xffff, v4  }
0x1ac: {  	v4 =	vld.idx.msk [tilespmem:v5+s3+$0x0], $0xffff  }
0x1ad: {  	v5 =	vor.u32 $0x1, v3  }
0x1ae: {  	v6 =	vor.u32 $0x2, v2;
	_ =	sdelay $0x3  }
0x1af: {  	[tilespmem:v5+s18+$0x0] =	vst.idx.add.f32.msk $0xffff, v4  }
0x1b0: {  	v4 =	vld.idx.msk [tilespmem:v6+s3+$0x0], $0xffff  }
0x1b1: {  	v5 =	vor.u32 $0x2, v3  }
0x1b2: {  	v2 =	vor.u32 $0x3, v2;
	_ =	sdelay $0x3  }
0x1b3: {  	[tilespmem:v5+s18+$0x0] =	vst.idx.add.f32.msk $0xffff, v4  }
0x1b4: {  	v2 =	vld.idx.msk [tilespmem:v2+s3+$0x0], $0xffff  }
.Ltmp7:
0x1b5: {  	v3 =	vor.u32 $0x3, v3;
	(pc) =	sbr.rel @!p0 .LBB2_19-.Ltmp7, $4  }
0x1b6: {  	_ = 	snop  }
0x1b7: {  	s23 =	sadd.s32 $0x20, s23  }
0x1b8: {  	s28 =	sand.u32 $0xF00, s23  }
0x1b9: {  	s25 =	sand.u32 $0x70, s26;
	s26 =	sor.u32 s22, s28  }
0x1ba: {  	_ =	sdelay $0x3  }
0x1bb: {  	s22 =	sor.u32 s25, s26;
	[tilespmem:v3+s18+$0x0] =	vst.idx.add.f32.msk $0xffff, v2  }
0x1bc: {  	v2 =	vld [tilespmem:s22+$0x16280];
	_ =	sdelay $0x4  }
0x1bd: {  	v3 =	vld [tilespmem:s22+$0x17280];
	v2 =	vshll.u32 v2, $0x2;
	_ =	sdelay $0x4  }
0x1be: {  	v3 =	vshll.u32 v3, $0x2;
	v4 =	vld.idx.msk [tilespmem:v2+s3+$0x0], $0xffff  }
0x1bf: {  	v5 =	vor.u32 $0x1, v2;
	_ =	sdelay $0x3  }
0x1c0: {  	[tilespmem:v3+s18+$0x0] =	vst.idx.add.f32.msk $0xffff, v4  }
0x1c1: {  	v62 =	vor.u32 $0x1, v3;
	v4 =	vld.idx.msk [tilespmem:v5+s3+$0x0], $0xffff  }
0x1c2: {  	v6 =	vor.u32 $0x2, v2;
	_ =	sdelay $0x3  }
0x1c3: {  	[tilespmem:v62+s18+$0x0] =	vst.idx.add.f32.msk $0xffff, v4  }
0x1c4: {  	v63 =	vor.u32 $0x2, v3;
	v4 =	vld.idx.msk [tilespmem:v6+s3+$0x0], $0xffff  }
0x1c5: {  	v2 =	vor.u32 $0x3, v2;
	_ =	sdelay $0x3  }
0x1c6: {  	[tilespmem:v63+s18+$0x0] =	vst.idx.add.f32.msk $0xffff, v4  }
0x1c7: {  	v3 =	vor.u32 $0x3, v3;
	v2 =	vld.idx.msk [tilespmem:v2+s3+$0x0], $0xffff;
	_ =	sdelay $0x4  }
0x1c8: {  	[tilespmem:v3+s18+$0x0] =	vst.idx.add.f32.msk $0xffff, v2  }
0x1c9: {  	p0 =	seq.s32 s21, $0x50  }
.Ltmp8:
0x1ca: {  	_ = 	snop;
	(pc) =	sbr.rel @!p0 .LBB2_16-.Ltmp8, $2  }
0x1cb: {  	_ =	sdelay $0x2  }
0x1cc: {  	s23 =	smov.u32 s21  }
0x1cd: {  	s21 =	rddreg [dreg:$0x6]  }
0x1ce: {  	[hbm4b:s21+s14] =	stream.strided.scatter [tilespmem:s18], [sflag:$0x2], $0x9E00, s15, s14, $0x38;
	[tilespmem:$0x18280] =	vst v63  }
0x1cf: {  	_ =	swait.ge [sflag:s16], $0x9E00  }
0x1d0: {  	[sflag:s16] =	ssyncset.done $0x0;
	s26 =	rddreg [dreg:$0x7]  }
0x1d1: {  	s22 =	rddreg [dreg:$0x8];
	[sflag:s16] =	ssyncadd.s32 $0xFFFF6200  }
0x1d2: {  	[hbm4b:s26+s3] =	stream.linear.scatter [tilespmem:s22], [sflag:$0x2], $0x140, $0x38;
	[tilespmem:$0x18280] =	vst v63  }
0x1d3: {  	_ =	swait.ge [sflag:s16], $0x140  }
0x1d4: {  	s20 =	sadd.s32 $0x1, s20;
	s28 =	rddreg [dreg:$0x9]  }
0x1d5: {  	p0 =	sne.s32 s20, s28  }
.Ltmp9:
0x1d6: {  	_ = 	snop;
	(pc) =	sbr.rel @p0 .LBB2_1-.Ltmp9, $3  }
0x1d7: {  	_ =	sdelay $0x1  }
0x1d8: {  	[sflag:s16] =	ssyncset.done $0x0  }
0x1d9: {  	[sflag:s16] =	ssyncadd.s32 $0xFFFFFEC0  }
0x1da: {  	_ =	sfence.sel $0x180000  }
0x1db: {  	[bflag:$0x0] =	sbarrier.arrive $0xFFFF  }
0x1dc: {  	_ =	strace $0x90000047  }
0x1dd: {  	s0 =	stileid.u32;
	[bflag:$0x2] =	sbarrier.arrive $0xFFFF  }
0x1de: {  	p0 =	sne.s32 s0, $0x0;
	s0 =	rddreg [dreg:$0x2]  }
0x1df: {  	s0 =	sadd.s32 @!p0 $0x100000, s0  }
0x1e0: {  	[sflag:s0] =	ssyncadd.tile.s32 @!p0 $0x1;
	_ =	shalt  }
.Lfunc_end2:
_tile_overlayer_lowered:
.L_overlay_start_2:
0x1e1: {  	(tag) =	ssettag $0x2  }
0x1e2: {  	s0 =	rddreg [dreg:$0x0];
	s2 =	stileid.u32  }
0x1e3: {  	s1 =	rddreg [dreg:$0x1];
	p0 =	sne.s32 s2, $0x0  }
0x1e4: {  	s3 =	rddreg [dreg:$0x2];
	[bflag:$0x3] =	sbarrier.arrive $0xFFFF;
	s2 =	simm.s32 @!p0 $0x1C02  }
0x1e5: {  	[timem:s3], [sflag:s2] =	dma.local @!p0 [hbm:s0], s1  }
0x1e6: {  	s0 =	simm.s32 @!p0 $0x2  }
0x1e7: {  	_ =	swait.ge @!p0 [sflag:s0], s1  }
0x1e8: {  	s1 =	ssub.s32 @!p0 $0x0, s1;
	[sflag:s0] =	ssyncset.done @!p0 $0x0  }
0x1e9: {  	[sflag:s0] =	ssyncadd.s32 @!p0 s1  }
0x1ea: {  	[bflag:$0x3] =	sbarrier.arrive $0xFFFF  }
0x1eb: {  	_ =	shalt  }

</sc_bundles>
